<compile_context>
chip_gen: v7x
topology: tpu7x:2x2x1
jax: 0.10.2.dev20260603
libtpu: 0.0.44.dev20260713+nightly
codegen_flags: <defaults>
</compile_context>

<pallas_src>
import jax
import jax.numpy as jnp
from jax import lax
from jax.experimental import pallas as pl
from jax.experimental.pallas import tpu as pltpu
from jax.experimental.pallas import tpu_sc as plsc

N = 10000
D = 128
N_PAD = 10240
TRASH = N
NC, NS = 2, 16
NW = NC * NS
CHUNK = 128
ROWS_PER_TILE = N_PAD // NS
BLK = 1024


def _fill_rows(aux, buf):
    def body(r, carry):
        pltpu.sync_copy(aux.at[0], buf.at[r])
        return carry

    lax.fori_loop(0, buf.shape[0], body, 0)


def _degree_body(src3, dst3, hs_out, hd_out, sidx, didx, hist_s, hist_d):
    c = lax.axis_index("c")
    s = lax.axis_index("s")
    wid = c * NS + s
    nchunks = sidx.shape[0]
    pltpu.sync_copy(src3.at[wid], sidx)
    pltpu.sync_copy(dst3.at[wid], didx)

    def zbody(i, carry):
        hist_s[pl.ds(i * 16, 16)] = jnp.zeros((16,), jnp.float32)
        hist_d[pl.ds(i * 16, 16)] = jnp.zeros((16,), jnp.float32)
        return carry

    lax.fori_loop(0, N_PAD // 16, zbody, 0)

    def body(j, carry):
        for k in range(CHUNK // 16):
            v = sidx[j, pl.ds(k * 16, 16)]
            cnt, last = plsc.scan_count(v)
            plsc.addupdate_scatter(hist_s, [v], cnt.astype(jnp.float32),
                                   mask=last)
            w = didx[j, pl.ds(k * 16, 16)]
            cnt2, last2 = plsc.scan_count(w)
            plsc.addupdate_scatter(hist_d, [w], cnt2.astype(jnp.float32),
                                   mask=last2)
        return carry

    lax.fori_loop(0, nchunks, body, 0)
    pltpu.sync_copy(hist_s, hs_out.at[wid])
    pltpu.sync_copy(hist_d, hd_out.at[wid])


PH = 16


def _agg_body(h, src3, dst3, aux, aggp,
              sidx, didx, rows0, rows1, agg_sh, gsem0, gsem1, asem0, asem1):
    c = lax.axis_index("c")
    s = lax.axis_index("s")
    wid = c * NS + s
    nchunks = src3.shape[1]
    r0 = s * ROWS_PER_TILE
    _fill_rows(aux, rows0)
    for t in range(ROWS_PER_TILE // CHUNK):
        pltpu.async_copy(rows0, agg_sh.at[pl.ds(r0 + t * CHUNK, CHUNK)],
                         gsem0)
    for t in range(ROWS_PER_TILE // CHUNK):
        pltpu.make_async_copy(rows0,
                              agg_sh.at[pl.ds(r0 + t * CHUNK, CHUNK)],
                              gsem0).wait()
    plsc.subcore_barrier()

    def phase_body(ph, carry):
        base = ph * PH
        pltpu.sync_copy(src3.at[wid].at[pl.ds(base, PH)], sidx)
        pltpu.sync_copy(dst3.at[wid].at[pl.ds(base, PH)], didx)
        pltpu.async_copy(h.at[sidx.at[0]], rows0, gsem0)
        pltpu.async_copy(h.at[sidx.at[1]], rows1, gsem1)

        def body(p, c2):
            j0 = 2 * p
            j1 = j0 + 1
            pltpu.make_async_copy(h.at[sidx.at[j0]], rows0, gsem0).wait()
            pltpu.async_copy(rows0, agg_sh.at[didx.at[j0]], asem0, add=True)
            pltpu.make_async_copy(h.at[sidx.at[j1]], rows1, gsem1).wait()
            pltpu.async_copy(rows1, agg_sh.at[didx.at[j1]], asem1, add=True)
            pltpu.make_async_copy(rows0, agg_sh.at[didx.at[j0]], asem0).wait()
            pltpu.make_async_copy(rows1, agg_sh.at[didx.at[j1]], asem1).wait()

            @pl.when(p + 1 < PH // 2)
            def _():
                pltpu.async_copy(h.at[sidx.at[j0 + 2]], rows0, gsem0)
                pltpu.async_copy(h.at[sidx.at[j1 + 2]], rows1, gsem1)

            return c2

        lax.fori_loop(0, PH // 2, body, 0)
        return carry

    lax.fori_loop(0, nchunks // PH, phase_body, 0)
    plsc.subcore_barrier()
    pltpu.sync_copy(agg_sh.at[pl.ds(r0, ROWS_PER_TILE)],
                    aggp.at[c].at[pl.ds(r0, ROWS_PER_TILE)])


def _mm_norm_body(hs_ref, x_ref, w_ref, o_ref):
    degs = jnp.sum(hs_ref[...], axis=0)
    norm = lax.rsqrt(jnp.maximum(degs, 1.0))
    o_ref[...] = jnp.dot(x_ref[...], w_ref[...],
                         preferred_element_type=jnp.float32) * norm[:, None]


def _mid_body(aggp_ref, hs_ref, hd_ref, b_ref, w_ref, o_ref):
    nd = lax.rsqrt(jnp.maximum(jnp.sum(hd_ref[...], axis=0), 1.0))
    ns = lax.rsqrt(jnp.maximum(jnp.sum(hs_ref[...], axis=0), 1.0))
    agg = aggp_ref[0] + aggp_ref[1]
    g = jnp.maximum(agg * nd[:, None] + b_ref[...], 0.0)
    o_ref[...] = jnp.dot(g, w_ref[...],
                         preferred_element_type=jnp.float32) * ns[:, None]


def _fin_body(aggp_ref, hd_ref, b_ref, o_ref):
    nd = lax.rsqrt(jnp.maximum(jnp.sum(hd_ref[...], axis=0), 1.0))
    o_ref[...] = (aggp_ref[0] + aggp_ref[1]) * nd[:, None] + b_ref[...]


def kernel(x, edge_index, W1, b1, W2, b2):
    mesh = plsc.VectorSubcoreMesh(core_axis_name="c", subcore_axis_name="s")
    src = edge_index[0].astype(jnp.int32)
    dst = edge_index[1].astype(jnp.int32)
    e0 = src.shape[0]
    ch = -(-e0 // (NW * CHUNK))
    ch = -(-ch // PH) * PH
    e_pad = NW * ch * CHUNK
    pad = TRASH + (jnp.arange(e_pad - e0, dtype=jnp.int32) % (N_PAD - N))
    src3 = jnp.concatenate([src, pad]).reshape(NW, ch, CHUNK)
    dst3 = jnp.concatenate([dst, pad]).reshape(NW, ch, CHUNK)
    x_pad = jnp.zeros((N_PAD, D), jnp.float32).at[:N].set(x)
    aux = jnp.zeros((1, D), jnp.float32)

    deg_call = pl.kernel(
        _degree_body,
        out_type=(jax.ShapeDtypeStruct((NW, N_PAD), jnp.float32),
                  jax.ShapeDtypeStruct((NW, N_PAD), jnp.float32)),
        mesh=mesh,
        scratch_types=[pltpu.VMEM((ch, CHUNK), jnp.int32),
                       pltpu.VMEM((ch, CHUNK), jnp.int32),
                       pltpu.VMEM((N_PAD,), jnp.float32),
                       pltpu.VMEM((N_PAD,), jnp.float32)],
        compiler_params=pltpu.CompilerParams(needs_layout_passes=False),
    )
    agg_call = pl.kernel(
        _agg_body,
        out_type=jax.ShapeDtypeStruct((NC, N_PAD, D), jnp.float32),
        mesh=mesh,
        scratch_types=[pltpu.VMEM((PH, CHUNK), jnp.int32),
                       pltpu.VMEM((PH, CHUNK), jnp.int32),
                       pltpu.VMEM((CHUNK, D), jnp.float32),
                       pltpu.VMEM((CHUNK, D), jnp.float32),
                       pltpu.VMEM_SHARED((N_PAD, D), jnp.float32),
                       pltpu.SemaphoreType.DMA,
                       pltpu.SemaphoreType.DMA,
                       pltpu.SemaphoreType.DMA,
                       pltpu.SemaphoreType.DMA],
    )

    hs_p, hd_p = deg_call(src3, dst3)

    grid = (N_PAD // BLK,)
    hist_spec = pl.BlockSpec((NW, BLK), lambda i: (0, i))
    row_spec = pl.BlockSpec((BLK, D), lambda i: (i, 0))
    w_spec = pl.BlockSpec((D, D), lambda i: (0, 0))
    b_spec = pl.BlockSpec((1, D), lambda i: (0, 0))
    agg_spec = pl.BlockSpec((2, BLK, D), lambda i: (0, i, 0))
    out_sds = jax.ShapeDtypeStruct((N_PAD, D), jnp.float32)

    h1 = pl.pallas_call(
        _mm_norm_body, grid=grid,
        in_specs=[hist_spec, row_spec, w_spec],
        out_specs=row_spec, out_shape=out_sds,
    )(hs_p, x_pad, W1)

    agg1 = agg_call(h1, src3, dst3, aux)

    h2 = pl.pallas_call(
        _mid_body, grid=grid,
        in_specs=[agg_spec, hist_spec, hist_spec, b_spec, w_spec],
        out_specs=row_spec, out_shape=out_sds,
    )(agg1, hs_p, hd_p, b1.reshape(1, D), W2)

    agg2 = agg_call(h2, src3, dst3, aux)

    out = pl.pallas_call(
        _fin_body, grid=grid,
        in_specs=[agg_spec, hist_spec, b_spec],
        out_specs=row_spec, out_shape=out_sds,
    )(agg2, hd_p, b2.reshape(1, D))

    return out[:N]

# --- scband reference (transcript-rebuilt; emitter-appended) ---
"""Pipeline reference for scband-gnn-36215164240659 (READ-ONLY COPY).

The authoritative reference and input builder live on the scoring server;
editing this copy changes nothing except your own understanding.
"""

import jax, jax.numpy as jnp
import numpy as np

N = 10000
E = 320000
D_IN = 128
D_HID = 128
D_OUT = 128


def graph_conv(x, W, b, src, dst, n_nodes):
    # DGL GraphConv with norm='both': out = D_dst^{-1/2} * A^T * (D_src^{-1/2} * (x W)) + b
    ones = jnp.ones((src.shape[0],), dtype=x.dtype)
    deg_out = jax.ops.segment_sum(ones, src, num_segments=n_nodes)
    deg_in = jax.ops.segment_sum(ones, dst, num_segments=n_nodes)
    norm_src = jax.lax.rsqrt(jnp.clip(deg_out, 1.0, None))
    norm_dst = jax.lax.rsqrt(jnp.clip(deg_in, 1.0, None))
    h = x @ W
    h = h * norm_src[:, None]
    msg = jnp.take(h, src, axis=0)
    agg = jax.ops.segment_sum(msg, dst, num_segments=n_nodes)
    agg = agg * norm_dst[:, None]
    return agg + b


def setup_inputs(seed: int = 0):
    key = jax.random.key(seed)
    ks = jax.random.split(key, 6)
    x = jax.random.normal(ks[0], (N, D_IN), dtype=jnp.float32)
    edge_index = jax.random.randint(ks[1], (2, E), 0, N)
    W1 = jax.random.normal(ks[2], (D_IN, D_HID), dtype=jnp.float32) * 0.05
    b1 = jnp.zeros((D_HID,), dtype=jnp.float32)
    W2 = jax.random.normal(ks[3], (D_HID, D_OUT), dtype=jnp.float32) * 0.05
    b2 = jnp.zeros((D_OUT,), dtype=jnp.float32)
    return {"x": x, "edge_index": edge_index, "W1": W1, "b1": b1, "W2": W2, "b2": b2}


def reference(x, edge_index, W1, b1, W2, b2):
    src = edge_index[0]
    dst = edge_index[1]
    h = graph_conv(x, W1, b1, src, dst, N)
    h = jax.nn.relu(h)
    h = graph_conv(h, W2, b2, src, dst, N)
    return h

if __name__ == "__main__":
    import jax
    _d = setup_inputs()
    print(jax.jit(kernel)(*tuple(_d.values())))

</pallas_src>

<mosaic_0001>
#map = affine_map<(d0, d1) -> (0, 0)>
#map1 = affine_map<(d0, d1) -> (0, 0, 0)>
module attributes {stable_mosaic.version = 14 : i64} {
  func.func @_agg_body(%arg0: i32, %arg1: i32, %arg2: memref<10240x128xf32, #tpu.memory_space<hbm>>, %arg3: memref<32x80x128xi32, #tpu.memory_space<hbm>>, %arg4: memref<32x80x128xi32, #tpu.memory_space<hbm>>, %arg5: memref<1x128xf32, #tpu.memory_space<hbm>>, %arg6: memref<2x10240x128xf32, #tpu.memory_space<hbm>>, %arg7: memref<16x128xi32, #tpu.memory_space<vmem>>, %arg8: memref<16x128xi32, #tpu.memory_space<vmem>>, %arg9: memref<128x128xf32, #tpu.memory_space<vmem>>, %arg10: memref<128x128xf32, #tpu.memory_space<vmem>>, %arg11: memref<10240x128xf32, #tpu.memory_space<vmem_shared>>, %arg12: memref<!tpu.dma_semaphore, #tpu.memory_space<semaphore_mem>>, %arg13: memref<!tpu.dma_semaphore, #tpu.memory_space<semaphore_mem>>, %arg14: memref<!tpu.dma_semaphore, #tpu.memory_space<semaphore_mem>>, %arg15: memref<!tpu.dma_semaphore, #tpu.memory_space<semaphore_mem>>) attributes {dimension_semantics = [#tpu.dimension_semantics<core_parallel>, #tpu.dimension_semantics<subcore_parallel>], iteration_bounds = array<i64: 2, 16>, scalar_prefetch = 0 : i64, scratch_operands = 9 : i64, tpu.core_type = #tpu.core_type<sc_vector_subcore>, window_params = [{transform_indices = #map}, {transform_indices = #map1}, {transform_indices = #map1}, {transform_indices = #map}, {transform_indices = #map1}]} {
    %mul3A = arith.constant 16 : i32
    %mul3A_0 = arith.muli %arg0, %mul3A : i32
    %add3A = arith.addi %mul3A_0, %arg1 : i32
    %mul3A_1 = arith.constant 640 : i32
    %mul3A_2 = arith.muli %arg1, %mul3A_1 : i32
    %scan3A = arith.constant 0 : i32
    %scan3A_3 = arith.constant 0 : i32
    %scan3A_4 = arith.constant 128 : i32
    %scan3A_5 = arith.addi %scan3A_3, %scan3A_4 : i32
    %scan3A_6 = arith.constant 1 : i32
    scf.for %scan3A_73 = %scan3A_3 to %scan3A_5 step %scan3A_6  : i32 {
      %run_scoped3A = arith.constant 0 : i32
      "tpu.region"() ({
        %run_scoped3A_74 = tpu.sem_alloc : memref<!tpu.dma_semaphore, #tpu.memory_space<semaphore_mem>>
        %dma_start3A_75 = arith.constant 0 : i32
        %dma_start3A_76 = tpu.memref_slice %arg9[%scan3A_73, %dma_start3A_75] : memref<128x128xf32, #tpu.memory_space<vmem>> -> memref<1x128xf32, #tpu.memory_space<vmem>>
        %dma_start3A_77 = tpu.memref_squeeze %dma_start3A_76 : memref<1x128xf32, #tpu.memory_space<vmem>> -> memref<128xf32, #tpu.memory_space<vmem>>
        %dma_start3A_78 = arith.constant 0 : i32
        %dma_start3A_79 = tpu.memref_slice %arg5[%run_scoped3A, %dma_start3A_78] : memref<1x128xf32, #tpu.memory_space<hbm>> -> memref<1x128xf32, #tpu.memory_space<hbm>>
        %dma_start3A_80 = tpu.memref_squeeze %dma_start3A_79 : memref<1x128xf32, #tpu.memory_space<hbm>> -> memref<128xf32, #tpu.memory_space<hbm>>
        %dma_start3A_81 = arith.constant 0 : i32
        %dma_start3A_82 = tpu.memref_slice %arg9[%scan3A_73, %dma_start3A_81] : memref<128x128xf32, #tpu.memory_space<vmem>> -> memref<1x128xf32, #tpu.memory_space<vmem>>
        %dma_start3A_83 = tpu.memref_squeeze %dma_start3A_82 : memref<1x128xf32, #tpu.memory_space<vmem>> -> memref<128xf32, #tpu.memory_space<vmem>>
        %dma_start3A_84 = arith.constant 0 : i32
        %dma_start3A_85 = tpu.memref_slice %arg5[%run_scoped3A, %dma_start3A_84] : memref<1x128xf32, #tpu.memory_space<hbm>> -> memref<1x128xf32, #tpu.memory_space<hbm>>
        %dma_start3A_86 = tpu.memref_squeeze %dma_start3A_85 : memref<1x128xf32, #tpu.memory_space<hbm>> -> memref<128xf32, #tpu.memory_space<hbm>>
        tpu.enqueue_dma source(%dma_start3A_86 : memref<128xf32, #tpu.memory_space<hbm>>) target(%dma_start3A_83 : memref<128xf32, #tpu.memory_space<vmem>>) target_semaphore(%run_scoped3A_74 : memref<!tpu.dma_semaphore, #tpu.memory_space<semaphore_mem>>)
        %dma_wait3A_87 = arith.constant 0 : i32
        %dma_wait3A_88 = tpu.memref_slice %arg9[%scan3A_73, %dma_wait3A_87] : memref<128x128xf32, #tpu.memory_space<vmem>> -> memref<1x128xf32, #tpu.memory_space<vmem>>
        %dma_wait3A_89 = tpu.memref_squeeze %dma_wait3A_88 : memref<1x128xf32, #tpu.memory_space<vmem>> -> memref<128xf32, #tpu.memory_space<vmem>>
        %dma_wait3A_90 = arith.constant 0 : i32
        %dma_wait3A_91 = tpu.memref_slice %arg5[%run_scoped3A, %dma_wait3A_90] : memref<1x128xf32, #tpu.memory_space<hbm>> -> memref<1x128xf32, #tpu.memory_space<hbm>>
        %dma_wait3A_92 = tpu.memref_squeeze %dma_wait3A_91 : memref<1x128xf32, #tpu.memory_space<hbm>> -> memref<128xf32, #tpu.memory_space<hbm>>
        %dma_wait3A_93 = arith.constant 0 : i32
        %dma_wait3A_94 = tpu.memref_slice %arg9[%scan3A_73, %dma_wait3A_93] : memref<128x128xf32, #tpu.memory_space<vmem>> -> memref<1x128xf32, #tpu.memory_space<vmem>>
        %dma_wait3A_95 = tpu.memref_squeeze %dma_wait3A_94 : memref<1x128xf32, #tpu.memory_space<vmem>> -> memref<128xf32, #tpu.memory_space<vmem>>
        %dma_wait3A_96 = arith.constant 0 : i32
        %dma_wait3A_97 = tpu.memref_slice %arg5[%run_scoped3A, %dma_wait3A_96] : memref<1x128xf32, #tpu.memory_space<hbm>> -> memref<1x128xf32, #tpu.memory_space<hbm>>
        %dma_wait3A_98 = tpu.memref_squeeze %dma_wait3A_97 : memref<1x128xf32, #tpu.memory_space<hbm>> -> memref<128xf32, #tpu.memory_space<hbm>>
        tpu.wait_dma2 semaphore(%run_scoped3A_74 : memref<!tpu.dma_semaphore, #tpu.memory_space<semaphore_mem>>) src(%dma_wait3A_98 : memref<128xf32, #tpu.memory_space<hbm>>) dst(%dma_wait3A_95 : memref<128xf32, #tpu.memory_space<vmem>>)
        tpu.yield
      }) : () -> ()
    }
    %scan3A_7 = arith.constant 128 : i32
    %add3A_8 = arith.constant 0 : i32
    %add3A_9 = arith.addi %mul3A_2, %add3A_8 : i32
    %dma_start3A = arith.constant 0 : i32
    %dma_start3A_10 = tpu.memref_slice %arg11[%add3A_9, %dma_start3A] : memref<10240x128xf32, #tpu.memory_space<vmem_shared>> -> memref<128x128xf32, #tpu.memory_space<vmem_shared>>
    %dma_start3A_11 = arith.constant 0 : i32
    %dma_start3A_12 = tpu.memref_slice %arg11[%add3A_9, %dma_start3A_11] : memref<10240x128xf32, #tpu.memory_space<vmem_shared>> -> memref<128x128xf32, #tpu.memory_space<vmem_shared>>
    tpu.enqueue_dma source(%arg9 : memref<128x128xf32, #tpu.memory_space<vmem>>) target(%dma_start3A_12 : memref<128x128xf32, #tpu.memory_space<vmem_shared>>) target_semaphore(%arg12 : memref<!tpu.dma_semaphore, #tpu.memory_space<semaphore_mem>>)
    %add3A_13 = arith.constant 128 : i32
    %add3A_14 = arith.addi %mul3A_2, %add3A_13 : i32
    %dma_start3A_15 = arith.constant 0 : i32
    %dma_start3A_16 = tpu.memref_slice %arg11[%add3A_14, %dma_start3A_15] : memref<10240x128xf32, #tpu.memory_space<vmem_shared>> -> memref<128x128xf32, #tpu.memory_space<vmem_shared>>
    %dma_start3A_17 = arith.constant 0 : i32
    %dma_start3A_18 = tpu.memref_slice %arg11[%add3A_14, %dma_start3A_17] : memref<10240x128xf32, #tpu.memory_space<vmem_shared>> -> memref<128x128xf32, #tpu.memory_space<vmem_shared>>
    tpu.enqueue_dma source(%arg9 : memref<128x128xf32, #tpu.memory_space<vmem>>) target(%dma_start3A_18 : memref<128x128xf32, #tpu.memory_space<vmem_shared>>) target_semaphore(%arg12 : memref<!tpu.dma_semaphore, #tpu.memory_space<semaphore_mem>>)
    %add3A_19 = arith.constant 256 : i32
    %add3A_20 = arith.addi %mul3A_2, %add3A_19 : i32
    %dma_start3A_21 = arith.constant 0 : i32
    %dma_start3A_22 = tpu.memref_slice %arg11[%add3A_20, %dma_start3A_21] : memref<10240x128xf32, #tpu.memory_space<vmem_shared>> -> memref<128x128xf32, #tpu.memory_space<vmem_shared>>
    %dma_start3A_23 = arith.constant 0 : i32
    %dma_start3A_24 = tpu.memref_slice %arg11[%add3A_20, %dma_start3A_23] : memref<10240x128xf32, #tpu.memory_space<vmem_shared>> -> memref<128x128xf32, #tpu.memory_space<vmem_shared>>
    tpu.enqueue_dma source(%arg9 : memref<128x128xf32, #tpu.memory_space<vmem>>) target(%dma_start3A_24 : memref<128x128xf32, #tpu.memory_space<vmem_shared>>) target_semaphore(%arg12 : memref<!tpu.dma_semaphore, #tpu.memory_space<semaphore_mem>>)
    %add3A_25 = arith.constant 384 : i32
    %add3A_26 = arith.addi %mul3A_2, %add3A_25 : i32
    %dma_start3A_27 = arith.constant 0 : i32
    %dma_start3A_28 = tpu.memref_slice %arg11[%add3A_26, %dma_start3A_27] : memref<10240x128xf32, #tpu.memory_space<vmem_shared>> -> memref<128x128xf32, #tpu.memory_space<vmem_shared>>
    %dma_start3A_29 = arith.constant 0 : i32
    %dma_start3A_30 = tpu.memref_slice %arg11[%add3A_26, %dma_start3A_29] : memref<10240x128xf32, #tpu.memory_space<vmem_shared>> -> memref<128x128xf32, #tpu.memory_space<vmem_shared>>
    tpu.enqueue_dma source(%arg9 : memref<128x128xf32, #tpu.memory_space<vmem>>) target(%dma_start3A_30 : memref<128x128xf32, #tpu.memory_space<vmem_shared>>) target_semaphore(%arg12 : memref<!tpu.dma_semaphore, #tpu.memory_space<semaphore_mem>>)
    %add3A_31 = arith.constant 512 : i32
    %add3A_32 = arith.addi %mul3A_2, %add3A_31 : i32
    %dma_start3A_33 = arith.constant 0 : i32
    %dma_start3A_34 = tpu.memref_slice %arg11[%add3A_32, %dma_start3A_33] : memref<10240x128xf32, #tpu.memory_space<vmem_shared>> -> memref<128x128xf32, #tpu.memory_space<vmem_shared>>
    %dma_start3A_35 = arith.constant 0 : i32
    %dma_start3A_36 = tpu.memref_slice %arg11[%add3A_32, %dma_start3A_35] : memref<10240x128xf32, #tpu.memory_space<vmem_shared>> -> memref<128x128xf32, #tpu.memory_space<vmem_shared>>
    tpu.enqueue_dma source(%arg9 : memref<128x128xf32, #tpu.memory_space<vmem>>) target(%dma_start3A_36 : memref<128x128xf32, #tpu.memory_space<vmem_shared>>) target_semaphore(%arg12 : memref<!tpu.dma_semaphore, #tpu.memory_space<semaphore_mem>>)
    %add3A_37 = arith.constant 0 : i32
    %add3A_38 = arith.addi %mul3A_2, %add3A_37 : i32
    %dma_wait3A = arith.constant 0 : i32
    %dma_wait3A_39 = tpu.memref_slice %arg11[%add3A_38, %dma_wait3A] : memref<10240x128xf32, #tpu.memory_space<vmem_shared>> -> memref<128x128xf32, #tpu.memory_space<vmem_shared>>
    %dma_wait3A_40 = arith.constant 0 : i32
    %dma_wait3A_41 = tpu.memref_slice %arg11[%add3A_38, %dma_wait3A_40] : memref<10240x128xf32, #tpu.memory_space<vmem_shared>> -> memref<128x128xf32, #tpu.memory_space<vmem_shared>>
    tpu.wait_dma2 semaphore(%arg12 : memref<!tpu.dma_semaphore, #tpu.memory_space<semaphore_mem>>) src(%arg9 : memref<128x128xf32, #tpu.memory_space<vmem>>) dst(%dma_wait3A_41 : memref<128x128xf32, #tpu.memory_space<vmem_shared>>)
    %add3A_42 = arith.constant 128 : i32
    %add3A_43 = arith.addi %mul3A_2, %add3A_42 : i32
    %dma_wait3A_44 = arith.constant 0 : i32
    %dma_wait3A_45 = tpu.memref_slice %arg11[%add3A_43, %dma_wait3A_44] : memref<10240x128xf32, #tpu.memory_space<vmem_shared>> -> memref<128x128xf32, #tpu.memory_space<vmem_shared>>
    %dma_wait3A_46 = arith.constant 0 : i32
    %dma_wait3A_47 = tpu.memref_slice %arg11[%add3A_43, %dma_wait3A_46] : memref<10240x128xf32, #tpu.memory_space<vmem_shared>> -> memref<128x128xf32, #tpu.memory_space<vmem_shared>>
    tpu.wait_dma2 semaphore(%arg12 : memref<!tpu.dma_semaphore, #tpu.memory_space<semaphore_mem>>) src(%arg9 : memref<128x128xf32, #tpu.memory_space<vmem>>) dst(%dma_wait3A_47 : memref<128x128xf32, #tpu.memory_space<vmem_shared>>)
    %add3A_48 = arith.constant 256 : i32
    %add3A_49 = arith.addi %mul3A_2, %add3A_48 : i32
    %dma_wait3A_50 = arith.constant 0 : i32
    %dma_wait3A_51 = tpu.memref_slice %arg11[%add3A_49, %dma_wait3A_50] : memref<10240x128xf32, #tpu.memory_space<vmem_shared>> -> memref<128x128xf32, #tpu.memory_space<vmem_shared>>
    %dma_wait3A_52 = arith.constant 0 : i32
    %dma_wait3A_53 = tpu.memref_slice %arg11[%add3A_49, %dma_wait3A_52] : memref<10240x128xf32, #tpu.memory_space<vmem_shared>> -> memref<128x128xf32, #tpu.memory_space<vmem_shared>>
    tpu.wait_dma2 semaphore(%arg12 : memref<!tpu.dma_semaphore, #tpu.memory_space<semaphore_mem>>) src(%arg9 : memref<128x128xf32, #tpu.memory_space<vmem>>) dst(%dma_wait3A_53 : memref<128x128xf32, #tpu.memory_space<vmem_shared>>)
    %add3A_54 = arith.constant 384 : i32
    %add3A_55 = arith.addi %mul3A_2, %add3A_54 : i32
    %dma_wait3A_56 = arith.constant 0 : i32
    %dma_wait3A_57 = tpu.memref_slice %arg11[%add3A_55, %dma_wait3A_56] : memref<10240x128xf32, #tpu.memory_space<vmem_shared>> -> memref<128x128xf32, #tpu.memory_space<vmem_shared>>
    %dma_wait3A_58 = arith.constant 0 : i32
    %dma_wait3A_59 = tpu.memref_slice %arg11[%add3A_55, %dma_wait3A_58] : memref<10240x128xf32, #tpu.memory_space<vmem_shared>> -> memref<128x128xf32, #tpu.memory_space<vmem_shared>>
    tpu.wait_dma2 semaphore(%arg12 : memref<!tpu.dma_semaphore, #tpu.memory_space<semaphore_mem>>) src(%arg9 : memref<128x128xf32, #tpu.memory_space<vmem>>) dst(%dma_wait3A_59 : memref<128x128xf32, #tpu.memory_space<vmem_shared>>)
    %add3A_60 = arith.constant 512 : i32
    %add3A_61 = arith.addi %mul3A_2, %add3A_60 : i32
    %dma_wait3A_62 = arith.constant 0 : i32
    %dma_wait3A_63 = tpu.memref_slice %arg11[%add3A_61, %dma_wait3A_62] : memref<10240x128xf32, #tpu.memory_space<vmem_shared>> -> memref<128x128xf32, #tpu.memory_space<vmem_shared>>
    %dma_wait3A_64 = arith.constant 0 : i32
    %dma_wait3A_65 = tpu.memref_slice %arg11[%add3A_61, %dma_wait3A_64] : memref<10240x128xf32, #tpu.memory_space<vmem_shared>> -> memref<128x128xf32, #tpu.memory_space<vmem_shared>>
    tpu.wait_dma2 semaphore(%arg12 : memref<!tpu.dma_semaphore, #tpu.memory_space<semaphore_mem>>) src(%arg9 : memref<128x128xf32, #tpu.memory_space<vmem>>) dst(%dma_wait3A_65 : memref<128x128xf32, #tpu.memory_space<vmem_shared>>)
    %barrier3A = arith.constant 0 : index
    tpu.barrier barrier_id(%barrier3A)
    %scan3A_66 = arith.constant 0 : i32
    %scan3A_67 = arith.constant 0 : i32
    %scan3A_68 = arith.constant 5 : i32
    %scan3A_69 = arith.addi %scan3A_67, %scan3A_68 : i32
    %scan3A_70 = arith.constant 1 : i32
    scf.for %scan3A_73 = %scan3A_67 to %scan3A_69 step %scan3A_70  : i32 {
      %mul3A_74 = arith.constant 16 : i32
      %mul3A_75 = arith.muli %scan3A_73, %mul3A_74 : i32
      "tpu.region"() ({
        %run_scoped3A = tpu.sem_alloc : memref<!tpu.dma_semaphore, #tpu.memory_space<semaphore_mem>>
        %dma_start3A_96 = arith.constant 0 : i32
        %dma_start3A_97 = arith.constant 0 : i32
        %dma_start3A_98 = tpu.memref_slice %arg3[%add3A, %dma_start3A_96, %dma_start3A_97] : memref<32x80x128xi32, #tpu.memory_space<hbm>> -> memref<1x80x128xi32, #tpu.memory_space<hbm>>
        %dma_start3A_99 = tpu.memref_squeeze %dma_start3A_98 : memref<1x80x128xi32, #tpu.memory_space<hbm>> -> memref<80x128xi32, #tpu.memory_space<hbm>>
        %dma_start3A_100 = arith.constant 0 : i32
        %dma_start3A_101 = tpu.memref_slice %dma_start3A_99[%mul3A_75, %dma_start3A_100] : memref<80x128xi32, #tpu.memory_space<hbm>> -> memref<16x128xi32, #tpu.memory_space<hbm>>
        %dma_start3A_102 = arith.constant 0 : i32
        %dma_start3A_103 = arith.constant 0 : i32
        %dma_start3A_104 = tpu.memref_slice %arg3[%add3A, %dma_start3A_102, %dma_start3A_103] : memref<32x80x128xi32, #tpu.memory_space<hbm>> -> memref<1x80x128xi32, #tpu.memory_space<hbm>>
        %dma_start3A_105 = tpu.memref_squeeze %dma_start3A_104 : memref<1x80x128xi32, #tpu.memory_space<hbm>> -> memref<80x128xi32, #tpu.memory_space<hbm>>
        %dma_start3A_106 = arith.constant 0 : i32
        %dma_start3A_107 = tpu.memref_slice %dma_start3A_105[%mul3A_75, %dma_start3A_106] : memref<80x128xi32, #tpu.memory_space<hbm>> -> memref<16x128xi32, #tpu.memory_space<hbm>>
        tpu.enqueue_dma source(%dma_start3A_107 : memref<16x128xi32, #tpu.memory_space<hbm>>) target(%arg7 : memref<16x128xi32, #tpu.memory_space<vmem>>) target_semaphore(%run_scoped3A : memref<!tpu.dma_semaphore, #tpu.memory_space<semaphore_mem>>)
        %dma_wait3A_108 = arith.constant 0 : i32
        %dma_wait3A_109 = arith.constant 0 : i32
        %dma_wait3A_110 = tpu.memref_slice %arg3[%add3A, %dma_wait3A_108, %dma_wait3A_109] : memref<32x80x128xi32, #tpu.memory_space<hbm>> -> memref<1x80x128xi32, #tpu.memory_space<hbm>>
        %dma_wait3A_111 = tpu.memref_squeeze %dma_wait3A_110 : memref<1x80x128xi32, #tpu.memory_space<hbm>> -> memref<80x128xi32, #tpu.memory_space<hbm>>
        %dma_wait3A_112 = arith.constant 0 : i32
        %dma_wait3A_113 = tpu.memref_slice %dma_wait3A_111[%mul3A_75, %dma_wait3A_112] : memref<80x128xi32, #tpu.memory_space<hbm>> -> memref<16x128xi32, #tpu.memory_space<hbm>>
        %dma_wait3A_114 = arith.constant 0 : i32
        %dma_wait3A_115 = arith.constant 0 : i32
        %dma_wait3A_116 = tpu.memref_slice %arg3[%add3A, %dma_wait3A_114, %dma_wait3A_115] : memref<32x80x128xi32, #tpu.memory_space<hbm>> -> memref<1x80x128xi32, #tpu.memory_space<hbm>>
        %dma_wait3A_117 = tpu.memref_squeeze %dma_wait3A_116 : memref<1x80x128xi32, #tpu.memory_space<hbm>> -> memref<80x128xi32, #tpu.memory_space<hbm>>
        %dma_wait3A_118 = arith.constant 0 : i32
        %dma_wait3A_119 = tpu.memref_slice %dma_wait3A_117[%mul3A_75, %dma_wait3A_118] : memref<80x128xi32, #tpu.memory_space<hbm>> -> memref<16x128xi32, #tpu.memory_space<hbm>>
        tpu.wait_dma2 semaphore(%run_scoped3A : memref<!tpu.dma_semaphore, #tpu.memory_space<semaphore_mem>>) src(%dma_wait3A_119 : memref<16x128xi32, #tpu.memory_space<hbm>>) dst(%arg7 : memref<16x128xi32, #tpu.memory_space<vmem>>)
        tpu.yield
      }) : () -> ()
      "tpu.region"() ({
        %run_scoped3A = tpu.sem_alloc : memref<!tpu.dma_semaphore, #tpu.memory_space<semaphore_mem>>
        %dma_start3A_96 = arith.constant 0 : i32
        %dma_start3A_97 = arith.constant 0 : i32
        %dma_start3A_98 = tpu.memref_slice %arg4[%add3A, %dma_start3A_96, %dma_start3A_97] : memref<32x80x128xi32, #tpu.memory_space<hbm>> -> memref<1x80x128xi32, #tpu.memory_space<hbm>>
        %dma_start3A_99 = tpu.memref_squeeze %dma_start3A_98 : memref<1x80x128xi32, #tpu.memory_space<hbm>> -> memref<80x128xi32, #tpu.memory_space<hbm>>
        %dma_start3A_100 = arith.constant 0 : i32
        %dma_start3A_101 = tpu.memref_slice %dma_start3A_99[%mul3A_75, %dma_start3A_100] : memref<80x128xi32, #tpu.memory_space<hbm>> -> memref<16x128xi32, #tpu.memory_space<hbm>>
        %dma_start3A_102 = arith.constant 0 : i32
        %dma_start3A_103 = arith.constant 0 : i32
        %dma_start3A_104 = tpu.memref_slice %arg4[%add3A, %dma_start3A_102, %dma_start3A_103] : memref<32x80x128xi32, #tpu.memory_space<hbm>> -> memref<1x80x128xi32, #tpu.memory_space<hbm>>
        %dma_start3A_105 = tpu.memref_squeeze %dma_start3A_104 : memref<1x80x128xi32, #tpu.memory_space<hbm>> -> memref<80x128xi32, #tpu.memory_space<hbm>>
        %dma_start3A_106 = arith.constant 0 : i32
        %dma_start3A_107 = tpu.memref_slice %dma_start3A_105[%mul3A_75, %dma_start3A_106] : memref<80x128xi32, #tpu.memory_space<hbm>> -> memref<16x128xi32, #tpu.memory_space<hbm>>
        tpu.enqueue_dma source(%dma_start3A_107 : memref<16x128xi32, #tpu.memory_space<hbm>>) target(%arg8 : memref<16x128xi32, #tpu.memory_space<vmem>>) target_semaphore(%run_scoped3A : memref<!tpu.dma_semaphore, #tpu.memory_space<semaphore_mem>>)
        %dma_wait3A_108 = arith.constant 0 : i32
        %dma_wait3A_109 = arith.constant 0 : i32
        %dma_wait3A_110 = tpu.memref_slice %arg4[%add3A, %dma_wait3A_108, %dma_wait3A_109] : memref<32x80x128xi32, #tpu.memory_space<hbm>> -> memref<1x80x128xi32, #tpu.memory_space<hbm>>
        %dma_wait3A_111 = tpu.memref_squeeze %dma_wait3A_110 : memref<1x80x128xi32, #tpu.memory_space<hbm>> -> memref<80x128xi32, #tpu.memory_space<hbm>>
        %dma_wait3A_112 = arith.constant 0 : i32
        %dma_wait3A_113 = tpu.memref_slice %dma_wait3A_111[%mul3A_75, %dma_wait3A_112] : memref<80x128xi32, #tpu.memory_space<hbm>> -> memref<16x128xi32, #tpu.memory_space<hbm>>
        %dma_wait3A_114 = arith.constant 0 : i32
        %dma_wait3A_115 = arith.constant 0 : i32
        %dma_wait3A_116 = tpu.memref_slice %arg4[%add3A, %dma_wait3A_114, %dma_wait3A_115] : memref<32x80x128xi32, #tpu.memory_space<hbm>> -> memref<1x80x128xi32, #tpu.memory_space<hbm>>
        %dma_wait3A_117 = tpu.memref_squeeze %dma_wait3A_116 : memref<1x80x128xi32, #tpu.memory_space<hbm>> -> memref<80x128xi32, #tpu.memory_space<hbm>>
        %dma_wait3A_118 = arith.constant 0 : i32
        %dma_wait3A_119 = tpu.memref_slice %dma_wait3A_117[%mul3A_75, %dma_wait3A_118] : memref<80x128xi32, #tpu.memory_space<hbm>> -> memref<16x128xi32, #tpu.memory_space<hbm>>
        tpu.wait_dma2 semaphore(%run_scoped3A : memref<!tpu.dma_semaphore, #tpu.memory_space<semaphore_mem>>) src(%dma_wait3A_119 : memref<16x128xi32, #tpu.memory_space<hbm>>) dst(%arg8 : memref<16x128xi32, #tpu.memory_space<vmem>>)
        tpu.yield
      }) : () -> ()
      %dma_start3A_76 = arith.constant 0 : i32
      %dma_start3A_77 = arith.constant 0 : i32
      %dma_start3A_78 = tpu.memref_slice %arg7[%dma_start3A_76, %dma_start3A_77] : memref<16x128xi32, #tpu.memory_space<vmem>> -> memref<1x128xi32, #tpu.memory_space<vmem>>
      %dma_start3A_79 = tpu.memref_squeeze %dma_start3A_78 : memref<1x128xi32, #tpu.memory_space<vmem>> -> memref<128xi32, #tpu.memory_space<vmem>>
      %dma_start3A_80 = arith.constant 0 : i32
      %dma_start3A_81 = arith.constant 0 : i32
      %dma_start3A_82 = tpu.memref_slice %arg2[%dma_start3A_80, %dma_start3A_81] : memref<10240x128xf32, #tpu.memory_space<hbm>> -> memref<10240x128xf32, #tpu.memory_space<hbm>>
      tpu.enqueue_indirect_dma source(%dma_start3A_82 : memref<10240x128xf32, #tpu.memory_space<hbm>>) target(%arg9 : memref<128x128xf32, #tpu.memory_space<vmem>>) offsets(%dma_start3A_79 : memref<128xi32, #tpu.memory_space<vmem>>) semaphore(%arg12 : memref<!tpu.dma_semaphore, #tpu.memory_space<semaphore_mem>>)
      %dma_start3A_83 = arith.constant 1 : i32
      %dma_start3A_84 = arith.constant 0 : i32
      %dma_start3A_85 = tpu.memref_slice %arg7[%dma_start3A_83, %dma_start3A_84] : memref<16x128xi32, #tpu.memory_space<vmem>> -> memref<1x128xi32, #tpu.memory_space<vmem>>
      %dma_start3A_86 = tpu.memref_squeeze %dma_start3A_85 : memref<1x128xi32, #tpu.memory_space<vmem>> -> memref<128xi32, #tpu.memory_space<vmem>>
      %dma_start3A_87 = arith.constant 0 : i32
      %dma_start3A_88 = arith.constant 0 : i32
      %dma_start3A_89 = tpu.memref_slice %arg2[%dma_start3A_87, %dma_start3A_88] : memref<10240x128xf32, #tpu.memory_space<hbm>> -> memref<10240x128xf32, #tpu.memory_space<hbm>>
      tpu.enqueue_indirect_dma source(%dma_start3A_89 : memref<10240x128xf32, #tpu.memory_space<hbm>>) target(%arg10 : memref<128x128xf32, #tpu.memory_space<vmem>>) offsets(%dma_start3A_86 : memref<128xi32, #tpu.memory_space<vmem>>) semaphore(%arg13 : memref<!tpu.dma_semaphore, #tpu.memory_space<semaphore_mem>>)
      %scan3A_90 = arith.constant 0 : i32
      %scan3A_91 = arith.constant 0 : i32
      %scan3A_92 = arith.constant 8 : i32
      %scan3A_93 = arith.addi %scan3A_91, %scan3A_92 : i32
      %scan3A_94 = arith.constant 1 : i32
      scf.for %scan3A_96 = %scan3A_91 to %scan3A_93 step %scan3A_94  : i32 {
        %mul3A_97 = arith.constant 2 : i32
        %mul3A_98 = arith.muli %mul3A_97, %scan3A_96 : i32
        %add3A_99 = arith.constant 1 : i32
        %add3A_100 = arith.addi %mul3A_98, %add3A_99 : i32
        %dma_wait3A_101 = arith.constant 0 : i32
        %dma_wait3A_102 = tpu.memref_slice %arg7[%mul3A_98, %dma_wait3A_101] : memref<16x128xi32, #tpu.memory_space<vmem>> -> memref<1x128xi32, #tpu.memory_space<vmem>>
        %dma_wait3A_103 = tpu.memref_squeeze %dma_wait3A_102 : memref<1x128xi32, #tpu.memory_space<vmem>> -> memref<128xi32, #tpu.memory_space<vmem>>
        %dma_wait3A_104 = arith.constant 0 : i32
        %dma_wait3A_105 = arith.constant 0 : i32
        %dma_wait3A_106 = tpu.memref_slice %arg2[%dma_wait3A_104, %dma_wait3A_105] : memref<10240x128xf32, #tpu.memory_space<hbm>> -> memref<10240x128xf32, #tpu.memory_space<hbm>>
        tpu.wait_indirect_dma semaphore(%arg12 : memref<!tpu.dma_semaphore, #tpu.memory_space<semaphore_mem>>) src(%dma_wait3A_106 : memref<10240x128xf32, #tpu.memory_space<hbm>>) dst(%arg9 : memref<128x128xf32, #tpu.memory_space<vmem>>)
        %dma_start3A_107 = arith.constant 0 : i32
        %dma_start3A_108 = tpu.memref_slice %arg8[%mul3A_98, %dma_start3A_107] : memref<16x128xi32, #tpu.memory_space<vmem>> -> memref<1x128xi32, #tpu.memory_space<vmem>>
        %dma_start3A_109 = tpu.memref_squeeze %dma_start3A_108 : memref<1x128xi32, #tpu.memory_space<vmem>> -> memref<128xi32, #tpu.memory_space<vmem>>
        %dma_start3A_110 = arith.constant 0 : i32
        %dma_start3A_111 = arith.constant 0 : i32
        %dma_start3A_112 = tpu.memref_slice %arg11[%dma_start3A_110, %dma_start3A_111] : memref<10240x128xf32, #tpu.memory_space<vmem_shared>> -> memref<10240x128xf32, #tpu.memory_space<vmem_shared>>
        tpu.enqueue_indirect_dma source(%arg9 : memref<128x128xf32, #tpu.memory_space<vmem>>) target(%dma_start3A_112 : memref<10240x128xf32, #tpu.memory_space<vmem_shared>>) offsets(%dma_start3A_109 : memref<128xi32, #tpu.memory_space<vmem>>) semaphore(%arg14 : memref<!tpu.dma_semaphore, #tpu.memory_space<semaphore_mem>>) {add = true}
        %dma_wait3A_113 = arith.constant 0 : i32
        %dma_wait3A_114 = tpu.memref_slice %arg7[%add3A_100, %dma_wait3A_113] : memref<16x128xi32, #tpu.memory_space<vmem>> -> memref<1x128xi32, #tpu.memory_space<vmem>>
        %dma_wait3A_115 = tpu.memref_squeeze %dma_wait3A_114 : memref<1x128xi32, #tpu.memory_space<vmem>> -> memref<128xi32, #tpu.memory_space<vmem>>
        %dma_wait3A_116 = arith.constant 0 : i32
        %dma_wait3A_117 = arith.constant 0 : i32
        %dma_wait3A_118 = tpu.memref_slice %arg2[%dma_wait3A_116, %dma_wait3A_117] : memref<10240x128xf32, #tpu.memory_space<hbm>> -> memref<10240x128xf32, #tpu.memory_space<hbm>>
        tpu.wait_indirect_dma semaphore(%arg13 : memref<!tpu.dma_semaphore, #tpu.memory_space<semaphore_mem>>) src(%dma_wait3A_118 : memref<10240x128xf32, #tpu.memory_space<hbm>>) dst(%arg10 : memref<128x128xf32, #tpu.memory_space<vmem>>)
        %dma_start3A_119 = arith.constant 0 : i32
        %dma_start3A_120 = tpu.memref_slice %arg8[%add3A_100, %dma_start3A_119] : memref<16x128xi32, #tpu.memory_space<vmem>> -> memref<1x128xi32, #tpu.memory_space<vmem>>
        %dma_start3A_121 = tpu.memref_squeeze %dma_start3A_120 : memref<1x128xi32, #tpu.memory_space<vmem>> -> memref<128xi32, #tpu.memory_space<vmem>>
        %dma_start3A_122 = arith.constant 0 : i32
        %dma_start3A_123 = arith.constant 0 : i32
        %dma_start3A_124 = tpu.memref_slice %arg11[%dma_start3A_122, %dma_start3A_123] : memref<10240x128xf32, #tpu.memory_space<vmem_shared>> -> memref<10240x128xf32, #tpu.memory_space<vmem_shared>>
        tpu.enqueue_indirect_dma source(%arg10 : memref<128x128xf32, #tpu.memory_space<vmem>>) target(%dma_start3A_124 : memref<10240x128xf32, #tpu.memory_space<vmem_shared>>) offsets(%dma_start3A_121 : memref<128xi32, #tpu.memory_space<vmem>>) semaphore(%arg15 : memref<!tpu.dma_semaphore, #tpu.memory_space<semaphore_mem>>) {add = true}
        %dma_wait3A_125 = arith.constant 0 : i32
        %dma_wait3A_126 = tpu.memref_slice %arg8[%mul3A_98, %dma_wait3A_125] : memref<16x128xi32, #tpu.memory_space<vmem>> -> memref<1x128xi32, #tpu.memory_space<vmem>>
        %dma_wait3A_127 = tpu.memref_squeeze %dma_wait3A_126 : memref<1x128xi32, #tpu.memory_space<vmem>> -> memref<128xi32, #tpu.memory_space<vmem>>
        %dma_wait3A_128 = arith.constant 0 : i32
        %dma_wait3A_129 = arith.constant 0 : i32
        %dma_wait3A_130 = tpu.memref_slice %arg11[%dma_wait3A_128, %dma_wait3A_129] : memref<10240x128xf32, #tpu.memory_space<vmem_shared>> -> memref<10240x128xf32, #tpu.memory_space<vmem_shared>>
        tpu.wait_indirect_dma semaphore(%arg14 : memref<!tpu.dma_semaphore, #tpu.memory_space<semaphore_mem>>) src(%arg9 : memref<128x128xf32, #tpu.memory_space<vmem>>) dst(%dma_wait3A_130 : memref<10240x128xf32, #tpu.memory_space<vmem_shared>>)
        %dma_wait3A_131 = arith.constant 0 : i32
        %dma_wait3A_132 = tpu.memref_slice %arg8[%add3A_100, %dma_wait3A_131] : memref<16x128xi32, #tpu.memory_space<vmem>> -> memref<1x128xi32, #tpu.memory_space<vmem>>
        %dma_wait3A_133 = tpu.memref_squeeze %dma_wait3A_132 : memref<1x128xi32, #tpu.memory_space<vmem>> -> memref<128xi32, #tpu.memory_space<vmem>>
        %dma_wait3A_134 = arith.constant 0 : i32
        %dma_wait3A_135 = arith.constant 0 : i32
        %dma_wait3A_136 = tpu.memref_slice %arg11[%dma_wait3A_134, %dma_wait3A_135] : memref<10240x128xf32, #tpu.memory_space<vmem_shared>> -> memref<10240x128xf32, #tpu.memory_space<vmem_shared>>
        tpu.wait_indirect_dma semaphore(%arg15 : memref<!tpu.dma_semaphore, #tpu.memory_space<semaphore_mem>>) src(%arg10 : memref<128x128xf32, #tpu.memory_space<vmem>>) dst(%dma_wait3A_136 : memref<10240x128xf32, #tpu.memory_space<vmem_shared>>)
        %add3A_137 = arith.constant 1 : i32
        %add3A_138 = arith.addi %scan3A_96, %add3A_137 : i32
        %lt3A = arith.constant 8 : i32
        %lt3A_139 = arith.cmpi slt, %add3A_138, %lt3A : i32
        %convert_element_type3A = arith.extui %lt3A_139 : i1 to i32
        %cond3A = arith.constant 0 : i32
        %cond3A_140 = arith.cmpi ne, %convert_element_type3A, %cond3A : i32
        scf.if %cond3A_140 {
          %add3A_141 = arith.constant 2 : i32
          %add3A_142 = arith.addi %mul3A_98, %add3A_141 : i32
          %dma_start3A_143 = arith.constant 0 : i32
          %dma_start3A_144 = tpu.memref_slice %arg7[%add3A_142, %dma_start3A_143] : memref<16x128xi32, #tpu.memory_space<vmem>> -> memref<1x128xi32, #tpu.memory_space<vmem>>
          %dma_start3A_145 = tpu.memref_squeeze %dma_start3A_144 : memref<1x128xi32, #tpu.memory_space<vmem>> -> memref<128xi32, #tpu.memory_space<vmem>>
          %dma_start3A_146 = arith.constant 0 : i32
          %dma_start3A_147 = arith.constant 0 : i32
          %dma_start3A_148 = tpu.memref_slice %arg2[%dma_start3A_146, %dma_start3A_147] : memref<10240x128xf32, #tpu.memory_space<hbm>> -> memref<10240x128xf32, #tpu.memory_space<hbm>>
          tpu.enqueue_indirect_dma source(%dma_start3A_148 : memref<10240x128xf32, #tpu.memory_space<hbm>>) target(%arg9 : memref<128x128xf32, #tpu.memory_space<vmem>>) offsets(%dma_start3A_145 : memref<128xi32, #tpu.memory_space<vmem>>) semaphore(%arg12 : memref<!tpu.dma_semaphore, #tpu.memory_space<semaphore_mem>>)
          %add3A_149 = arith.constant 2 : i32
          %add3A_150 = arith.addi %add3A_100, %add3A_149 : i32
          %dma_start3A_151 = arith.constant 0 : i32
          %dma_start3A_152 = tpu.memref_slice %arg7[%add3A_150, %dma_start3A_151] : memref<16x128xi32, #tpu.memory_space<vmem>> -> memref<1x128xi32, #tpu.memory_space<vmem>>
          %dma_start3A_153 = tpu.memref_squeeze %dma_start3A_152 : memref<1x128xi32, #tpu.memory_space<vmem>> -> memref<128xi32, #tpu.memory_space<vmem>>
          %dma_start3A_154 = arith.constant 0 : i32
          %dma_start3A_155 = arith.constant 0 : i32
          %dma_start3A_156 = tpu.memref_slice %arg2[%dma_start3A_154, %dma_start3A_155] : memref<10240x128xf32, #tpu.memory_space<hbm>> -> memref<10240x128xf32, #tpu.memory_space<hbm>>
          tpu.enqueue_indirect_dma source(%dma_start3A_156 : memref<10240x128xf32, #tpu.memory_space<hbm>>) target(%arg10 : memref<128x128xf32, #tpu.memory_space<vmem>>) offsets(%dma_start3A_153 : memref<128xi32, #tpu.memory_space<vmem>>) semaphore(%arg13 : memref<!tpu.dma_semaphore, #tpu.memory_space<semaphore_mem>>)
        } else {
        }
      }
      %scan3A_95 = arith.constant 8 : i32
    }
    %scan3A_71 = arith.constant 5 : i32
    %barrier3A_72 = arith.constant 0 : index
    tpu.barrier barrier_id(%barrier3A_72)
    "tpu.region"() ({
      %run_scoped3A = tpu.sem_alloc : memref<!tpu.dma_semaphore, #tpu.memory_space<semaphore_mem>>
      %dma_start3A_73 = arith.constant 0 : i32
      %dma_start3A_74 = arith.constant 0 : i32
      %dma_start3A_75 = tpu.memref_slice %arg6[%arg0, %dma_start3A_73, %dma_start3A_74] : memref<2x10240x128xf32, #tpu.memory_space<hbm>> -> memref<1x10240x128xf32, #tpu.memory_space<hbm>>
      %dma_start3A_76 = tpu.memref_squeeze %dma_start3A_75 : memref<1x10240x128xf32, #tpu.memory_space<hbm>> -> memref<10240x128xf32, #tpu.memory_space<hbm>>
      %dma_start3A_77 = arith.constant 0 : i32
      %dma_start3A_78 = tpu.memref_slice %dma_start3A_76[%mul3A_2, %dma_start3A_77] : memref<10240x128xf32, #tpu.memory_space<hbm>> -> memref<640x128xf32, #tpu.memory_space<hbm>>
      %dma_start3A_79 = arith.constant 0 : i32
      %dma_start3A_80 = tpu.memref_slice %arg11[%mul3A_2, %dma_start3A_79] : memref<10240x128xf32, #tpu.memory_space<vmem_shared>> -> memref<640x128xf32, #tpu.memory_space<vmem_shared>>
      tpu.enqueue_dma source(%dma_start3A_80 : memref<640x128xf32, #tpu.memory_space<vmem_shared>>) target(%dma_start3A_78 : memref<640x128xf32, #tpu.memory_space<hbm>>) target_semaphore(%run_scoped3A : memref<!tpu.dma_semaphore, #tpu.memory_space<semaphore_mem>>)
      %dma_wait3A_81 = arith.constant 0 : i32
      %dma_wait3A_82 = arith.constant 0 : i32
      %dma_wait3A_83 = tpu.memref_slice %arg6[%arg0, %dma_wait3A_81, %dma_wait3A_82] : memref<2x10240x128xf32, #tpu.memory_space<hbm>> -> memref<1x10240x128xf32, #tpu.memory_space<hbm>>
      %dma_wait3A_84 = tpu.memref_squeeze %dma_wait3A_83 : memref<1x10240x128xf32, #tpu.memory_space<hbm>> -> memref<10240x128xf32, #tpu.memory_space<hbm>>
      %dma_wait3A_85 = arith.constant 0 : i32
      %dma_wait3A_86 = tpu.memref_slice %dma_wait3A_84[%mul3A_2, %dma_wait3A_85] : memref<10240x128xf32, #tpu.memory_space<hbm>> -> memref<640x128xf32, #tpu.memory_space<hbm>>
      %dma_wait3A_87 = arith.constant 0 : i32
      %dma_wait3A_88 = tpu.memref_slice %arg11[%mul3A_2, %dma_wait3A_87] : memref<10240x128xf32, #tpu.memory_space<vmem_shared>> -> memref<640x128xf32, #tpu.memory_space<vmem_shared>>
      tpu.wait_dma2 semaphore(%run_scoped3A : memref<!tpu.dma_semaphore, #tpu.memory_space<semaphore_mem>>) src(%dma_wait3A_88 : memref<640x128xf32, #tpu.memory_space<vmem_shared>>) dst(%dma_wait3A_86 : memref<640x128xf32, #tpu.memory_space<hbm>>)
      tpu.yield
    }) : () -> ()
    return
  }
}

#map = affine_map<(d0, d1) -> (0, 0, 0)>
#map1 = affine_map<(d0, d1) -> (0, 0)>
module attributes {stable_mosaic.version = 14 : i64} {
  func.func @_degree_body(%arg0: i32, %arg1: i32, %arg2: memref<32x80x128xi32, #tpu.memory_space<hbm>>, %arg3: memref<32x80x128xi32, #tpu.memory_space<hbm>>, %arg4: memref<32x10240xf32, #tpu.memory_space<hbm>>, %arg5: memref<32x10240xf32, #tpu.memory_space<hbm>>, %arg6: memref<80x128xi32, #tpu.memory_space<vmem>>, %arg7: memref<80x128xi32, #tpu.memory_space<vmem>>, %arg8: memref<10240xf32, #tpu.memory_space<vmem>>, %arg9: memref<10240xf32, #tpu.memory_space<vmem>>) attributes {dimension_semantics = [#tpu.dimension_semantics<core_parallel>, #tpu.dimension_semantics<subcore_parallel>], iteration_bounds = array<i64: 2, 16>, scalar_prefetch = 0 : i64, scratch_operands = 4 : i64, tpu.core_type = #tpu.core_type<sc_vector_subcore>, window_params = [{transform_indices = #map}, {transform_indices = #map}, {transform_indices = #map1}, {transform_indices = #map1}]} {
    %mul3A = arith.constant 16 : i32
    %mul3A_0 = arith.muli %arg0, %mul3A : i32
    %add3A = arith.addi %mul3A_0, %arg1 : i32
    "tpu.region"() ({
      %run_scoped3A = tpu.sem_alloc : memref<!tpu.dma_semaphore, #tpu.memory_space<semaphore_mem>>
      %dma_start3A = arith.constant 0 : i32
      %dma_start3A_12 = arith.constant 0 : i32
      %dma_start3A_13 = tpu.memref_slice %arg2[%add3A, %dma_start3A, %dma_start3A_12] : memref<32x80x128xi32, #tpu.memory_space<hbm>> -> memref<1x80x128xi32, #tpu.memory_space<hbm>>
      %dma_start3A_14 = tpu.memref_squeeze %dma_start3A_13 : memref<1x80x128xi32, #tpu.memory_space<hbm>> -> memref<80x128xi32, #tpu.memory_space<hbm>>
      %dma_start3A_15 = arith.constant 0 : i32
      %dma_start3A_16 = arith.constant 0 : i32
      %dma_start3A_17 = tpu.memref_slice %arg2[%add3A, %dma_start3A_15, %dma_start3A_16] : memref<32x80x128xi32, #tpu.memory_space<hbm>> -> memref<1x80x128xi32, #tpu.memory_space<hbm>>
      %dma_start3A_18 = tpu.memref_squeeze %dma_start3A_17 : memref<1x80x128xi32, #tpu.memory_space<hbm>> -> memref<80x128xi32, #tpu.memory_space<hbm>>
      tpu.enqueue_dma source(%dma_start3A_18 : memref<80x128xi32, #tpu.memory_space<hbm>>) target(%arg6 : memref<80x128xi32, #tpu.memory_space<vmem>>) target_semaphore(%run_scoped3A : memref<!tpu.dma_semaphore, #tpu.memory_space<semaphore_mem>>)
      %dma_wait3A = arith.constant 0 : i32
      %dma_wait3A_19 = arith.constant 0 : i32
      %dma_wait3A_20 = tpu.memref_slice %arg2[%add3A, %dma_wait3A, %dma_wait3A_19] : memref<32x80x128xi32, #tpu.memory_space<hbm>> -> memref<1x80x128xi32, #tpu.memory_space<hbm>>
      %dma_wait3A_21 = tpu.memref_squeeze %dma_wait3A_20 : memref<1x80x128xi32, #tpu.memory_space<hbm>> -> memref<80x128xi32, #tpu.memory_space<hbm>>
      %dma_wait3A_22 = arith.constant 0 : i32
      %dma_wait3A_23 = arith.constant 0 : i32
      %dma_wait3A_24 = tpu.memref_slice %arg2[%add3A, %dma_wait3A_22, %dma_wait3A_23] : memref<32x80x128xi32, #tpu.memory_space<hbm>> -> memref<1x80x128xi32, #tpu.memory_space<hbm>>
      %dma_wait3A_25 = tpu.memref_squeeze %dma_wait3A_24 : memref<1x80x128xi32, #tpu.memory_space<hbm>> -> memref<80x128xi32, #tpu.memory_space<hbm>>
      tpu.wait_dma2 semaphore(%run_scoped3A : memref<!tpu.dma_semaphore, #tpu.memory_space<semaphore_mem>>) src(%dma_wait3A_25 : memref<80x128xi32, #tpu.memory_space<hbm>>) dst(%arg6 : memref<80x128xi32, #tpu.memory_space<vmem>>)
      tpu.yield
    }) : () -> ()
    "tpu.region"() ({
      %run_scoped3A = tpu.sem_alloc : memref<!tpu.dma_semaphore, #tpu.memory_space<semaphore_mem>>
      %dma_start3A = arith.constant 0 : i32
      %dma_start3A_12 = arith.constant 0 : i32
      %dma_start3A_13 = tpu.memref_slice %arg3[%add3A, %dma_start3A, %dma_start3A_12] : memref<32x80x128xi32, #tpu.memory_space<hbm>> -> memref<1x80x128xi32, #tpu.memory_space<hbm>>
      %dma_start3A_14 = tpu.memref_squeeze %dma_start3A_13 : memref<1x80x128xi32, #tpu.memory_space<hbm>> -> memref<80x128xi32, #tpu.memory_space<hbm>>
      %dma_start3A_15 = arith.constant 0 : i32
      %dma_start3A_16 = arith.constant 0 : i32
      %dma_start3A_17 = tpu.memref_slice %arg3[%add3A, %dma_start3A_15, %dma_start3A_16] : memref<32x80x128xi32, #tpu.memory_space<hbm>> -> memref<1x80x128xi32, #tpu.memory_space<hbm>>
      %dma_start3A_18 = tpu.memref_squeeze %dma_start3A_17 : memref<1x80x128xi32, #tpu.memory_space<hbm>> -> memref<80x128xi32, #tpu.memory_space<hbm>>
      tpu.enqueue_dma source(%dma_start3A_18 : memref<80x128xi32, #tpu.memory_space<hbm>>) target(%arg7 : memref<80x128xi32, #tpu.memory_space<vmem>>) target_semaphore(%run_scoped3A : memref<!tpu.dma_semaphore, #tpu.memory_space<semaphore_mem>>)
      %dma_wait3A = arith.constant 0 : i32
      %dma_wait3A_19 = arith.constant 0 : i32
      %dma_wait3A_20 = tpu.memref_slice %arg3[%add3A, %dma_wait3A, %dma_wait3A_19] : memref<32x80x128xi32, #tpu.memory_space<hbm>> -> memref<1x80x128xi32, #tpu.memory_space<hbm>>
      %dma_wait3A_21 = tpu.memref_squeeze %dma_wait3A_20 : memref<1x80x128xi32, #tpu.memory_space<hbm>> -> memref<80x128xi32, #tpu.memory_space<hbm>>
      %dma_wait3A_22 = arith.constant 0 : i32
      %dma_wait3A_23 = arith.constant 0 : i32
      %dma_wait3A_24 = tpu.memref_slice %arg3[%add3A, %dma_wait3A_22, %dma_wait3A_23] : memref<32x80x128xi32, #tpu.memory_space<hbm>> -> memref<1x80x128xi32, #tpu.memory_space<hbm>>
      %dma_wait3A_25 = tpu.memref_squeeze %dma_wait3A_24 : memref<1x80x128xi32, #tpu.memory_space<hbm>> -> memref<80x128xi32, #tpu.memory_space<hbm>>
      tpu.wait_dma2 semaphore(%run_scoped3A : memref<!tpu.dma_semaphore, #tpu.memory_space<semaphore_mem>>) src(%dma_wait3A_25 : memref<80x128xi32, #tpu.memory_space<hbm>>) dst(%arg7 : memref<80x128xi32, #tpu.memory_space<vmem>>)
      tpu.yield
    }) : () -> ()
    %scan3A = arith.constant 0 : i32
    %scan3A_1 = arith.constant 0 : i32
    %scan3A_2 = arith.constant 640 : i32
    %scan3A_3 = arith.addi %scan3A_1, %scan3A_2 : i32
    %scan3A_4 = arith.constant 1 : i32
    scf.for %scan3A_12 = %scan3A_1 to %scan3A_3 step %scan3A_4  : i32 {
      %broadcast_in_dim3A = arith.constant 0.000000e+00 : f32
      %broadcast_in_dim3A_13 = vector.broadcast %broadcast_in_dim3A : f32 to vector<16xf32>
      %mul3A_14 = arith.constant 16 : i32
      %mul3A_15 = arith.muli %scan3A_12, %mul3A_14 : i32
      %swap3A = arith.index_cast %mul3A_15 : i32 to index
      %swap3A_16 = tpu.vector_load %arg8[%swap3A] {strides = array<i32>} : memref<10240xf32, #tpu.memory_space<vmem>>, vector<16xf32>,
      tpu.vector_store %arg8[%swap3A], %broadcast_in_dim3A_13 {strides = array<i32>} : memref<10240xf32, #tpu.memory_space<vmem>>, vector<16xf32>,
      %broadcast_in_dim3A_17 = arith.constant 0.000000e+00 : f32
      %broadcast_in_dim3A_18 = vector.broadcast %broadcast_in_dim3A_17 : f32 to vector<16xf32>
      %mul3A_19 = arith.constant 16 : i32
      %mul3A_20 = arith.muli %scan3A_12, %mul3A_19 : i32
      %swap3A_21 = arith.index_cast %mul3A_20 : i32 to index
      %swap3A_22 = tpu.vector_load %arg9[%swap3A_21] {strides = array<i32>} : memref<10240xf32, #tpu.memory_space<vmem>>, vector<16xf32>,
      tpu.vector_store %arg9[%swap3A_21], %broadcast_in_dim3A_18 {strides = array<i32>} : memref<10240xf32, #tpu.memory_space<vmem>>, vector<16xf32>,
    }
    %scan3A_5 = arith.constant 640 : i32
    %scan3A_6 = arith.constant 0 : i32
    %scan3A_7 = arith.constant 0 : i32
    %scan3A_8 = arith.constant 80 : i32
    %scan3A_9 = arith.addi %scan3A_7, %scan3A_8 : i32
    %scan3A_10 = arith.constant 1 : i32
    scf.for %scan3A_12 = %scan3A_7 to %scan3A_9 step %scan3A_10  : i32 {
      %get3A = arith.index_cast %scan3A_12 : i32 to index
      %get3A_13 = arith.constant 0 : index
      %get3A_14 = tpu.vector_load %arg6[%get3A, %get3A_13] {strides = array<i32>} : memref<80x128xi32, #tpu.memory_space<vmem>>, vector<16xi32>,
      %broadcast_in_dim3A = arith.constant true
      %broadcast_in_dim3A_15 = vector.broadcast %broadcast_in_dim3A : i1 to vector<16xi1>
      %unique3A, %unique3A_16 = tpu.scan_count mask(%broadcast_in_dim3A_15 : vector<16xi1>) value(%get3A_14 : vector<16xi32>) : vector<16xi1>, vector<16xi32>
      %convert_element_type3A = arith.sitofp %unique3A_16 : vector<16xi32> to vector<16xf32>
      tpu.vector_store_idx %arg8[%get3A_14], %convert_element_type3A masked %unique3A {add = true} : memref<10240xf32, #tpu.memory_space<vmem>>[vector<16xi32>], vector<16xf32>, vector<16xi1>
      %get3A_17 = arith.index_cast %scan3A_12 : i32 to index
      %get3A_18 = arith.constant 0 : index
      %get3A_19 = tpu.vector_load %arg7[%get3A_17, %get3A_18] {strides = array<i32>} : memref<80x128xi32, #tpu.memory_space<vmem>>, vector<16xi32>,
      %broadcast_in_dim3A_20 = arith.constant true
      %broadcast_in_dim3A_21 = vector.broadcast %broadcast_in_dim3A_20 : i1 to vector<16xi1>
      %unique3A_22, %unique3A_23 = tpu.scan_count mask(%broadcast_in_dim3A_21 : vector<16xi1>) value(%get3A_19 : vector<16xi32>) : vector<16xi1>, vector<16xi32>
      %convert_element_type3A_24 = arith.sitofp %unique3A_23 : vector<16xi32> to vector<16xf32>
      tpu.vector_store_idx %arg9[%get3A_19], %convert_element_type3A_24 masked %unique3A_22 {add = true} : memref<10240xf32, #tpu.memory_space<vmem>>[vector<16xi32>], vector<16xf32>, vector<16xi1>
      %get3A_25 = arith.index_cast %scan3A_12 : i32 to index
      %get3A_26 = arith.constant 16 : index
      %get3A_27 = tpu.vector_load %arg6[%get3A_25, %get3A_26] {strides = array<i32>} : memref<80x128xi32, #tpu.memory_space<vmem>>, vector<16xi32>,
      %broadcast_in_dim3A_28 = arith.constant true
      %broadcast_in_dim3A_29 = vector.broadcast %broadcast_in_dim3A_28 : i1 to vector<16xi1>
      %unique3A_30, %unique3A_31 = tpu.scan_count mask(%broadcast_in_dim3A_29 : vector<16xi1>) value(%get3A_27 : vector<16xi32>) : vector<16xi1>, vector<16xi32>
      %convert_element_type3A_32 = arith.sitofp %unique3A_31 : vector<16xi32> to vector<16xf32>
      tpu.vector_store_idx %arg8[%get3A_27], %convert_element_type3A_32 masked %unique3A_30 {add = true} : memref<10240xf32, #tpu.memory_space<vmem>>[vector<16xi32>], vector<16xf32>, vector<16xi1>
      %get3A_33 = arith.index_cast %scan3A_12 : i32 to index
      %get3A_34 = arith.constant 16 : index
      %get3A_35 = tpu.vector_load %arg7[%get3A_33, %get3A_34] {strides = array<i32>} : memref<80x128xi32, #tpu.memory_space<vmem>>, vector<16xi32>,
      %broadcast_in_dim3A_36 = arith.constant true
      %broadcast_in_dim3A_37 = vector.broadcast %broadcast_in_dim3A_36 : i1 to vector<16xi1>
      %unique3A_38, %unique3A_39 = tpu.scan_count mask(%broadcast_in_dim3A_37 : vector<16xi1>) value(%get3A_35 : vector<16xi32>) : vector<16xi1>, vector<16xi32>
      %convert_element_type3A_40 = arith.sitofp %unique3A_39 : vector<16xi32> to vector<16xf32>
      tpu.vector_store_idx %arg9[%get3A_35], %convert_element_type3A_40 masked %unique3A_38 {add = true} : memref<10240xf32, #tpu.memory_space<vmem>>[vector<16xi32>], vector<16xf32>, vector<16xi1>
      %get3A_41 = arith.index_cast %scan3A_12 : i32 to index
      %get3A_42 = arith.constant 32 : index
      %get3A_43 = tpu.vector_load %arg6[%get3A_41, %get3A_42] {strides = array<i32>} : memref<80x128xi32, #tpu.memory_space<vmem>>, vector<16xi32>,
      %broadcast_in_dim3A_44 = arith.constant true
      %broadcast_in_dim3A_45 = vector.broadcast %broadcast_in_dim3A_44 : i1 to vector<16xi1>
      %unique3A_46, %unique3A_47 = tpu.scan_count mask(%broadcast_in_dim3A_45 : vector<16xi1>) value(%get3A_43 : vector<16xi32>) : vector<16xi1>, vector<16xi32>
      %convert_element_type3A_48 = arith.sitofp %unique3A_47 : vector<16xi32> to vector<16xf32>
      tpu.vector_store_idx %arg8[%get3A_43], %convert_element_type3A_48 masked %unique3A_46 {add = true} : memref<10240xf32, #tpu.memory_space<vmem>>[vector<16xi32>], vector<16xf32>, vector<16xi1>
      %get3A_49 = arith.index_cast %scan3A_12 : i32 to index
      %get3A_50 = arith.constant 32 : index
      %get3A_51 = tpu.vector_load %arg7[%get3A_49, %get3A_50] {strides = array<i32>} : memref<80x128xi32, #tpu.memory_space<vmem>>, vector<16xi32>,
      %broadcast_in_dim3A_52 = arith.constant true
      %broadcast_in_dim3A_53 = vector.broadcast %broadcast_in_dim3A_52 : i1 to vector<16xi1>
      %unique3A_54, %unique3A_55 = tpu.scan_count mask(%broadcast_in_dim3A_53 : vector<16xi1>) value(%get3A_51 : vector<16xi32>) : vector<16xi1>, vector<16xi32>
      %convert_element_type3A_56 = arith.sitofp %unique3A_55 : vector<16xi32> to vector<16xf32>
      tpu.vector_store_idx %arg9[%get3A_51], %convert_element_type3A_56 masked %unique3A_54 {add = true} : memref<10240xf32, #tpu.memory_space<vmem>>[vector<16xi32>], vector<16xf32>, vector<16xi1>
      %get3A_57 = arith.index_cast %scan3A_12 : i32 to index
      %get3A_58 = arith.constant 48 : index
      %get3A_59 = tpu.vector_load %arg6[%get3A_57, %get3A_58] {strides = array<i32>} : memref<80x128xi32, #tpu.memory_space<vmem>>, vector<16xi32>,
      %broadcast_in_dim3A_60 = arith.constant true
      %broadcast_in_dim3A_61 = vector.broadcast %broadcast_in_dim3A_60 : i1 to vector<16xi1>
      %unique3A_62, %unique3A_63 = tpu.scan_count mask(%broadcast_in_dim3A_61 : vector<16xi1>) value(%get3A_59 : vector<16xi32>) : vector<16xi1>, vector<16xi32>
      %convert_element_type3A_64 = arith.sitofp %unique3A_63 : vector<16xi32> to vector<16xf32>
      tpu.vector_store_idx %arg8[%get3A_59], %convert_element_type3A_64 masked %unique3A_62 {add = true} : memref<10240xf32, #tpu.memory_space<vmem>>[vector<16xi32>], vector<16xf32>, vector<16xi1>
      %get3A_65 = arith.index_cast %scan3A_12 : i32 to index
      %get3A_66 = arith.constant 48 : index
      %get3A_67 = tpu.vector_load %arg7[%get3A_65, %get3A_66] {strides = array<i32>} : memref<80x128xi32, #tpu.memory_space<vmem>>, vector<16xi32>,
      %broadcast_in_dim3A_68 = arith.constant true
      %broadcast_in_dim3A_69 = vector.broadcast %broadcast_in_dim3A_68 : i1 to vector<16xi1>
      %unique3A_70, %unique3A_71 = tpu.scan_count mask(%broadcast_in_dim3A_69 : vector<16xi1>) value(%get3A_67 : vector<16xi32>) : vector<16xi1>, vector<16xi32>
      %convert_element_type3A_72 = arith.sitofp %unique3A_71 : vector<16xi32> to vector<16xf32>
      tpu.vector_store_idx %arg9[%get3A_67], %convert_element_type3A_72 masked %unique3A_70 {add = true} : memref<10240xf32, #tpu.memory_space<vmem>>[vector<16xi32>], vector<16xf32>, vector<16xi1>
      %get3A_73 = arith.index_cast %scan3A_12 : i32 to index
      %get3A_74 = arith.constant 64 : index
      %get3A_75 = tpu.vector_load %arg6[%get3A_73, %get3A_74] {strides = array<i32>} : memref<80x128xi32, #tpu.memory_space<vmem>>, vector<16xi32>,
      %broadcast_in_dim3A_76 = arith.constant true
      %broadcast_in_dim3A_77 = vector.broadcast %broadcast_in_dim3A_76 : i1 to vector<16xi1>
      %unique3A_78, %unique3A_79 = tpu.scan_count mask(%broadcast_in_dim3A_77 : vector<16xi1>) value(%get3A_75 : vector<16xi32>) : vector<16xi1>, vector<16xi32>
      %convert_element_type3A_80 = arith.sitofp %unique3A_79 : vector<16xi32> to vector<16xf32>
      tpu.vector_store_idx %arg8[%get3A_75], %convert_element_type3A_80 masked %unique3A_78 {add = true} : memref<10240xf32, #tpu.memory_space<vmem>>[vector<16xi32>], vector<16xf32>, vector<16xi1>
      %get3A_81 = arith.index_cast %scan3A_12 : i32 to index
      %get3A_82 = arith.constant 64 : index
      %get3A_83 = tpu.vector_load %arg7[%get3A_81, %get3A_82] {strides = array<i32>} : memref<80x128xi32, #tpu.memory_space<vmem>>, vector<16xi32>,
      %broadcast_in_dim3A_84 = arith.constant true
      %broadcast_in_dim3A_85 = vector.broadcast %broadcast_in_dim3A_84 : i1 to vector<16xi1>
      %unique3A_86, %unique3A_87 = tpu.scan_count mask(%broadcast_in_dim3A_85 : vector<16xi1>) value(%get3A_83 : vector<16xi32>) : vector<16xi1>, vector<16xi32>
      %convert_element_type3A_88 = arith.sitofp %unique3A_87 : vector<16xi32> to vector<16xf32>
      tpu.vector_store_idx %arg9[%get3A_83], %convert_element_type3A_88 masked %unique3A_86 {add = true} : memref<10240xf32, #tpu.memory_space<vmem>>[vector<16xi32>], vector<16xf32>, vector<16xi1>
      %get3A_89 = arith.index_cast %scan3A_12 : i32 to index
      %get3A_90 = arith.constant 80 : index
      %get3A_91 = tpu.vector_load %arg6[%get3A_89, %get3A_90] {strides = array<i32>} : memref<80x128xi32, #tpu.memory_space<vmem>>, vector<16xi32>,
      %broadcast_in_dim3A_92 = arith.constant true
      %broadcast_in_dim3A_93 = vector.broadcast %broadcast_in_dim3A_92 : i1 to vector<16xi1>
      %unique3A_94, %unique3A_95 = tpu.scan_count mask(%broadcast_in_dim3A_93 : vector<16xi1>) value(%get3A_91 : vector<16xi32>) : vector<16xi1>, vector<16xi32>
      %convert_element_type3A_96 = arith.sitofp %unique3A_95 : vector<16xi32> to vector<16xf32>
      tpu.vector_store_idx %arg8[%get3A_91], %convert_element_type3A_96 masked %unique3A_94 {add = true} : memref<10240xf32, #tpu.memory_space<vmem>>[vector<16xi32>], vector<16xf32>, vector<16xi1>
      %get3A_97 = arith.index_cast %scan3A_12 : i32 to index
      %get3A_98 = arith.constant 80 : index
      %get3A_99 = tpu.vector_load %arg7[%get3A_97, %get3A_98] {strides = array<i32>} : memref<80x128xi32, #tpu.memory_space<vmem>>, vector<16xi32>,
      %broadcast_in_dim3A_100 = arith.constant true
      %broadcast_in_dim3A_101 = vector.broadcast %broadcast_in_dim3A_100 : i1 to vector<16xi1>
      %unique3A_102, %unique3A_103 = tpu.scan_count mask(%broadcast_in_dim3A_101 : vector<16xi1>) value(%get3A_99 : vector<16xi32>) : vector<16xi1>, vector<16xi32>
      %convert_element_type3A_104 = arith.sitofp %unique3A_103 : vector<16xi32> to vector<16xf32>
      tpu.vector_store_idx %arg9[%get3A_99], %convert_element_type3A_104 masked %unique3A_102 {add = true} : memref<10240xf32, #tpu.memory_space<vmem>>[vector<16xi32>], vector<16xf32>, vector<16xi1>
      %get3A_105 = arith.index_cast %scan3A_12 : i32 to index
      %get3A_106 = arith.constant 96 : index
      %get3A_107 = tpu.vector_load %arg6[%get3A_105, %get3A_106] {strides = array<i32>} : memref<80x128xi32, #tpu.memory_space<vmem>>, vector<16xi32>,
      %broadcast_in_dim3A_108 = arith.constant true
      %broadcast_in_dim3A_109 = vector.broadcast %broadcast_in_dim3A_108 : i1 to vector<16xi1>
      %unique3A_110, %unique3A_111 = tpu.scan_count mask(%broadcast_in_dim3A_109 : vector<16xi1>) value(%get3A_107 : vector<16xi32>) : vector<16xi1>, vector<16xi32>
      %convert_element_type3A_112 = arith.sitofp %unique3A_111 : vector<16xi32> to vector<16xf32>
      tpu.vector_store_idx %arg8[%get3A_107], %convert_element_type3A_112 masked %unique3A_110 {add = true} : memref<10240xf32, #tpu.memory_space<vmem>>[vector<16xi32>], vector<16xf32>, vector<16xi1>
      %get3A_113 = arith.index_cast %scan3A_12 : i32 to index
      %get3A_114 = arith.constant 96 : index
      %get3A_115 = tpu.vector_load %arg7[%get3A_113, %get3A_114] {strides = array<i32>} : memref<80x128xi32, #tpu.memory_space<vmem>>, vector<16xi32>,
      %broadcast_in_dim3A_116 = arith.constant true
      %broadcast_in_dim3A_117 = vector.broadcast %broadcast_in_dim3A_116 : i1 to vector<16xi1>
      %unique3A_118, %unique3A_119 = tpu.scan_count mask(%broadcast_in_dim3A_117 : vector<16xi1>) value(%get3A_115 : vector<16xi32>) : vector<16xi1>, vector<16xi32>
      %convert_element_type3A_120 = arith.sitofp %unique3A_119 : vector<16xi32> to vector<16xf32>
      tpu.vector_store_idx %arg9[%get3A_115], %convert_element_type3A_120 masked %unique3A_118 {add = true} : memref<10240xf32, #tpu.memory_space<vmem>>[vector<16xi32>], vector<16xf32>, vector<16xi1>
      %get3A_121 = arith.index_cast %scan3A_12 : i32 to index
      %get3A_122 = arith.constant 112 : index
      %get3A_123 = tpu.vector_load %arg6[%get3A_121, %get3A_122] {strides = array<i32>} : memref<80x128xi32, #tpu.memory_space<vmem>>, vector<16xi32>,
      %broadcast_in_dim3A_124 = arith.constant true
      %broadcast_in_dim3A_125 = vector.broadcast %broadcast_in_dim3A_124 : i1 to vector<16xi1>
      %unique3A_126, %unique3A_127 = tpu.scan_count mask(%broadcast_in_dim3A_125 : vector<16xi1>) value(%get3A_123 : vector<16xi32>) : vector<16xi1>, vector<16xi32>
      %convert_element_type3A_128 = arith.sitofp %unique3A_127 : vector<16xi32> to vector<16xf32>
      tpu.vector_store_idx %arg8[%get3A_123], %convert_element_type3A_128 masked %unique3A_126 {add = true} : memref<10240xf32, #tpu.memory_space<vmem>>[vector<16xi32>], vector<16xf32>, vector<16xi1>
      %get3A_129 = arith.index_cast %scan3A_12 : i32 to index
      %get3A_130 = arith.constant 112 : index
      %get3A_131 = tpu.vector_load %arg7[%get3A_129, %get3A_130] {strides = array<i32>} : memref<80x128xi32, #tpu.memory_space<vmem>>, vector<16xi32>,
      %broadcast_in_dim3A_132 = arith.constant true
      %broadcast_in_dim3A_133 = vector.broadcast %broadcast_in_dim3A_132 : i1 to vector<16xi1>
      %unique3A_134, %unique3A_135 = tpu.scan_count mask(%broadcast_in_dim3A_133 : vector<16xi1>) value(%get3A_131 : vector<16xi32>) : vector<16xi1>, vector<16xi32>
      %convert_element_type3A_136 = arith.sitofp %unique3A_135 : vector<16xi32> to vector<16xf32>
      tpu.vector_store_idx %arg9[%get3A_131], %convert_element_type3A_136 masked %unique3A_134 {add = true} : memref<10240xf32, #tpu.memory_space<vmem>>[vector<16xi32>], vector<16xf32>, vector<16xi1>
    }
    %scan3A_11 = arith.constant 80 : i32
    "tpu.region"() ({
      %run_scoped3A = tpu.sem_alloc : memref<!tpu.dma_semaphore, #tpu.memory_space<semaphore_mem>>
      %dma_start3A = arith.constant 0 : i32
      %dma_start3A_12 = tpu.memref_slice %arg4[%add3A, %dma_start3A] : memref<32x10240xf32, #tpu.memory_space<hbm>> -> memref<1x10240xf32, #tpu.memory_space<hbm>>
      %dma_start3A_13 = tpu.memref_squeeze %dma_start3A_12 : memref<1x10240xf32, #tpu.memory_space<hbm>> -> memref<10240xf32, #tpu.memory_space<hbm>>
      %dma_start3A_14 = arith.constant 0 : i32
      %dma_start3A_15 = tpu.memref_slice %arg4[%add3A, %dma_start3A_14] : memref<32x10240xf32, #tpu.memory_space<hbm>> -> memref<1x10240xf32, #tpu.memory_space<hbm>>
      %dma_start3A_16 = tpu.memref_squeeze %dma_start3A_15 : memref<1x10240xf32, #tpu.memory_space<hbm>> -> memref<10240xf32, #tpu.memory_space<hbm>>
      tpu.enqueue_dma source(%arg8 : memref<10240xf32, #tpu.memory_space<vmem>>) target(%dma_start3A_16 : memref<10240xf32, #tpu.memory_space<hbm>>) target_semaphore(%run_scoped3A : memref<!tpu.dma_semaphore, #tpu.memory_space<semaphore_mem>>)
      %dma_wait3A = arith.constant 0 : i32
      %dma_wait3A_17 = tpu.memref_slice %arg4[%add3A, %dma_wait3A] : memref<32x10240xf32, #tpu.memory_space<hbm>> -> memref<1x10240xf32, #tpu.memory_space<hbm>>
      %dma_wait3A_18 = tpu.memref_squeeze %dma_wait3A_17 : memref<1x10240xf32, #tpu.memory_space<hbm>> -> memref<10240xf32, #tpu.memory_space<hbm>>
      %dma_wait3A_19 = arith.constant 0 : i32
      %dma_wait3A_20 = tpu.memref_slice %arg4[%add3A, %dma_wait3A_19] : memref<32x10240xf32, #tpu.memory_space<hbm>> -> memref<1x10240xf32, #tpu.memory_space<hbm>>
      %dma_wait3A_21 = tpu.memref_squeeze %dma_wait3A_20 : memref<1x10240xf32, #tpu.memory_space<hbm>> -> memref<10240xf32, #tpu.memory_space<hbm>>
      tpu.wait_dma2 semaphore(%run_scoped3A : memref<!tpu.dma_semaphore, #tpu.memory_space<semaphore_mem>>) src(%arg8 : memref<10240xf32, #tpu.memory_space<vmem>>) dst(%dma_wait3A_21 : memref<10240xf32, #tpu.memory_space<hbm>>)
      tpu.yield
    }) : () -> ()
    "tpu.region"() ({
      %run_scoped3A = tpu.sem_alloc : memref<!tpu.dma_semaphore, #tpu.memory_space<semaphore_mem>>
      %dma_start3A = arith.constant 0 : i32
      %dma_start3A_12 = tpu.memref_slice %arg5[%add3A, %dma_start3A] : memref<32x10240xf32, #tpu.memory_space<hbm>> -> memref<1x10240xf32, #tpu.memory_space<hbm>>
      %dma_start3A_13 = tpu.memref_squeeze %dma_start3A_12 : memref<1x10240xf32, #tpu.memory_space<hbm>> -> memref<10240xf32, #tpu.memory_space<hbm>>
      %dma_start3A_14 = arith.constant 0 : i32
      %dma_start3A_15 = tpu.memref_slice %arg5[%add3A, %dma_start3A_14] : memref<32x10240xf32, #tpu.memory_space<hbm>> -> memref<1x10240xf32, #tpu.memory_space<hbm>>
      %dma_start3A_16 = tpu.memref_squeeze %dma_start3A_15 : memref<1x10240xf32, #tpu.memory_space<hbm>> -> memref<10240xf32, #tpu.memory_space<hbm>>
      tpu.enqueue_dma source(%arg9 : memref<10240xf32, #tpu.memory_space<vmem>>) target(%dma_start3A_16 : memref<10240xf32, #tpu.memory_space<hbm>>) target_semaphore(%run_scoped3A : memref<!tpu.dma_semaphore, #tpu.memory_space<semaphore_mem>>)
      %dma_wait3A = arith.constant 0 : i32
      %dma_wait3A_17 = tpu.memref_slice %arg5[%add3A, %dma_wait3A] : memref<32x10240xf32, #tpu.memory_space<hbm>> -> memref<1x10240xf32, #tpu.memory_space<hbm>>
      %dma_wait3A_18 = tpu.memref_squeeze %dma_wait3A_17 : memref<1x10240xf32, #tpu.memory_space<hbm>> -> memref<10240xf32, #tpu.memory_space<hbm>>
      %dma_wait3A_19 = arith.constant 0 : i32
      %dma_wait3A_20 = tpu.memref_slice %arg5[%add3A, %dma_wait3A_19] : memref<32x10240xf32, #tpu.memory_space<hbm>> -> memref<1x10240xf32, #tpu.memory_space<hbm>>
      %dma_wait3A_21 = tpu.memref_squeeze %dma_wait3A_20 : memref<1x10240xf32, #tpu.memory_space<hbm>> -> memref<10240xf32, #tpu.memory_space<hbm>>
      tpu.wait_dma2 semaphore(%run_scoped3A : memref<!tpu.dma_semaphore, #tpu.memory_space<semaphore_mem>>) src(%arg9 : memref<10240xf32, #tpu.memory_space<vmem>>) dst(%dma_wait3A_21 : memref<10240xf32, #tpu.memory_space<hbm>>)
      tpu.yield
    }) : () -> ()
    return
  }
}

#map = affine_map<(d0, d1) -> (0, 0)>
#map1 = affine_map<(d0, d1) -> (0, 0, 0)>
module attributes {stable_mosaic.version = 14 : i64} {
  func.func @_agg_body(%arg0: i32, %arg1: i32, %arg2: memref<10240x128xf32, #tpu.memory_space<hbm>>, %arg3: memref<32x80x128xi32, #tpu.memory_space<hbm>>, %arg4: memref<32x80x128xi32, #tpu.memory_space<hbm>>, %arg5: memref<1x128xf32, #tpu.memory_space<hbm>>, %arg6: memref<2x10240x128xf32, #tpu.memory_space<hbm>>, %arg7: memref<16x128xi32, #tpu.memory_space<vmem>>, %arg8: memref<16x128xi32, #tpu.memory_space<vmem>>, %arg9: memref<128x128xf32, #tpu.memory_space<vmem>>, %arg10: memref<128x128xf32, #tpu.memory_space<vmem>>, %arg11: memref<10240x128xf32, #tpu.memory_space<vmem_shared>>, %arg12: memref<!tpu.dma_semaphore, #tpu.memory_space<semaphore_mem>>, %arg13: memref<!tpu.dma_semaphore, #tpu.memory_space<semaphore_mem>>, %arg14: memref<!tpu.dma_semaphore, #tpu.memory_space<semaphore_mem>>, %arg15: memref<!tpu.dma_semaphore, #tpu.memory_space<semaphore_mem>>) attributes {dimension_semantics = [#tpu.dimension_semantics<core_parallel>, #tpu.dimension_semantics<subcore_parallel>], iteration_bounds = array<i64: 2, 16>, scalar_prefetch = 0 : i64, scratch_operands = 9 : i64, tpu.core_type = #tpu.core_type<sc_vector_subcore>, window_params = [{transform_indices = #map}, {transform_indices = #map1}, {transform_indices = #map1}, {transform_indices = #map}, {transform_indices = #map1}]} {
    %mul3A = arith.constant 16 : i32
    %mul3A_0 = arith.muli %arg0, %mul3A : i32
    %add3A = arith.addi %mul3A_0, %arg1 : i32
    %mul3A_1 = arith.constant 640 : i32
    %mul3A_2 = arith.muli %arg1, %mul3A_1 : i32
    %scan3A = arith.constant 0 : i32
    %scan3A_3 = arith.constant 0 : i32
    %scan3A_4 = arith.constant 128 : i32
    %scan3A_5 = arith.addi %scan3A_3, %scan3A_4 : i32
    %scan3A_6 = arith.constant 1 : i32
    scf.for %scan3A_73 = %scan3A_3 to %scan3A_5 step %scan3A_6  : i32 {
      %run_scoped3A = arith.constant 0 : i32
      "tpu.region"() ({
        %run_scoped3A_74 = tpu.sem_alloc : memref<!tpu.dma_semaphore, #tpu.memory_space<semaphore_mem>>
        %dma_start3A_75 = arith.constant 0 : i32
        %dma_start3A_76 = tpu.memref_slice %arg9[%scan3A_73, %dma_start3A_75] : memref<128x128xf32, #tpu.memory_space<vmem>> -> memref<1x128xf32, #tpu.memory_space<vmem>>
        %dma_start3A_77 = tpu.memref_squeeze %dma_start3A_76 : memref<1x128xf32, #tpu.memory_space<vmem>> -> memref<128xf32, #tpu.memory_space<vmem>>
        %dma_start3A_78 = arith.constant 0 : i32
        %dma_start3A_79 = tpu.memref_slice %arg5[%run_scoped3A, %dma_start3A_78] : memref<1x128xf32, #tpu.memory_space<hbm>> -> memref<1x128xf32, #tpu.memory_space<hbm>>
        %dma_start3A_80 = tpu.memref_squeeze %dma_start3A_79 : memref<1x128xf32, #tpu.memory_space<hbm>> -> memref<128xf32, #tpu.memory_space<hbm>>
        %dma_start3A_81 = arith.constant 0 : i32
        %dma_start3A_82 = tpu.memref_slice %arg9[%scan3A_73, %dma_start3A_81] : memref<128x128xf32, #tpu.memory_space<vmem>> -> memref<1x128xf32, #tpu.memory_space<vmem>>
        %dma_start3A_83 = tpu.memref_squeeze %dma_start3A_82 : memref<1x128xf32, #tpu.memory_space<vmem>> -> memref<128xf32, #tpu.memory_space<vmem>>
        %dma_start3A_84 = arith.constant 0 : i32
        %dma_start3A_85 = tpu.memref_slice %arg5[%run_scoped3A, %dma_start3A_84] : memref<1x128xf32, #tpu.memory_space<hbm>> -> memref<1x128xf32, #tpu.memory_space<hbm>>
        %dma_start3A_86 = tpu.memref_squeeze %dma_start3A_85 : memref<1x128xf32, #tpu.memory_space<hbm>> -> memref<128xf32, #tpu.memory_space<hbm>>
        tpu.enqueue_dma source(%dma_start3A_86 : memref<128xf32, #tpu.memory_space<hbm>>) target(%dma_start3A_83 : memref<128xf32, #tpu.memory_space<vmem>>) target_semaphore(%run_scoped3A_74 : memref<!tpu.dma_semaphore, #tpu.memory_space<semaphore_mem>>)
        %dma_wait3A_87 = arith.constant 0 : i32
        %dma_wait3A_88 = tpu.memref_slice %arg9[%scan3A_73, %dma_wait3A_87] : memref<128x128xf32, #tpu.memory_space<vmem>> -> memref<1x128xf32, #tpu.memory_space<vmem>>
        %dma_wait3A_89 = tpu.memref_squeeze %dma_wait3A_88 : memref<1x128xf32, #tpu.memory_space<vmem>> -> memref<128xf32, #tpu.memory_space<vmem>>
        %dma_wait3A_90 = arith.constant 0 : i32
        %dma_wait3A_91 = tpu.memref_slice %arg5[%run_scoped3A, %dma_wait3A_90] : memref<1x128xf32, #tpu.memory_space<hbm>> -> memref<1x128xf32, #tpu.memory_space<hbm>>
        %dma_wait3A_92 = tpu.memref_squeeze %dma_wait3A_91 : memref<1x128xf32, #tpu.memory_space<hbm>> -> memref<128xf32, #tpu.memory_space<hbm>>
        %dma_wait3A_93 = arith.constant 0 : i32
        %dma_wait3A_94 = tpu.memref_slice %arg9[%scan3A_73, %dma_wait3A_93] : memref<128x128xf32, #tpu.memory_space<vmem>> -> memref<1x128xf32, #tpu.memory_space<vmem>>
        %dma_wait3A_95 = tpu.memref_squeeze %dma_wait3A_94 : memref<1x128xf32, #tpu.memory_space<vmem>> -> memref<128xf32, #tpu.memory_space<vmem>>
        %dma_wait3A_96 = arith.constant 0 : i32
        %dma_wait3A_97 = tpu.memref_slice %arg5[%run_scoped3A, %dma_wait3A_96] : memref<1x128xf32, #tpu.memory_space<hbm>> -> memref<1x128xf32, #tpu.memory_space<hbm>>
        %dma_wait3A_98 = tpu.memref_squeeze %dma_wait3A_97 : memref<1x128xf32, #tpu.memory_space<hbm>> -> memref<128xf32, #tpu.memory_space<hbm>>
        tpu.wait_dma2 semaphore(%run_scoped3A_74 : memref<!tpu.dma_semaphore, #tpu.memory_space<semaphore_mem>>) src(%dma_wait3A_98 : memref<128xf32, #tpu.memory_space<hbm>>) dst(%dma_wait3A_95 : memref<128xf32, #tpu.memory_space<vmem>>)
        tpu.yield
      }) : () -> ()
    }
    %scan3A_7 = arith.constant 128 : i32
    %add3A_8 = arith.constant 0 : i32
    %add3A_9 = arith.addi %mul3A_2, %add3A_8 : i32
    %dma_start3A = arith.constant 0 : i32
    %dma_start3A_10 = tpu.memref_slice %arg11[%add3A_9, %dma_start3A] : memref<10240x128xf32, #tpu.memory_space<vmem_shared>> -> memref<128x128xf32, #tpu.memory_space<vmem_shared>>
    %dma_start3A_11 = arith.constant 0 : i32
    %dma_start3A_12 = tpu.memref_slice %arg11[%add3A_9, %dma_start3A_11] : memref<10240x128xf32, #tpu.memory_space<vmem_shared>> -> memref<128x128xf32, #tpu.memory_space<vmem_shared>>
    tpu.enqueue_dma source(%arg9 : memref<128x128xf32, #tpu.memory_space<vmem>>) target(%dma_start3A_12 : memref<128x128xf32, #tpu.memory_space<vmem_shared>>) target_semaphore(%arg12 : memref<!tpu.dma_semaphore, #tpu.memory_space<semaphore_mem>>)
    %add3A_13 = arith.constant 128 : i32
    %add3A_14 = arith.addi %mul3A_2, %add3A_13 : i32
    %dma_start3A_15 = arith.constant 0 : i32
    %dma_start3A_16 = tpu.memref_slice %arg11[%add3A_14, %dma_start3A_15] : memref<10240x128xf32, #tpu.memory_space<vmem_shared>> -> memref<128x128xf32, #tpu.memory_space<vmem_shared>>
    %dma_start3A_17 = arith.constant 0 : i32
    %dma_start3A_18 = tpu.memref_slice %arg11[%add3A_14, %dma_start3A_17] : memref<10240x128xf32, #tpu.memory_space<vmem_shared>> -> memref<128x128xf32, #tpu.memory_space<vmem_shared>>
    tpu.enqueue_dma source(%arg9 : memref<128x128xf32, #tpu.memory_space<vmem>>) target(%dma_start3A_18 : memref<128x128xf32, #tpu.memory_space<vmem_shared>>) target_semaphore(%arg12 : memref<!tpu.dma_semaphore, #tpu.memory_space<semaphore_mem>>)
    %add3A_19 = arith.constant 256 : i32
    %add3A_20 = arith.addi %mul3A_2, %add3A_19 : i32
    %dma_start3A_21 = arith.constant 0 : i32
    %dma_start3A_22 = tpu.memref_slice %arg11[%add3A_20, %dma_start3A_21] : memref<10240x128xf32, #tpu.memory_space<vmem_shared>> -> memref<128x128xf32, #tpu.memory_space<vmem_shared>>
    %dma_start3A_23 = arith.constant 0 : i32
    %dma_start3A_24 = tpu.memref_slice %arg11[%add3A_20, %dma_start3A_23] : memref<10240x128xf32, #tpu.memory_space<vmem_shared>> -> memref<128x128xf32, #tpu.memory_space<vmem_shared>>
    tpu.enqueue_dma source(%arg9 : memref<128x128xf32, #tpu.memory_space<vmem>>) target(%dma_start3A_24 : memref<128x128xf32, #tpu.memory_space<vmem_shared>>) target_semaphore(%arg12 : memref<!tpu.dma_semaphore, #tpu.memory_space<semaphore_mem>>)
    %add3A_25 = arith.constant 384 : i32
    %add3A_26 = arith.addi %mul3A_2, %add3A_25 : i32
    %dma_start3A_27 = arith.constant 0 : i32
    %dma_start3A_28 = tpu.memref_slice %arg11[%add3A_26, %dma_start3A_27] : memref<10240x128xf32, #tpu.memory_space<vmem_shared>> -> memref<128x128xf32, #tpu.memory_space<vmem_shared>>
    %dma_start3A_29 = arith.constant 0 : i32
    %dma_start3A_30 = tpu.memref_slice %arg11[%add3A_26, %dma_start3A_29] : memref<10240x128xf32, #tpu.memory_space<vmem_shared>> -> memref<128x128xf32, #tpu.memory_space<vmem_shared>>
    tpu.enqueue_dma source(%arg9 : memref<128x128xf32, #tpu.memory_space<vmem>>) target(%dma_start3A_30 : memref<128x128xf32, #tpu.memory_space<vmem_shared>>) target_semaphore(%arg12 : memref<!tpu.dma_semaphore, #tpu.memory_space<semaphore_mem>>)
    %add3A_31 = arith.constant 512 : i32
    %add3A_32 = arith.addi %mul3A_2, %add3A_31 : i32
    %dma_start3A_33 = arith.constant 0 : i32
    %dma_start3A_34 = tpu.memref_slice %arg11[%add3A_32, %dma_start3A_33] : memref<10240x128xf32, #tpu.memory_space<vmem_shared>> -> memref<128x128xf32, #tpu.memory_space<vmem_shared>>
    %dma_start3A_35 = arith.constant 0 : i32
    %dma_start3A_36 = tpu.memref_slice %arg11[%add3A_32, %dma_start3A_35] : memref<10240x128xf32, #tpu.memory_space<vmem_shared>> -> memref<128x128xf32, #tpu.memory_space<vmem_shared>>
    tpu.enqueue_dma source(%arg9 : memref<128x128xf32, #tpu.memory_space<vmem>>) target(%dma_start3A_36 : memref<128x128xf32, #tpu.memory_space<vmem_shared>>) target_semaphore(%arg12 : memref<!tpu.dma_semaphore, #tpu.memory_space<semaphore_mem>>)
    %add3A_37 = arith.constant 0 : i32
    %add3A_38 = arith.addi %mul3A_2, %add3A_37 : i32
    %dma_wait3A = arith.constant 0 : i32
    %dma_wait3A_39 = tpu.memref_slice %arg11[%add3A_38, %dma_wait3A] : memref<10240x128xf32, #tpu.memory_space<vmem_shared>> -> memref<128x128xf32, #tpu.memory_space<vmem_shared>>
    %dma_wait3A_40 = arith.constant 0 : i32
    %dma_wait3A_41 = tpu.memref_slice %arg11[%add3A_38, %dma_wait3A_40] : memref<10240x128xf32, #tpu.memory_space<vmem_shared>> -> memref<128x128xf32, #tpu.memory_space<vmem_shared>>
    tpu.wait_dma2 semaphore(%arg12 : memref<!tpu.dma_semaphore, #tpu.memory_space<semaphore_mem>>) src(%arg9 : memref<128x128xf32, #tpu.memory_space<vmem>>) dst(%dma_wait3A_41 : memref<128x128xf32, #tpu.memory_space<vmem_shared>>)
    %add3A_42 = arith.constant 128 : i32
    %add3A_43 = arith.addi %mul3A_2, %add3A_42 : i32
    %dma_wait3A_44 = arith.constant 0 : i32
    %dma_wait3A_45 = tpu.memref_slice %arg11[%add3A_43, %dma_wait3A_44] : memref<10240x128xf32, #tpu.memory_space<vmem_shared>> -> memref<128x128xf32, #tpu.memory_space<vmem_shared>>
    %dma_wait3A_46 = arith.constant 0 : i32
    %dma_wait3A_47 = tpu.memref_slice %arg11[%add3A_43, %dma_wait3A_46] : memref<10240x128xf32, #tpu.memory_space<vmem_shared>> -> memref<128x128xf32, #tpu.memory_space<vmem_shared>>
    tpu.wait_dma2 semaphore(%arg12 : memref<!tpu.dma_semaphore, #tpu.memory_space<semaphore_mem>>) src(%arg9 : memref<128x128xf32, #tpu.memory_space<vmem>>) dst(%dma_wait3A_47 : memref<128x128xf32, #tpu.memory_space<vmem_shared>>)
    %add3A_48 = arith.constant 256 : i32
    %add3A_49 = arith.addi %mul3A_2, %add3A_48 : i32
    %dma_wait3A_50 = arith.constant 0 : i32
    %dma_wait3A_51 = tpu.memref_slice %arg11[%add3A_49, %dma_wait3A_50] : memref<10240x128xf32, #tpu.memory_space<vmem_shared>> -> memref<128x128xf32, #tpu.memory_space<vmem_shared>>
    %dma_wait3A_52 = arith.constant 0 : i32
    %dma_wait3A_53 = tpu.memref_slice %arg11[%add3A_49, %dma_wait3A_52] : memref<10240x128xf32, #tpu.memory_space<vmem_shared>> -> memref<128x128xf32, #tpu.memory_space<vmem_shared>>
    tpu.wait_dma2 semaphore(%arg12 : memref<!tpu.dma_semaphore, #tpu.memory_space<semaphore_mem>>) src(%arg9 : memref<128x128xf32, #tpu.memory_space<vmem>>) dst(%dma_wait3A_53 : memref<128x128xf32, #tpu.memory_space<vmem_shared>>)
    %add3A_54 = arith.constant 384 : i32
    %add3A_55 = arith.addi %mul3A_2, %add3A_54 : i32
    %dma_wait3A_56 = arith.constant 0 : i32
    %dma_wait3A_57 = tpu.memref_slice %arg11[%add3A_55, %dma_wait3A_56] : memref<10240x128xf32, #tpu.memory_space<vmem_shared>> -> memref<128x128xf32, #tpu.memory_space<vmem_shared>>
    %dma_wait3A_58 = arith.constant 0 : i32
    %dma_wait3A_59 = tpu.memref_slice %arg11[%add3A_55, %dma_wait3A_58] : memref<10240x128xf32, #tpu.memory_space<vmem_shared>> -> memref<128x128xf32, #tpu.memory_space<vmem_shared>>
    tpu.wait_dma2 semaphore(%arg12 : memref<!tpu.dma_semaphore, #tpu.memory_space<semaphore_mem>>) src(%arg9 : memref<128x128xf32, #tpu.memory_space<vmem>>) dst(%dma_wait3A_59 : memref<128x128xf32, #tpu.memory_space<vmem_shared>>)
    %add3A_60 = arith.constant 512 : i32
    %add3A_61 = arith.addi %mul3A_2, %add3A_60 : i32
    %dma_wait3A_62 = arith.constant 0 : i32
    %dma_wait3A_63 = tpu.memref_slice %arg11[%add3A_61, %dma_wait3A_62] : memref<10240x128xf32, #tpu.memory_space<vmem_shared>> -> memref<128x128xf32, #tpu.memory_space<vmem_shared>>
    %dma_wait3A_64 = arith.constant 0 : i32
    %dma_wait3A_65 = tpu.memref_slice %arg11[%add3A_61, %dma_wait3A_64] : memref<10240x128xf32, #tpu.memory_space<vmem_shared>> -> memref<128x128xf32, #tpu.memory_space<vmem_shared>>
    tpu.wait_dma2 semaphore(%arg12 : memref<!tpu.dma_semaphore, #tpu.memory_space<semaphore_mem>>) src(%arg9 : memref<128x128xf32, #tpu.memory_space<vmem>>) dst(%dma_wait3A_65 : memref<128x128xf32, #tpu.memory_space<vmem_shared>>)
    %barrier3A = arith.constant 0 : index
    tpu.barrier barrier_id(%barrier3A)
    %scan3A_66 = arith.constant 0 : i32
    %scan3A_67 = arith.constant 0 : i32
    %scan3A_68 = arith.constant 5 : i32
    %scan3A_69 = arith.addi %scan3A_67, %scan3A_68 : i32
    %scan3A_70 = arith.constant 1 : i32
    scf.for %scan3A_73 = %scan3A_67 to %scan3A_69 step %scan3A_70  : i32 {
      %mul3A_74 = arith.constant 16 : i32
      %mul3A_75 = arith.muli %scan3A_73, %mul3A_74 : i32
      "tpu.region"() ({
        %run_scoped3A = tpu.sem_alloc : memref<!tpu.dma_semaphore, #tpu.memory_space<semaphore_mem>>
        %dma_start3A_96 = arith.constant 0 : i32
        %dma_start3A_97 = arith.constant 0 : i32
        %dma_start3A_98 = tpu.memref_slice %arg3[%add3A, %dma_start3A_96, %dma_start3A_97] : memref<32x80x128xi32, #tpu.memory_space<hbm>> -> memref<1x80x128xi32, #tpu.memory_space<hbm>>
        %dma_start3A_99 = tpu.memref_squeeze %dma_start3A_98 : memref<1x80x128xi32, #tpu.memory_space<hbm>> -> memref<80x128xi32, #tpu.memory_space<hbm>>
        %dma_start3A_100 = arith.constant 0 : i32
        %dma_start3A_101 = tpu.memref_slice %dma_start3A_99[%mul3A_75, %dma_start3A_100] : memref<80x128xi32, #tpu.memory_space<hbm>> -> memref<16x128xi32, #tpu.memory_space<hbm>>
        %dma_start3A_102 = arith.constant 0 : i32
        %dma_start3A_103 = arith.constant 0 : i32
        %dma_start3A_104 = tpu.memref_slice %arg3[%add3A, %dma_start3A_102, %dma_start3A_103] : memref<32x80x128xi32, #tpu.memory_space<hbm>> -> memref<1x80x128xi32, #tpu.memory_space<hbm>>
        %dma_start3A_105 = tpu.memref_squeeze %dma_start3A_104 : memref<1x80x128xi32, #tpu.memory_space<hbm>> -> memref<80x128xi32, #tpu.memory_space<hbm>>
        %dma_start3A_106 = arith.constant 0 : i32
        %dma_start3A_107 = tpu.memref_slice %dma_start3A_105[%mul3A_75, %dma_start3A_106] : memref<80x128xi32, #tpu.memory_space<hbm>> -> memref<16x128xi32, #tpu.memory_space<hbm>>
        tpu.enqueue_dma source(%dma_start3A_107 : memref<16x128xi32, #tpu.memory_space<hbm>>) target(%arg7 : memref<16x128xi32, #tpu.memory_space<vmem>>) target_semaphore(%run_scoped3A : memref<!tpu.dma_semaphore, #tpu.memory_space<semaphore_mem>>)
        %dma_wait3A_108 = arith.constant 0 : i32
        %dma_wait3A_109 = arith.constant 0 : i32
        %dma_wait3A_110 = tpu.memref_slice %arg3[%add3A, %dma_wait3A_108, %dma_wait3A_109] : memref<32x80x128xi32, #tpu.memory_space<hbm>> -> memref<1x80x128xi32, #tpu.memory_space<hbm>>
        %dma_wait3A_111 = tpu.memref_squeeze %dma_wait3A_110 : memref<1x80x128xi32, #tpu.memory_space<hbm>> -> memref<80x128xi32, #tpu.memory_space<hbm>>
        %dma_wait3A_112 = arith.constant 0 : i32
        %dma_wait3A_113 = tpu.memref_slice %dma_wait3A_111[%mul3A_75, %dma_wait3A_112] : memref<80x128xi32, #tpu.memory_space<hbm>> -> memref<16x128xi32, #tpu.memory_space<hbm>>
        %dma_wait3A_114 = arith.constant 0 : i32
        %dma_wait3A_115 = arith.constant 0 : i32
        %dma_wait3A_116 = tpu.memref_slice %arg3[%add3A, %dma_wait3A_114, %dma_wait3A_115] : memref<32x80x128xi32, #tpu.memory_space<hbm>> -> memref<1x80x128xi32, #tpu.memory_space<hbm>>
        %dma_wait3A_117 = tpu.memref_squeeze %dma_wait3A_116 : memref<1x80x128xi32, #tpu.memory_space<hbm>> -> memref<80x128xi32, #tpu.memory_space<hbm>>
        %dma_wait3A_118 = arith.constant 0 : i32
        %dma_wait3A_119 = tpu.memref_slice %dma_wait3A_117[%mul3A_75, %dma_wait3A_118] : memref<80x128xi32, #tpu.memory_space<hbm>> -> memref<16x128xi32, #tpu.memory_space<hbm>>
        tpu.wait_dma2 semaphore(%run_scoped3A : memref<!tpu.dma_semaphore, #tpu.memory_space<semaphore_mem>>) src(%dma_wait3A_119 : memref<16x128xi32, #tpu.memory_space<hbm>>) dst(%arg7 : memref<16x128xi32, #tpu.memory_space<vmem>>)
        tpu.yield
      }) : () -> ()
      "tpu.region"() ({
        %run_scoped3A = tpu.sem_alloc : memref<!tpu.dma_semaphore, #tpu.memory_space<semaphore_mem>>
        %dma_start3A_96 = arith.constant 0 : i32
        %dma_start3A_97 = arith.constant 0 : i32
        %dma_start3A_98 = tpu.memref_slice %arg4[%add3A, %dma_start3A_96, %dma_start3A_97] : memref<32x80x128xi32, #tpu.memory_space<hbm>> -> memref<1x80x128xi32, #tpu.memory_space<hbm>>
        %dma_start3A_99 = tpu.memref_squeeze %dma_start3A_98 : memref<1x80x128xi32, #tpu.memory_space<hbm>> -> memref<80x128xi32, #tpu.memory_space<hbm>>
        %dma_start3A_100 = arith.constant 0 : i32
        %dma_start3A_101 = tpu.memref_slice %dma_start3A_99[%mul3A_75, %dma_start3A_100] : memref<80x128xi32, #tpu.memory_space<hbm>> -> memref<16x128xi32, #tpu.memory_space<hbm>>
        %dma_start3A_102 = arith.constant 0 : i32
        %dma_start3A_103 = arith.constant 0 : i32
        %dma_start3A_104 = tpu.memref_slice %arg4[%add3A, %dma_start3A_102, %dma_start3A_103] : memref<32x80x128xi32, #tpu.memory_space<hbm>> -> memref<1x80x128xi32, #tpu.memory_space<hbm>>
        %dma_start3A_105 = tpu.memref_squeeze %dma_start3A_104 : memref<1x80x128xi32, #tpu.memory_space<hbm>> -> memref<80x128xi32, #tpu.memory_space<hbm>>
        %dma_start3A_106 = arith.constant 0 : i32
        %dma_start3A_107 = tpu.memref_slice %dma_start3A_105[%mul3A_75, %dma_start3A_106] : memref<80x128xi32, #tpu.memory_space<hbm>> -> memref<16x128xi32, #tpu.memory_space<hbm>>
        tpu.enqueue_dma source(%dma_start3A_107 : memref<16x128xi32, #tpu.memory_space<hbm>>) target(%arg8 : memref<16x128xi32, #tpu.memory_space<vmem>>) target_semaphore(%run_scoped3A : memref<!tpu.dma_semaphore, #tpu.memory_space<semaphore_mem>>)
        %dma_wait3A_108 = arith.constant 0 : i32
        %dma_wait3A_109 = arith.constant 0 : i32
        %dma_wait3A_110 = tpu.memref_slice %arg4[%add3A, %dma_wait3A_108, %dma_wait3A_109] : memref<32x80x128xi32, #tpu.memory_space<hbm>> -> memref<1x80x128xi32, #tpu.memory_space<hbm>>
        %dma_wait3A_111 = tpu.memref_squeeze %dma_wait3A_110 : memref<1x80x128xi32, #tpu.memory_space<hbm>> -> memref<80x128xi32, #tpu.memory_space<hbm>>
        %dma_wait3A_112 = arith.constant 0 : i32
        %dma_wait3A_113 = tpu.memref_slice %dma_wait3A_111[%mul3A_75, %dma_wait3A_112] : memref<80x128xi32, #tpu.memory_space<hbm>> -> memref<16x128xi32, #tpu.memory_space<hbm>>
        %dma_wait3A_114 = arith.constant 0 : i32
        %dma_wait3A_115 = arith.constant 0 : i32
        %dma_wait3A_116 = tpu.memref_slice %arg4[%add3A, %dma_wait3A_114, %dma_wait3A_115] : memref<32x80x128xi32, #tpu.memory_space<hbm>> -> memref<1x80x128xi32, #tpu.memory_space<hbm>>
        %dma_wait3A_117 = tpu.memref_squeeze %dma_wait3A_116 : memref<1x80x128xi32, #tpu.memory_space<hbm>> -> memref<80x128xi32, #tpu.memory_space<hbm>>
        %dma_wait3A_118 = arith.constant 0 : i32
        %dma_wait3A_119 = tpu.memref_slice %dma_wait3A_117[%mul3A_75, %dma_wait3A_118] : memref<80x128xi32, #tpu.memory_space<hbm>> -> memref<16x128xi32, #tpu.memory_space<hbm>>
        tpu.wait_dma2 semaphore(%run_scoped3A : memref<!tpu.dma_semaphore, #tpu.memory_space<semaphore_mem>>) src(%dma_wait3A_119 : memref<16x128xi32, #tpu.memory_space<hbm>>) dst(%arg8 : memref<16x128xi32, #tpu.memory_space<vmem>>)
        tpu.yield
      }) : () -> ()
      %dma_start3A_76 = arith.constant 0 : i32
      %dma_start3A_77 = arith.constant 0 : i32
      %dma_start3A_78 = tpu.memref_slice %arg7[%dma_start3A_76, %dma_start3A_77] : memref<16x128xi32, #tpu.memory_space<vmem>> -> memref<1x128xi32, #tpu.memory_space<vmem>>
      %dma_start3A_79 = tpu.memref_squeeze %dma_start3A_78 : memref<1x128xi32, #tpu.memory_space<vmem>> -> memref<128xi32, #tpu.memory_space<vmem>>
      %dma_start3A_80 = arith.constant 0 : i32
      %dma_start3A_81 = arith.constant 0 : i32
      %dma_start3A_82 = tpu.memref_slice %arg2[%dma_start3A_80, %dma_start3A_81] : memref<10240x128xf32, #tpu.memory_space<hbm>> -> memref<10240x128xf32, #tpu.memory_space<hbm>>
      tpu.enqueue_indirect_dma source(%dma_start3A_82 : memref<10240x128xf32, #tpu.memory_space<hbm>>) target(%arg9 : memref<128x128xf32, #tpu.memory_space<vmem>>) offsets(%dma_start3A_79 : memref<128xi32, #tpu.memory_space<vmem>>) semaphore(%arg12 : memref<!tpu.dma_semaphore, #tpu.memory_space<semaphore_mem>>)
      %dma_start3A_83 = arith.constant 1 : i32
      %dma_start3A_84 = arith.constant 0 : i32
      %dma_start3A_85 = tpu.memref_slice %arg7[%dma_start3A_83, %dma_start3A_84] : memref<16x128xi32, #tpu.memory_space<vmem>> -> memref<1x128xi32, #tpu.memory_space<vmem>>
      %dma_start3A_86 = tpu.memref_squeeze %dma_start3A_85 : memref<1x128xi32, #tpu.memory_space<vmem>> -> memref<128xi32, #tpu.memory_space<vmem>>
      %dma_start3A_87 = arith.constant 0 : i32
      %dma_start3A_88 = arith.constant 0 : i32
      %dma_start3A_89 = tpu.memref_slice %arg2[%dma_start3A_87, %dma_start3A_88] : memref<10240x128xf32, #tpu.memory_space<hbm>> -> memref<10240x128xf32, #tpu.memory_space<hbm>>
      tpu.enqueue_indirect_dma source(%dma_start3A_89 : memref<10240x128xf32, #tpu.memory_space<hbm>>) target(%arg10 : memref<128x128xf32, #tpu.memory_space<vmem>>) offsets(%dma_start3A_86 : memref<128xi32, #tpu.memory_space<vmem>>) semaphore(%arg13 : memref<!tpu.dma_semaphore, #tpu.memory_space<semaphore_mem>>)
      %scan3A_90 = arith.constant 0 : i32
      %scan3A_91 = arith.constant 0 : i32
      %scan3A_92 = arith.constant 8 : i32
      %scan3A_93 = arith.addi %scan3A_91, %scan3A_92 : i32
      %scan3A_94 = arith.constant 1 : i32
      scf.for %scan3A_96 = %scan3A_91 to %scan3A_93 step %scan3A_94  : i32 {
        %mul3A_97 = arith.constant 2 : i32
        %mul3A_98 = arith.muli %mul3A_97, %scan3A_96 : i32
        %add3A_99 = arith.constant 1 : i32
        %add3A_100 = arith.addi %mul3A_98, %add3A_99 : i32
        %dma_wait3A_101 = arith.constant 0 : i32
        %dma_wait3A_102 = tpu.memref_slice %arg7[%mul3A_98, %dma_wait3A_101] : memref<16x128xi32, #tpu.memory_space<vmem>> -> memref<1x128xi32, #tpu.memory_space<vmem>>
        %dma_wait3A_103 = tpu.memref_squeeze %dma_wait3A_102 : memref<1x128xi32, #tpu.memory_space<vmem>> -> memref<128xi32, #tpu.memory_space<vmem>>
        %dma_wait3A_104 = arith.constant 0 : i32
        %dma_wait3A_105 = arith.constant 0 : i32
        %dma_wait3A_106 = tpu.memref_slice %arg2[%dma_wait3A_104, %dma_wait3A_105] : memref<10240x128xf32, #tpu.memory_space<hbm>> -> memref<10240x128xf32, #tpu.memory_space<hbm>>
        tpu.wait_indirect_dma semaphore(%arg12 : memref<!tpu.dma_semaphore, #tpu.memory_space<semaphore_mem>>) src(%dma_wait3A_106 : memref<10240x128xf32, #tpu.memory_space<hbm>>) dst(%arg9 : memref<128x128xf32, #tpu.memory_space<vmem>>)
        %dma_start3A_107 = arith.constant 0 : i32
        %dma_start3A_108 = tpu.memref_slice %arg8[%mul3A_98, %dma_start3A_107] : memref<16x128xi32, #tpu.memory_space<vmem>> -> memref<1x128xi32, #tpu.memory_space<vmem>>
        %dma_start3A_109 = tpu.memref_squeeze %dma_start3A_108 : memref<1x128xi32, #tpu.memory_space<vmem>> -> memref<128xi32, #tpu.memory_space<vmem>>
        %dma_start3A_110 = arith.constant 0 : i32
        %dma_start3A_111 = arith.constant 0 : i32
        %dma_start3A_112 = tpu.memref_slice %arg11[%dma_start3A_110, %dma_start3A_111] : memref<10240x128xf32, #tpu.memory_space<vmem_shared>> -> memref<10240x128xf32, #tpu.memory_space<vmem_shared>>
        tpu.enqueue_indirect_dma source(%arg9 : memref<128x128xf32, #tpu.memory_space<vmem>>) target(%dma_start3A_112 : memref<10240x128xf32, #tpu.memory_space<vmem_shared>>) offsets(%dma_start3A_109 : memref<128xi32, #tpu.memory_space<vmem>>) semaphore(%arg14 : memref<!tpu.dma_semaphore, #tpu.memory_space<semaphore_mem>>) {add = true}
        %dma_wait3A_113 = arith.constant 0 : i32
        %dma_wait3A_114 = tpu.memref_slice %arg7[%add3A_100, %dma_wait3A_113] : memref<16x128xi32, #tpu.memory_space<vmem>> -> memref<1x128xi32, #tpu.memory_space<vmem>>
        %dma_wait3A_115 = tpu.memref_squeeze %dma_wait3A_114 : memref<1x128xi32, #tpu.memory_space<vmem>> -> memref<128xi32, #tpu.memory_space<vmem>>
        %dma_wait3A_116 = arith.constant 0 : i32
        %dma_wait3A_117 = arith.constant 0 : i32
        %dma_wait3A_118 = tpu.memref_slice %arg2[%dma_wait3A_116, %dma_wait3A_117] : memref<10240x128xf32, #tpu.memory_space<hbm>> -> memref<10240x128xf32, #tpu.memory_space<hbm>>
        tpu.wait_indirect_dma semaphore(%arg13 : memref<!tpu.dma_semaphore, #tpu.memory_space<semaphore_mem>>) src(%dma_wait3A_118 : memref<10240x128xf32, #tpu.memory_space<hbm>>) dst(%arg10 : memref<128x128xf32, #tpu.memory_space<vmem>>)
        %dma_start3A_119 = arith.constant 0 : i32
        %dma_start3A_120 = tpu.memref_slice %arg8[%add3A_100, %dma_start3A_119] : memref<16x128xi32, #tpu.memory_space<vmem>> -> memref<1x128xi32, #tpu.memory_space<vmem>>
        %dma_start3A_121 = tpu.memref_squeeze %dma_start3A_120 : memref<1x128xi32, #tpu.memory_space<vmem>> -> memref<128xi32, #tpu.memory_space<vmem>>
        %dma_start3A_122 = arith.constant 0 : i32
        %dma_start3A_123 = arith.constant 0 : i32
        %dma_start3A_124 = tpu.memref_slice %arg11[%dma_start3A_122, %dma_start3A_123] : memref<10240x128xf32, #tpu.memory_space<vmem_shared>> -> memref<10240x128xf32, #tpu.memory_space<vmem_shared>>
        tpu.enqueue_indirect_dma source(%arg10 : memref<128x128xf32, #tpu.memory_space<vmem>>) target(%dma_start3A_124 : memref<10240x128xf32, #tpu.memory_space<vmem_shared>>) offsets(%dma_start3A_121 : memref<128xi32, #tpu.memory_space<vmem>>) semaphore(%arg15 : memref<!tpu.dma_semaphore, #tpu.memory_space<semaphore_mem>>) {add = true}
        %dma_wait3A_125 = arith.constant 0 : i32
        %dma_wait3A_126 = tpu.memref_slice %arg8[%mul3A_98, %dma_wait3A_125] : memref<16x128xi32, #tpu.memory_space<vmem>> -> memref<1x128xi32, #tpu.memory_space<vmem>>
        %dma_wait3A_127 = tpu.memref_squeeze %dma_wait3A_126 : memref<1x128xi32, #tpu.memory_space<vmem>> -> memref<128xi32, #tpu.memory_space<vmem>>
        %dma_wait3A_128 = arith.constant 0 : i32
        %dma_wait3A_129 = arith.constant 0 : i32
        %dma_wait3A_130 = tpu.memref_slice %arg11[%dma_wait3A_128, %dma_wait3A_129] : memref<10240x128xf32, #tpu.memory_space<vmem_shared>> -> memref<10240x128xf32, #tpu.memory_space<vmem_shared>>
        tpu.wait_indirect_dma semaphore(%arg14 : memref<!tpu.dma_semaphore, #tpu.memory_space<semaphore_mem>>) src(%arg9 : memref<128x128xf32, #tpu.memory_space<vmem>>) dst(%dma_wait3A_130 : memref<10240x128xf32, #tpu.memory_space<vmem_shared>>)
        %dma_wait3A_131 = arith.constant 0 : i32
        %dma_wait3A_132 = tpu.memref_slice %arg8[%add3A_100, %dma_wait3A_131] : memref<16x128xi32, #tpu.memory_space<vmem>> -> memref<1x128xi32, #tpu.memory_space<vmem>>
        %dma_wait3A_133 = tpu.memref_squeeze %dma_wait3A_132 : memref<1x128xi32, #tpu.memory_space<vmem>> -> memref<128xi32, #tpu.memory_space<vmem>>
        %dma_wait3A_134 = arith.constant 0 : i32
        %dma_wait3A_135 = arith.constant 0 : i32
        %dma_wait3A_136 = tpu.memref_slice %arg11[%dma_wait3A_134, %dma_wait3A_135] : memref<10240x128xf32, #tpu.memory_space<vmem_shared>> -> memref<10240x128xf32, #tpu.memory_space<vmem_shared>>
        tpu.wait_indirect_dma semaphore(%arg15 : memref<!tpu.dma_semaphore, #tpu.memory_space<semaphore_mem>>) src(%arg10 : memref<128x128xf32, #tpu.memory_space<vmem>>) dst(%dma_wait3A_136 : memref<10240x128xf32, #tpu.memory_space<vmem_shared>>)
        %add3A_137 = arith.constant 1 : i32
        %add3A_138 = arith.addi %scan3A_96, %add3A_137 : i32
        %lt3A = arith.constant 8 : i32
        %lt3A_139 = arith.cmpi slt, %add3A_138, %lt3A : i32
        %convert_element_type3A = arith.extui %lt3A_139 : i1 to i32
        %cond3A = arith.constant 0 : i32
        %cond3A_140 = arith.cmpi ne, %convert_element_type3A, %cond3A : i32
        scf.if %cond3A_140 {
          %add3A_141 = arith.constant 2 : i32
          %add3A_142 = arith.addi %mul3A_98, %add3A_141 : i32
          %dma_start3A_143 = arith.constant 0 : i32
          %dma_start3A_144 = tpu.memref_slice %arg7[%add3A_142, %dma_start3A_143] : memref<16x128xi32, #tpu.memory_space<vmem>> -> memref<1x128xi32, #tpu.memory_space<vmem>>
          %dma_start3A_145 = tpu.memref_squeeze %dma_start3A_144 : memref<1x128xi32, #tpu.memory_space<vmem>> -> memref<128xi32, #tpu.memory_space<vmem>>
          %dma_start3A_146 = arith.constant 0 : i32
          %dma_start3A_147 = arith.constant 0 : i32
          %dma_start3A_148 = tpu.memref_slice %arg2[%dma_start3A_146, %dma_start3A_147] : memref<10240x128xf32, #tpu.memory_space<hbm>> -> memref<10240x128xf32, #tpu.memory_space<hbm>>
          tpu.enqueue_indirect_dma source(%dma_start3A_148 : memref<10240x128xf32, #tpu.memory_space<hbm>>) target(%arg9 : memref<128x128xf32, #tpu.memory_space<vmem>>) offsets(%dma_start3A_145 : memref<128xi32, #tpu.memory_space<vmem>>) semaphore(%arg12 : memref<!tpu.dma_semaphore, #tpu.memory_space<semaphore_mem>>)
          %add3A_149 = arith.constant 2 : i32
          %add3A_150 = arith.addi %add3A_100, %add3A_149 : i32
          %dma_start3A_151 = arith.constant 0 : i32
          %dma_start3A_152 = tpu.memref_slice %arg7[%add3A_150, %dma_start3A_151] : memref<16x128xi32, #tpu.memory_space<vmem>> -> memref<1x128xi32, #tpu.memory_space<vmem>>
          %dma_start3A_153 = tpu.memref_squeeze %dma_start3A_152 : memref<1x128xi32, #tpu.memory_space<vmem>> -> memref<128xi32, #tpu.memory_space<vmem>>
          %dma_start3A_154 = arith.constant 0 : i32
          %dma_start3A_155 = arith.constant 0 : i32
          %dma_start3A_156 = tpu.memref_slice %arg2[%dma_start3A_154, %dma_start3A_155] : memref<10240x128xf32, #tpu.memory_space<hbm>> -> memref<10240x128xf32, #tpu.memory_space<hbm>>
          tpu.enqueue_indirect_dma source(%dma_start3A_156 : memref<10240x128xf32, #tpu.memory_space<hbm>>) target(%arg10 : memref<128x128xf32, #tpu.memory_space<vmem>>) offsets(%dma_start3A_153 : memref<128xi32, #tpu.memory_space<vmem>>) semaphore(%arg13 : memref<!tpu.dma_semaphore, #tpu.memory_space<semaphore_mem>>)
        } else {
        }
      }
      %scan3A_95 = arith.constant 8 : i32
    }
    %scan3A_71 = arith.constant 5 : i32
    %barrier3A_72 = arith.constant 0 : index
    tpu.barrier barrier_id(%barrier3A_72)
    "tpu.region"() ({
      %run_scoped3A = tpu.sem_alloc : memref<!tpu.dma_semaphore, #tpu.memory_space<semaphore_mem>>
      %dma_start3A_73 = arith.constant 0 : i32
      %dma_start3A_74 = arith.constant 0 : i32
      %dma_start3A_75 = tpu.memref_slice %arg6[%arg0, %dma_start3A_73, %dma_start3A_74] : memref<2x10240x128xf32, #tpu.memory_space<hbm>> -> memref<1x10240x128xf32, #tpu.memory_space<hbm>>
      %dma_start3A_76 = tpu.memref_squeeze %dma_start3A_75 : memref<1x10240x128xf32, #tpu.memory_space<hbm>> -> memref<10240x128xf32, #tpu.memory_space<hbm>>
      %dma_start3A_77 = arith.constant 0 : i32
      %dma_start3A_78 = tpu.memref_slice %dma_start3A_76[%mul3A_2, %dma_start3A_77] : memref<10240x128xf32, #tpu.memory_space<hbm>> -> memref<640x128xf32, #tpu.memory_space<hbm>>
      %dma_start3A_79 = arith.constant 0 : i32
      %dma_start3A_80 = tpu.memref_slice %arg11[%mul3A_2, %dma_start3A_79] : memref<10240x128xf32, #tpu.memory_space<vmem_shared>> -> memref<640x128xf32, #tpu.memory_space<vmem_shared>>
      tpu.enqueue_dma source(%dma_start3A_80 : memref<640x128xf32, #tpu.memory_space<vmem_shared>>) target(%dma_start3A_78 : memref<640x128xf32, #tpu.memory_space<hbm>>) target_semaphore(%run_scoped3A : memref<!tpu.dma_semaphore, #tpu.memory_space<semaphore_mem>>)
      %dma_wait3A_81 = arith.constant 0 : i32
      %dma_wait3A_82 = arith.constant 0 : i32
      %dma_wait3A_83 = tpu.memref_slice %arg6[%arg0, %dma_wait3A_81, %dma_wait3A_82] : memref<2x10240x128xf32, #tpu.memory_space<hbm>> -> memref<1x10240x128xf32, #tpu.memory_space<hbm>>
      %dma_wait3A_84 = tpu.memref_squeeze %dma_wait3A_83 : memref<1x10240x128xf32, #tpu.memory_space<hbm>> -> memref<10240x128xf32, #tpu.memory_space<hbm>>
      %dma_wait3A_85 = arith.constant 0 : i32
      %dma_wait3A_86 = tpu.memref_slice %dma_wait3A_84[%mul3A_2, %dma_wait3A_85] : memref<10240x128xf32, #tpu.memory_space<hbm>> -> memref<640x128xf32, #tpu.memory_space<hbm>>
      %dma_wait3A_87 = arith.constant 0 : i32
      %dma_wait3A_88 = tpu.memref_slice %arg11[%mul3A_2, %dma_wait3A_87] : memref<10240x128xf32, #tpu.memory_space<vmem_shared>> -> memref<640x128xf32, #tpu.memory_space<vmem_shared>>
      tpu.wait_dma2 semaphore(%run_scoped3A : memref<!tpu.dma_semaphore, #tpu.memory_space<semaphore_mem>>) src(%dma_wait3A_88 : memref<640x128xf32, #tpu.memory_space<vmem_shared>>) dst(%dma_wait3A_86 : memref<640x128xf32, #tpu.memory_space<hbm>>)
      tpu.yield
    }) : () -> ()
    return
  }
}

module attributes {stable_mosaic.version = 14 : i64} {
  func.func @_mm_norm_body(%arg0: i32, %arg1: memref<32x1024xf32, #tpu.memory_space<vmem>>, %arg2: memref<1024x128xf32, #tpu.memory_space<vmem>>, %arg3: memref<128x128xf32, #tpu.memory_space<vmem>>, %arg4: memref<1024x128xf32, #tpu.memory_space<vmem>>) attributes {dimension_semantics = [#tpu.dimension_semantics<arbitrary>], iteration_bounds = array<i64: 10>, scalar_prefetch = 0 : i64, scratch_operands = 0 : i64, tpu.core_type = #tpu.core_type<tc>, window_params = [{transform_indices = @transform_0, window_bounds = array<i64: 32, 1024>}, {transform_indices = @transform_1, window_bounds = array<i64: 1024, 128>}, {pipeline_mode = #tpu.pipeline_mode<synchronous>, transform_indices = @transform_2, window_bounds = array<i64: 128, 128>}, {transform_indices = @transform_3, window_bounds = array<i64: 1024, 128>}]} {
    %get3A = arith.constant 0 : index
    %get3A_0 = arith.constant 0 : index
    %get3A_1 = vector.load %arg1[%get3A, %get3A_0] : memref<32x1024xf32, #tpu.memory_space<vmem>>, vector<32x1024xf32>
    %reduce_sum3A = arith.constant dense<0.000000e+00> : vector<1024xf32>
    %reduce_sum3A_2 = vector.multi_reduction <add>, %get3A_1, %reduce_sum3A [0] : vector<32x1024xf32> to vector<1024xf32>
    %max3A = arith.constant 1.000000e+00 : f32
    %max3A_3 = vector.broadcast %max3A : f32 to vector<1024xf32>
    %max3A_4 = arith.maximumf %reduce_sum3A_2, %max3A_3 : vector<1024xf32>
    %rsqrt3A = math.rsqrt %max3A_4 : vector<1024xf32>
    %get3A_5 = arith.constant 0 : index
    %get3A_6 = arith.constant 0 : index
    %get3A_7 = vector.load %arg2[%get3A_5, %get3A_6] : memref<1024x128xf32, #tpu.memory_space<vmem>>, vector<1024x128xf32>
    %get3A_8 = arith.constant 0 : index
    %get3A_9 = arith.constant 0 : index
    %get3A_10 = vector.load %arg3[%get3A_8, %get3A_9] : memref<128x128xf32, #tpu.memory_space<vmem>>, vector<128x128xf32>
    %dot_general3A = arith.constant dense<0.000000e+00> : vector<1024x128xf32>
    %dot_general3A_11 = tpu.matmul %get3A_7, %get3A_10, %dot_general3A {dimension_numbers = #tpu.dot_dimension_numbers<[1], [0], [0], [1], [0, 0, 1, 1], [], []>, transpose_lhs_hint = false} : vector<1024x128xf32>, vector<128x128xf32>, vector<1024x128xf32> -> vector<1024x128xf32>
    %broadcast_in_dim3A = vector.shape_cast %rsqrt3A : vector<1024xf32> to vector<1024x1xf32>
    %mul3A = vector.broadcast %broadcast_in_dim3A : vector<1024x1xf32> to vector<1024x128xf32>
    %mul3A_12 = arith.mulf %dot_general3A_11, %mul3A : vector<1024x128xf32>
    %swap3A = arith.constant 0 : index
    %swap3A_13 = arith.constant 0 : index
    %swap3A_14 = vector.load %arg4[%swap3A, %swap3A_13] : memref<1024x128xf32, #tpu.memory_space<vmem>>, vector<1024x128xf32>
    tpu.vector_store %arg4[%swap3A, %swap3A_13], %mul3A_12 {strides = array<i32>} : memref<1024x128xf32, #tpu.memory_space<vmem>>, vector<1024x128xf32>,
    return
  }
  func.func @transform_0(%arg0: i32) -> (i32, i32) {
    %c0_i32 = arith.constant 0 : i32
    %c0_i32_0 = arith.constant 0 : i32
    return %c0_i32, %arg0 : i32, i32
  }
  func.func @transform_1(%arg0: i32) -> (i32, i32) {
    %c0_i32 = arith.constant 0 : i32
    %c0_i32_0 = arith.constant 0 : i32
    return %arg0, %c0_i32 : i32, i32
  }
  func.func @transform_2(%arg0: i32) -> (i32, i32) {
    %c0_i32 = arith.constant 0 : i32
    %c0_i32_0 = arith.constant 0 : i32
    %c0_i32_1 = arith.constant 0 : i32
    return %c0_i32, %c0_i32_0 : i32, i32
  }
  func.func @transform_3(%arg0: i32) -> (i32, i32) {
    %c0_i32 = arith.constant 0 : i32
    %c0_i32_0 = arith.constant 0 : i32
    return %arg0, %c0_i32 : i32, i32
  }
}

module attributes {stable_mosaic.version = 14 : i64} {
  func.func @_mid_body(%arg0: i32, %arg1: memref<2x1024x128xf32, #tpu.memory_space<vmem>>, %arg2: memref<32x1024xf32, #tpu.memory_space<vmem>>, %arg3: memref<32x1024xf32, #tpu.memory_space<vmem>>, %arg4: memref<1x128xf32, #tpu.memory_space<vmem>>, %arg5: memref<128x128xf32, #tpu.memory_space<vmem>>, %arg6: memref<1024x128xf32, #tpu.memory_space<vmem>>) attributes {dimension_semantics = [#tpu.dimension_semantics<arbitrary>], iteration_bounds = array<i64: 10>, scalar_prefetch = 0 : i64, scratch_operands = 0 : i64, tpu.core_type = #tpu.core_type<tc>, window_params = [{transform_indices = @transform_0, window_bounds = array<i64: 2, 1024, 128>}, {transform_indices = @transform_1, window_bounds = array<i64: 32, 1024>}, {transform_indices = @transform_2, window_bounds = array<i64: 32, 1024>}, {pipeline_mode = #tpu.pipeline_mode<synchronous>, transform_indices = @transform_3, window_bounds = array<i64: 1, 128>}, {pipeline_mode = #tpu.pipeline_mode<synchronous>, transform_indices = @transform_4, window_bounds = array<i64: 128, 128>}, {transform_indices = @transform_5, window_bounds = array<i64: 1024, 128>}]} {
    %get3A = arith.constant 0 : index
    %get3A_0 = arith.constant 0 : index
    %get3A_1 = vector.load %arg3[%get3A, %get3A_0] : memref<32x1024xf32, #tpu.memory_space<vmem>>, vector<32x1024xf32>
    %reduce_sum3A = arith.constant dense<0.000000e+00> : vector<1024xf32>
    %reduce_sum3A_2 = vector.multi_reduction <add>, %get3A_1, %reduce_sum3A [0] : vector<32x1024xf32> to vector<1024xf32>
    %max3A = arith.constant 1.000000e+00 : f32
    %max3A_3 = vector.broadcast %max3A : f32 to vector<1024xf32>
    %max3A_4 = arith.maximumf %reduce_sum3A_2, %max3A_3 : vector<1024xf32>
    %rsqrt3A = math.rsqrt %max3A_4 : vector<1024xf32>
    %get3A_5 = arith.constant 0 : index
    %get3A_6 = arith.constant 0 : index
    %get3A_7 = vector.load %arg2[%get3A_5, %get3A_6] : memref<32x1024xf32, #tpu.memory_space<vmem>>, vector<32x1024xf32>
    %reduce_sum3A_8 = arith.constant dense<0.000000e+00> : vector<1024xf32>
    %reduce_sum3A_9 = vector.multi_reduction <add>, %get3A_7, %reduce_sum3A_8 [0] : vector<32x1024xf32> to vector<1024xf32>
    %max3A_10 = arith.constant 1.000000e+00 : f32
    %max3A_11 = vector.broadcast %max3A_10 : f32 to vector<1024xf32>
    %max3A_12 = arith.maximumf %reduce_sum3A_9, %max3A_11 : vector<1024xf32>
    %rsqrt3A_13 = math.rsqrt %max3A_12 : vector<1024xf32>
    %get3A_14 = arith.constant 0 : index
    %get3A_15 = arith.constant 0 : index
    %get3A_16 = arith.constant 0 : index
    %get3A_17 = vector.load %arg1[%get3A_14, %get3A_15, %get3A_16] : memref<2x1024x128xf32, #tpu.memory_space<vmem>>, vector<1x1024x128xf32>
    %get3A_18 = vector.shape_cast %get3A_17 : vector<1x1024x128xf32> to vector<1024x128xf32>
    %get3A_19 = arith.constant 1 : index
    %get3A_20 = arith.constant 0 : index
    %get3A_21 = arith.constant 0 : index
    %get3A_22 = vector.load %arg1[%get3A_19, %get3A_20, %get3A_21] : memref<2x1024x128xf32, #tpu.memory_space<vmem>>, vector<1x1024x128xf32>
    %get3A_23 = vector.shape_cast %get3A_22 : vector<1x1024x128xf32> to vector<1024x128xf32>
    %add3A = arith.addf %get3A_18, %get3A_23 : vector<1024x128xf32>
    %broadcast_in_dim3A = vector.shape_cast %rsqrt3A : vector<1024xf32> to vector<1024x1xf32>
    %mul3A = vector.broadcast %broadcast_in_dim3A : vector<1024x1xf32> to vector<1024x128xf32>
    %mul3A_24 = arith.mulf %add3A, %mul3A : vector<1024x128xf32>
    %get3A_25 = arith.constant 0 : index
    %get3A_26 = arith.constant 0 : index
    %get3A_27 = vector.load %arg4[%get3A_25, %get3A_26] : memref<1x128xf32, #tpu.memory_space<vmem>>, vector<1x128xf32>
    %add3A_28 = vector.broadcast %get3A_27 : vector<1x128xf32> to vector<1024x128xf32>
    %add3A_29 = arith.addf %mul3A_24, %add3A_28 : vector<1024x128xf32>
    %max3A_30 = arith.constant 0.000000e+00 : f32
    %max3A_31 = vector.broadcast %max3A_30 : f32 to vector<1024x128xf32>
    %max3A_32 = arith.maximumf %add3A_29, %max3A_31 : vector<1024x128xf32>
    %get3A_33 = arith.constant 0 : index
    %get3A_34 = arith.constant 0 : index
    %get3A_35 = vector.load %arg5[%get3A_33, %get3A_34] : memref<128x128xf32, #tpu.memory_space<vmem>>, vector<128x128xf32>
    %dot_general3A = arith.constant dense<0.000000e+00> : vector<1024x128xf32>
    %dot_general3A_36 = tpu.matmul %max3A_32, %get3A_35, %dot_general3A {dimension_numbers = #tpu.dot_dimension_numbers<[1], [0], [0], [1], [0, 0, 1, 1], [], []>, transpose_lhs_hint = false} : vector<1024x128xf32>, vector<128x128xf32>, vector<1024x128xf32> -> vector<1024x128xf32>
    %broadcast_in_dim3A_37 = vector.shape_cast %rsqrt3A_13 : vector<1024xf32> to vector<1024x1xf32>
    %mul3A_38 = vector.broadcast %broadcast_in_dim3A_37 : vector<1024x1xf32> to vector<1024x128xf32>
    %mul3A_39 = arith.mulf %dot_general3A_36, %mul3A_38 : vector<1024x128xf32>
    %swap3A = arith.constant 0 : index
    %swap3A_40 = arith.constant 0 : index
    %swap3A_41 = vector.load %arg6[%swap3A, %swap3A_40] : memref<1024x128xf32, #tpu.memory_space<vmem>>, vector<1024x128xf32>
    tpu.vector_store %arg6[%swap3A, %swap3A_40], %mul3A_39 {strides = array<i32>} : memref<1024x128xf32, #tpu.memory_space<vmem>>, vector<1024x128xf32>,
    return
  }
  func.func @transform_0(%arg0: i32) -> (i32, i32, i32) {
    %c0_i32 = arith.constant 0 : i32
    %c0_i32_0 = arith.constant 0 : i32
    %c0_i32_1 = arith.constant 0 : i32
    return %c0_i32, %arg0, %c0_i32_0 : i32, i32, i32
  }
  func.func @transform_1(%arg0: i32) -> (i32, i32) {
    %c0_i32 = arith.constant 0 : i32
    %c0_i32_0 = arith.constant 0 : i32
    return %c0_i32, %arg0 : i32, i32
  }
  func.func @transform_2(%arg0: i32) -> (i32, i32) {
    %c0_i32 = arith.constant 0 : i32
    %c0_i32_0 = arith.constant 0 : i32
    return %c0_i32, %arg0 : i32, i32
  }
  func.func @transform_3(%arg0: i32) -> (i32, i32) {
    %c0_i32 = arith.constant 0 : i32
    %c0_i32_0 = arith.constant 0 : i32
    %c0_i32_1 = arith.constant 0 : i32
    return %c0_i32, %c0_i32_0 : i32, i32
  }
  func.func @transform_4(%arg0: i32) -> (i32, i32) {
    %c0_i32 = arith.constant 0 : i32
    %c0_i32_0 = arith.constant 0 : i32
    %c0_i32_1 = arith.constant 0 : i32
    return %c0_i32, %c0_i32_0 : i32, i32
  }
  func.func @transform_5(%arg0: i32) -> (i32, i32) {
    %c0_i32 = arith.constant 0 : i32
    %c0_i32_0 = arith.constant 0 : i32
    return %arg0, %c0_i32 : i32, i32
  }
}

module attributes {stable_mosaic.version = 14 : i64} {
  func.func @_fin_body(%arg0: i32, %arg1: memref<2x1024x128xf32, #tpu.memory_space<vmem>>, %arg2: memref<32x1024xf32, #tpu.memory_space<vmem>>, %arg3: memref<1x128xf32, #tpu.memory_space<vmem>>, %arg4: memref<1024x128xf32, #tpu.memory_space<vmem>>) attributes {dimension_semantics = [#tpu.dimension_semantics<arbitrary>], iteration_bounds = array<i64: 10>, scalar_prefetch = 0 : i64, scratch_operands = 0 : i64, tpu.core_type = #tpu.core_type<tc>, window_params = [{transform_indices = @transform_0, window_bounds = array<i64: 2, 1024, 128>}, {transform_indices = @transform_1, window_bounds = array<i64: 32, 1024>}, {pipeline_mode = #tpu.pipeline_mode<synchronous>, transform_indices = @transform_2, window_bounds = array<i64: 1, 128>}, {transform_indices = @transform_3, window_bounds = array<i64: 1024, 128>}]} {
    %get3A = arith.constant 0 : index
    %get3A_0 = arith.constant 0 : index
    %get3A_1 = vector.load %arg2[%get3A, %get3A_0] : memref<32x1024xf32, #tpu.memory_space<vmem>>, vector<32x1024xf32>
    %reduce_sum3A = arith.constant dense<0.000000e+00> : vector<1024xf32>
    %reduce_sum3A_2 = vector.multi_reduction <add>, %get3A_1, %reduce_sum3A [0] : vector<32x1024xf32> to vector<1024xf32>
    %max3A = arith.constant 1.000000e+00 : f32
    %max3A_3 = vector.broadcast %max3A : f32 to vector<1024xf32>
    %max3A_4 = arith.maximumf %reduce_sum3A_2, %max3A_3 : vector<1024xf32>
    %rsqrt3A = math.rsqrt %max3A_4 : vector<1024xf32>
    %get3A_5 = arith.constant 0 : index
    %get3A_6 = arith.constant 0 : index
    %get3A_7 = arith.constant 0 : index
    %get3A_8 = vector.load %arg1[%get3A_5, %get3A_6, %get3A_7] : memref<2x1024x128xf32, #tpu.memory_space<vmem>>, vector<1x1024x128xf32>
    %get3A_9 = vector.shape_cast %get3A_8 : vector<1x1024x128xf32> to vector<1024x128xf32>
    %get3A_10 = arith.constant 1 : index
    %get3A_11 = arith.constant 0 : index
    %get3A_12 = arith.constant 0 : index
    %get3A_13 = vector.load %arg1[%get3A_10, %get3A_11, %get3A_12] : memref<2x1024x128xf32, #tpu.memory_space<vmem>>, vector<1x1024x128xf32>
    %get3A_14 = vector.shape_cast %get3A_13 : vector<1x1024x128xf32> to vector<1024x128xf32>
    %add3A = arith.addf %get3A_9, %get3A_14 : vector<1024x128xf32>
    %broadcast_in_dim3A = vector.shape_cast %rsqrt3A : vector<1024xf32> to vector<1024x1xf32>
    %mul3A = vector.broadcast %broadcast_in_dim3A : vector<1024x1xf32> to vector<1024x128xf32>
    %mul3A_15 = arith.mulf %add3A, %mul3A : vector<1024x128xf32>
    %get3A_16 = arith.constant 0 : index
    %get3A_17 = arith.constant 0 : index
    %get3A_18 = vector.load %arg3[%get3A_16, %get3A_17] : memref<1x128xf32, #tpu.memory_space<vmem>>, vector<1x128xf32>
    %add3A_19 = vector.broadcast %get3A_18 : vector<1x128xf32> to vector<1024x128xf32>
    %add3A_20 = arith.addf %mul3A_15, %add3A_19 : vector<1024x128xf32>
    %swap3A = arith.constant 0 : index
    %swap3A_21 = arith.constant 0 : index
    %swap3A_22 = vector.load %arg4[%swap3A, %swap3A_21] : memref<1024x128xf32, #tpu.memory_space<vmem>>, vector<1024x128xf32>
    tpu.vector_store %arg4[%swap3A, %swap3A_21], %add3A_20 {strides = array<i32>} : memref<1024x128xf32, #tpu.memory_space<vmem>>, vector<1024x128xf32>,
    return
  }
  func.func @transform_0(%arg0: i32) -> (i32, i32, i32) {
    %c0_i32 = arith.constant 0 : i32
    %c0_i32_0 = arith.constant 0 : i32
    %c0_i32_1 = arith.constant 0 : i32
    return %c0_i32, %arg0, %c0_i32_0 : i32, i32, i32
  }
  func.func @transform_1(%arg0: i32) -> (i32, i32) {
    %c0_i32 = arith.constant 0 : i32
    %c0_i32_0 = arith.constant 0 : i32
    return %c0_i32, %arg0 : i32, i32
  }
  func.func @transform_2(%arg0: i32) -> (i32, i32) {
    %c0_i32 = arith.constant 0 : i32
    %c0_i32_0 = arith.constant 0 : i32
    %c0_i32_1 = arith.constant 0 : i32
    return %c0_i32, %c0_i32_0 : i32, i32
  }
  func.func @transform_3(%arg0: i32) -> (i32, i32) {
    %c0_i32 = arith.constant 0 : i32
    %c0_i32_0 = arith.constant 0 : i32
    return %arg0, %c0_i32 : i32, i32
  }
}

</mosaic_0001>

<sc_bundles>
// kernel: kernel.11.cloned.1.call-start
scs
__scs_entry_jumppad:
0x0: {  	(pc) =	sbr.rel $0x88, $3  }
0x1: {  	(tag) =	ssettag $0x0;
	lr =	simm.s32 $0x1  }
0x2: {  	[smem:$0x3F9B] =	sst lr;
	_ =	strace $0xD0000000  }
0x3: {  	_ = 	snop  }
0x4: {  	_ = 	snop  }
0x5: {  	_ = 	snop  }
0x6: {  	_ = 	snop  }
0x7: {  	_ = 	snop  }
__scs_overlays_trampoline_lowered:
0x8: {  	[smem:$0x3FAA] =	sst s0  }
0x9: {  	[smem:$0x3FAB] =	sst s1  }
0xa: {  	[smem:$0x3FAC] =	sst s2  }
0xb: {  	[smem:$0x3FAD] =	sst s3  }
0xc: {  	[smem:$0x3FAE] =	sst s4  }
0xd: {  	[smem:$0x3FAF] =	sst s5  }
0xe: {  	[smem:$0x3FB0] =	sst s6  }
0xf: {  	[smem:$0x3FB1] =	sst s7  }
0x10: {  	[smem:$0x3FB2] =	sst s8  }
0x11: {  	[smem:$0x3FB3] =	sst s9;
	s0 =	simm.s32 @!p0 $0x0  }
0x12: {  	s1 =	sld [smem:$0x3F99];
	s0 =	simm.s32 @p0 $0x1  }
0x13: {  	[smem:$0x3FB4] =	sst s0;
	s0 =	simm.s32 @!p1 $0x0  }
0x14: {  	s2 =	sld [smem:$0x3F98];
	s0 =	simm.s32 @p1 $0x1  }
0x15: {  	[smem:$0x3FB5] =	sst s0;
	s0 =	simm.s32 @!p2 $0x0  }
0x16: {  	s3 =	sld [smem:$0x3FDB];
	s0 =	simm.s32 @p2 $0x1  }
0x17: {  	s4 =	simm.s32 $0x1BF5;
	[smem:$0x3FB7] =	sst s0  }
0x18: {  	s0 =	sld [smem:$0x3F9A];
	_ =	swait.ge [sflag:s4], $0x0  }
0x19: {  	s7 =	sld [smem:$0x3F9B]  }
0x1a: {  	s8 =	sadd.s32 $0xFFFFE003, lr  }
0x1b: {  	s9 =	sadd.s32 $0xFFFFFEF7, lr;
	s5 =	simm.s32 $0xFFFFFFFF;
	p2 =	slt.u32 s8, $0xFFFFF086  }
0x1c: {  	p1 =	slt.u32 s9, $0xF7A;
	s5 =	simm.s32 @!p2 $0x0  }
0x1d: {  	s5 =	simm.s32 @p1 $0x1;
	p0 =	seq.s32 s7, s2  }
0x1e: {  	s7 =	smul.u32 @!p0 $0xF7A, s2;
	p2 =	seq.s32 @!p0 s5, $0x0  }
0x1f: {  	s9 =	smul.u32 $0xF7A, s1;
	s8 =	simm.s32 @!p0 $0x1BF5;
	p2 =	por !p2, p0  }
0x20: {  	[sflag:s8] =	ssyncset.s32 @!p0 $0xFFFFF086;
	s6 =	sadd.s32 @!p0 s3, s7;
	s7 =	simm.s32 @!p0 $0x108  }
0x21: {  	s3 =	sadd.s32 s3, s9;
	s6 =	sadd.s32 @!p0 $0x88, s6;
	s7 =	simm.s32 @p2 $0x1082  }
0x22: {  	[simem:s7], [sflag:s8] =	dma.local @!p0 [hbm:s6], $0xF7A  }
0x23: {  	s9 =	sor.u32 $0xD0000000, s2;
	s6 =	simm.s32 $0x108;
	_ =	swait.ge @!p0 [sflag:s8], $0x0  }
0x24: {  	s3 =	sadd.s32 $0x88, s3;
	s6 =	simm.s32 @!p1 $0x1082;
	[sflag:s4] =	ssyncset.s32 $0xFFFFF086  }
0x25: {  	[simem:s6], [sflag:s4] =	dma.local [hbm:s3], $0xF7A  }
0x26: {  	[smem:$0x3F9B] =	sst s1;
	(tag) =	ssettag s2;
	_ =	strace s9  }
0x27: {  	s1 =	sld [smem:$0x3FAB]  }
0x28: {  	s2 =	sld [smem:$0x3FAC]  }
0x29: {  	s4 =	sld [smem:$0x3FAE]  }
0x2a: {  	p0 =	seq.s32 s5, $0x0;
	s5 =	sld [smem:$0x3FAF]  }
0x2b: {  	s6 =	sld [smem:$0x3FB0]  }
0x2c: {  	s7 =	sld [smem:$0x3FB1]  }
0x2d: {  	s3 =	simm.s32 $0x108;
	s8 =	sld [smem:$0x3FB2]  }
0x2e: {  	s3 =	simm.s32 @!p0 $0x1082;
	s9 =	sld [smem:$0x3FB3]  }
0x2f: {  	lr =	sadd.s32 s0, s3;
	s0 =	sld [smem:$0x3FAA]  }
0x30: {  	s3 =	sld [smem:$0x3FAD]  }
0x31: {  	[smem:$0x3FB6] =	sst s10  }
0x32: {  	s10 =	sld [smem:$0x3FB4];
	_ =	sdelay $0x3  }
0x33: {  	p0 =	seq.s32 s10, $0x1;
	s10 =	sld [smem:$0x3FB6];
	_ =	sdelay $0x3  }
0x34: {  	[smem:$0x3FB6] =	sst s10  }
0x35: {  	s10 =	sld [smem:$0x3FB5];
	_ =	sdelay $0x3  }
0x36: {  	p1 =	seq.s32 s10, $0x1;
	s10 =	sld [smem:$0x3FB6];
	_ =	sdelay $0x3  }
0x37: {  	[smem:$0x3FB6] =	sst s10  }
0x38: {  	s10 =	sld [smem:$0x3FB7]  }
0x39: {  	_ = 	snop;
	(pc) =	sbr.ind lr, $3  }
0x3a: {  	_ = 	snop  }
0x3b: {  	_ = 	snop  }
0x3c: {  	p2 =	seq.s32 s10, $0x1;
	s10 =	sld [smem:$0x3FB6]  }
0x3d: {  	_ =	shalt  }
0x3e: {  	_ =	shalt  }
0x3f: {  	_ =	shalt  }
0x40: {  	_ =	shalt  }
0x41: {  	_ =	shalt  }
0x42: {  	_ =	shalt  }
0x43: {  	_ =	shalt  }
0x44: {  	_ =	shalt  }
0x45: {  	_ =	shalt  }
0x46: {  	_ =	shalt  }
0x47: {  	_ =	shalt  }
0x48: {  	_ =	shalt  }
0x49: {  	_ =	shalt  }
0x4a: {  	_ =	shalt  }
0x4b: {  	_ =	shalt  }
0x4c: {  	_ =	shalt  }
0x4d: {  	_ =	shalt  }
0x4e: {  	_ =	shalt  }
0x4f: {  	_ =	shalt  }
0x50: {  	_ =	shalt  }
0x51: {  	_ =	shalt  }
0x52: {  	_ =	shalt  }
0x53: {  	_ =	shalt  }
0x54: {  	_ =	shalt  }
0x55: {  	_ =	shalt  }
0x56: {  	_ =	shalt  }
0x57: {  	_ =	shalt  }
0x58: {  	_ =	shalt  }
0x59: {  	_ =	shalt  }
0x5a: {  	_ =	shalt  }
0x5b: {  	_ =	shalt  }
0x5c: {  	_ =	shalt  }
0x5d: {  	_ =	shalt  }
0x5e: {  	_ =	shalt  }
0x5f: {  	_ =	shalt  }
0x60: {  	_ =	shalt  }
0x61: {  	_ =	shalt  }
0x62: {  	_ =	shalt  }
0x63: {  	_ =	shalt  }
0x64: {  	_ =	shalt  }
0x65: {  	_ =	shalt  }
0x66: {  	_ =	shalt  }
0x67: {  	_ =	shalt  }
0x68: {  	_ =	shalt  }
0x69: {  	_ =	shalt  }
0x6a: {  	_ =	shalt  }
0x6b: {  	_ =	shalt  }
0x6c: {  	_ =	shalt  }
0x6d: {  	_ =	shalt  }
0x6e: {  	_ =	shalt  }
0x6f: {  	_ =	shalt  }
0x70: {  	_ =	shalt  }
0x71: {  	_ =	shalt  }
0x72: {  	_ =	shalt  }
0x73: {  	_ =	shalt  }
0x74: {  	_ =	shalt  }
0x75: {  	_ =	shalt  }
0x76: {  	_ =	shalt  }
0x77: {  	_ =	shalt  }
0x78: {  	_ =	shalt  }
0x79: {  	_ =	shalt  }
0x7a: {  	_ =	shalt  }
0x7b: {  	_ =	shalt  }
0x7c: {  	_ =	shalt  }
0x7d: {  	_ =	shalt  }
0x7e: {  	_ =	shalt  }
0x7f: {  	_ =	shalt  }
0x80: {  	_ =	shalt  }
0x81: {  	_ =	shalt  }
0x82: {  	_ =	shalt  }
0x83: {  	_ =	shalt  }
0x84: {  	_ =	shalt  }
0x85: {  	_ =	shalt  }
0x86: {  	_ =	shalt  }
0x87: {  	_ =	shalt  }
.Lfunc_end0:
.L_simem_size_0:
called_computation.1_lowered:
.L_overlay_start_0:
0x88: {  	s2 =	sld [smem:$0x3FD9]  }
0x89: {  	s3 =	sld [smem:$0x3FFE];
	_ =	sdelay $0x1  }
0x8a: {  	s1 =	srdreg.scid  }
0x8b: {  	s0 =	sand.u32 $0x1, s1  }
0x8c: {  	s17 =	sshll.u32 s0, $0xA;
	s2 =	sadd.s32 s3, s2  }
0x8d: {  	s2 =	sadd.s32 s2, s17  }
0x8e: {  	[smem:$0x3FC2] =	sst s2  }
0x8f: {  	_ = 	snop  }
0x90: {  	s2 =	sld [smem:$0x3FD0];
	(tm) =	ssettm $0x1  }
0x91: {  	s18 =	sld [smem:$0x3FFB];
	_ =	sdelay $0x3  }
0x92: {  	_ =	strace s18  }
0x93: {  	s3 =	sld [smem:$0x3FFC];
	_ =	sdelay $0x3  }
0x94: {  	_ =	strace s3  }
0x95: {  	s3 =	sld [smem:$0x3FFD];
	_ =	sdelay $0x3  }
0x96: {  	_ =	strace s3  }
0x97: {  	_ =	strace $0x8FFFFFFF  }
0x98: {  	s19 =	sld [smem:$0x3FDB];
	_ =	sdelay $0x1  }
0x99: {  	s4 =	simm.s32 $_scs_section_size  }
0x9a: {  	s5 =	simm.s32 $_size__tile_overlayer_lowered;
	s6 =	simm.s32 $_tile_overlayer_lowered  }
0x9b: {  	s22 =	simm.s32 $0x1BFF;
	s21 =	sshll.u32 s6, $0x1;
	s3 =	sadd.s32 s4, s19  }
0x9c: {  	s7 =	simm.s32 $0x0;
	s20 =	sshll.u32 s5, $0x1;
	s5 =	sadd.s32 s21, s3  }
0x9d: {  	[timem:s7], [sflag:s22] =	dma.local [hbm:s5], s20  }
0x9e: {  	_ =	swait.ge [sflag:s22], s20  }
0x9f: {  	s4 =	ssub.s32 $0x0, s20;
	[sflag:s22] =	ssyncset.done $0x0  }
0xa0: {  	[sflag:s22] =	ssyncadd.s32 s4;
	_ =	sdelay $0x1  }
0xa1: {  	s23 =	simm.s32 $0x1B8B  }
0xa2: {  	_ =	swait.ge [sflag:s23], $0x1  }
0xa3: {  	[sflag:s23] =	ssyncset.done $0x0  }
0xa4: {  	s25 =	simm.s32 $0x1B8E;
	s24 =	sld [smem:$0x3FFE];
	[sflag:s23] =	ssyncadd.s32 $0xFFFFFFFF  }
0xa5: {  	s26 =	simm.s32 $execute0_lowered;
	[smem:$0x3FD2] =	sst s25  }
0xa6: {  	s5 =	sshll.u32 s26, $0x1;
	_ =	strace $0x80000049;
	[dreg:$0x1] =	wrdreg $0xFFFFFFFF  }
0xa7: {  	s28 =	simm.s32 $_size_execute0_lowered;
	s3 =	sadd.s32 s3, s5;
	[dreg:$0x0] =	wrdreg $0x0  }
0xa8: {  	s5 =	sshll.u32 s28, $0x1;
	[dreg:$0x2] =	wrdreg s3  }
0xa9: {  	[dreg:$0x3] =	wrdreg s5  }
0xaa: {  	[dreg:$0x4] =	wrdreg $0xC0  }
0xab: {  	_ =	task [dreg:s7], $0x5FFFF  }
0xac: {  	[dreg:$0x1] =	wrdreg $0xFFFFFFFF  }
0xad: {  	[dreg:$0x0] =	wrdreg $0x60  }
0xae: {  	[dreg:$0x2] =	wrdreg s24  }
0xaf: {  	[dreg:$0x3] =	wrdreg s2  }
0xb0: {  	[dreg:$0x4] =	wrdreg $0x90000  }
0xb1: {  	[dreg:$0x5] =	wrdreg $0x9  }
0xb2: {  	_ =	task.clear_ibuf [dreg:s7], $0x6FFFF;
	_ =	strace $0x90000049  }
0xb3: {  	s29 =	simm.s32 $0x9;
	_ =	strace $0x8000004B  }
0xb4: {  	_ =	swait.ge [sflag:s29], $0x1  }
0xb5: {  	[sflag:s29] =	ssyncadd.s32 $0xFFFFFFFF  }
0xb6: {  	_ =	strace $0x9000004B  }
0xb7: {  	_ =	sfence  }
0xb8: {  	s30 =	sld [smem:$0x0];
	_ =	sdelay $0x2  }
0xb9: {  	s31 =	sshll.u32 s1, $0xD;
	s1 =	sshrl.u32 s1, $0x2  }
0xba: {  	s3 =	sand.u32 $0x4000, s31;
	s1 =	sadd.s32 s1, s30  }
0xbb: {  	s0 =	sor.u32 s3, s0;
	s1 =	sshll.u32 s1, $0x11  }
0xbc: {  	s0 =	sor.u32 s1, s0  }
0xbd: {  	s0 =	sadd.s32 $0x8F2B, s0  }
0xbe: {  	[sflag:s0] =	ssyncadd.remote.s32 $0x1  }
0xbf: {  	_ =	sfence.sel $0xFFFF  }
0xc0: {  	[dreg:$0x0] =	wrdreg $0xFFFFFFFF;
	(pc) =	sbr.abs _section_cstart, $3  }
0xc1: {  	[dreg:$0x1] =	wrdreg $0xFFFFFFFF  }
0xc2: {  	_ =	task.clear_ibuf [dreg:s7], $0x2FFFF;
	_ =	strace $0x9FFFFFFF  }
0xc3: {  	(tm) =	ssettm $0x7FFFFFFF  }
tec
execute0_lowered:
.L_overlay_start_1:
0x0: {  	(tag) =	ssettag $0x1  }
0x1: {  	s0 =	rddreg [dreg:$0x0]  }
0x2: {  	s1 =	srdreg.scid;
	s6 =	rddreg [dreg:$0x1]  }
0x3: {  	s2 =	rddreg [dreg:$0x2];
	s11 =	stileid.u32  }
0x4: {  	s3 =	simm.s32 $0x0;
	s26 =	simm.s32 $0x880;
	s15 =	simm.s32 $0x900  }
0x5: {  	s16 =	simm.s32 $0x980;
	s12 =	simm.s32 $0x5;
	s17 =	simm.s32 $0x200  }
0x6: {  	s13 =	simm.s32 $0x1000;
	s18 =	simm.s32 $0x280;
	s14 =	simm.s32 $0x1  }
0x7: {  	s19 =	simm.s32 $0xA00;
	s20 =	simm.s32 $0xA80;
	[smem:$0x7FF] =	sst s3  }
0x8: {  	s28 =	simm.s32 $0xD00;
	_ =	strace $0x8000004A;
	[dreg:$0x6] =	wrdreg s26  }
0x9: {  	s29 =	simm.s32 $0xD80;
	s30 =	simm.s32 $0x600;
	[dreg:$0x9] =	wrdreg s15  }
0xa: {  	s31 =	simm.s32 $0xF80;
	s1 =	sand.u32 $0x1, s1;
	[dreg:$0xa] =	wrdreg s16  }
0xb: {  	s8 =	smul.u32 $0x50000, s11;
	s5 =	sadd.s32 $0xC600, s0;
	[dreg:$0xb] =	wrdreg s17  }
0xc: {  	s4 =	sshll.u32 s1, $0x4;
	s10 =	smul.u32 $0x28000, s1;
	[dreg:$0xc] =	wrdreg s18  }
0xd: {  	s1 =	ssub.s32 $0x2, s1;
	s15 =	simm.s32 $0x800;
	[dreg:$0xd] =	wrdreg s19  }
0xe: {  	s16 =	simm.s32 $0x80;
	[dreg:$0xe] =	wrdreg s20;
	s17 =	simm.s32 $0x5000  }
0xf: {  	s18 =	simm.s32 $0x2;
	s19 =	simm.s32 $0x3;
	s20 =	simm.s32 $0x4  }
0x10: {  	s26 =	simm.s32 $0x400;
	s4 =	sor.u32 s11, s4;
	s8 =	sshrl.u32 s8, $0x2  }
0x11: {  	s22 =	sshrl.u32 s1, $0x1;
	s11 =	smul.u32 $0x2800, s11;
	[dreg:$0x13] =	wrdreg s26  }
0x12: {  	s26 =	simm.s32 $0x580;
	s1 =	ssub.s32 s1, s22;
	s22 =	simm.s32 $0x300  }
0x13: {  	s7 =	smul.u32 $0x500, s4;
	s21 =	sadd.s32 s8, s2;
	[dreg:$0xf] =	wrdreg s22  }
0x14: {  	s4 =	sadd.s32 $0x20600, s0;
	s8 =	sadd.s32 $0x4000, s21;
	[dreg:$0x14] =	wrdreg s21  }
0x15: {  	s24 =	sadd.s32 $0x8000, s21;
	s25 =	sadd.s32 $0xC000, s21;
	[dreg:$0x15] =	wrdreg s8  }
0x16: {  	s1 =	smax.u32 s1, $0x1;
	s22 =	simm.s32 $0x480;
	[dreg:$0x16] =	wrdreg s24  }
0x17: {  	s9 =	sadd.s32 s7, s0;
	s0 =	sadd.s32 s10, s0;
	[dreg:$0x17] =	wrdreg s25  }
0x18: {  	s6 =	sadd.s32 s6, s7;
	s8 =	sadd.s32 $0x10000, s21;
	[dreg:$0x19] =	wrdreg s1  }
0x19: {  	s10 =	simm.s32 $0x180;
	s24 =	simm.s32 $0xB00;
	[dreg:$0x5] =	wrdreg s6  }
0x1a: {  	s25 =	simm.s32 $0xB80;
	s1 =	simm.s32 $0xE00;
	[dreg:$0x18] =	wrdreg s8  }
0x1b: {  	s7 =	simm.s32 $0xE80;
	s23 =	sadd.s32 $0x2600, s9;
	[dreg:$0x8] =	wrdreg s10  }
0x1c: {  	s9 =	simm.s32 $0x100;
	s0 =	sadd.s32 $0x48600, s0;
	[dreg:$0x11] =	wrdreg s24  }
0x1d: {  	[dreg:$0x12] =	wrdreg s25;
	s24 =	simm.s32 $0xC80;
	s25 =	simm.s32 $0x500  }
0x1e: {  	s8 =	simm.s32 $0x700;
	s10 =	simm.s32 $0xF00;
	[dreg:$0x4] =	wrdreg s23  }
0x1f: {  	[dreg:$0x7] =	wrdreg s9;
	s23 =	simm.s32 $0x380;
	s0 =	sadd.s32 s11, s0  }
0x20: {  	s9 =	simm.s32 $0x780;
	s11 =	simm.s32 $0x0;
	[dreg:$0x10] =	wrdreg s23  }
0x21: {  	s23 =	simm.s32 $0xC00;
	[dreg:$0x1a] =	wrdreg s0;
	s0 =	simm.s32 $0x680  }
.LBB2_1:
0x22: {  	[dreg:$0x1b] =	wrdreg s11;
	s6 =	simm.s32 $0x1000  }
0x23: {  	[tilespmem:s6], [sflag:$0x5] =	stream.linear.gather [hbm4b:s5+s3], $0x80, $0x38;
	[tilespmem:$0x1D000] =	vst v63  }
0x24: {  	s6 =	simm.s32 $0x200;
	_ =	swait.ge [sflag:s12], $0x80  }
.LBB2_2:
0x25: {  	s11 =	sshra.s32 s6, $0x2;
	[sflag:s12] =	ssyncset.done $0x0;
	p0 =	sne.s32 s6, $0xFE00  }
.Ltmp0:
0x26: {  	s11 =	sadd.s32 $0x1000, s11;
	[sflag:s12] =	ssyncadd.s32 $0xFFFFFF80;
	(pc) =	sbr.rel @p0 .LBB2_2-.Ltmp0, $3  }
0x27: {  	[tilespmem:s11], [sflag:$0x5] =	stream.linear.gather [hbm4b:s5+s3], $0x80, $0x38;
	[tilespmem:$0x1D000] =	vst v63  }
0x28: {  	s6 =	sadd.s32 $0x200, s6;
	_ =	sdelay $0x1  }
0x29: {  	_ =	swait.ge [sflag:s12], $0x80  }
0x2a: {  	[sflag:s12] =	ssyncset.done $0x0  }
0x2b: {  	[sflag:s12] =	ssyncadd.s32 $0xFFFFFF80  }
0x2c: {  	[spmem:s21] =	stream.linear.scatter [tilespmem:s13], [sflag:$0x1], $0x4000, $0x38;
	[tilespmem:$0x1D000] =	vst v63  }
0x2d: {  	s6 =	rddreg [dreg:$0x15]  }
0x2e: {  	[spmem:s6] =	stream.linear.scatter [tilespmem:s13], [sflag:$0x1], $0x4000, $0x38;
	[tilespmem:$0x1D000] =	vst v63  }
0x2f: {  	s21 =	rddreg [dreg:$0x16]  }
0x30: {  	[spmem:s21] =	stream.linear.scatter [tilespmem:s13], [sflag:$0x1], $0x4000, $0x38;
	[tilespmem:$0x1D000] =	vst v63  }
0x31: {  	s11 =	rddreg [dreg:$0x17]  }
0x32: {  	[spmem:s11] =	stream.linear.scatter [tilespmem:s13], [sflag:$0x1], $0x4000, $0x38;
	[tilespmem:$0x1D000] =	vst v63  }
0x33: {  	s21 =	rddreg [dreg:$0x18]  }
0x34: {  	[spmem:s21] =	stream.linear.scatter [tilespmem:s13], [sflag:$0x1], $0x4000, $0x38;
	[tilespmem:$0x1D000] =	vst v63  }
0x35: {  	_ =	swait.ge [sflag:s14], $0x4000  }
0x36: {  	[sflag:s14] =	ssyncset.done $0x0  }
0x37: {  	[sflag:s14] =	ssyncadd.s32 $0xFFFFC000  }
0x38: {  	_ =	swait.ge [sflag:s14], $0x4000  }
0x39: {  	[sflag:s14] =	ssyncset.done $0x0  }
0x3a: {  	[sflag:s14] =	ssyncadd.s32 $0xFFFFC000  }
0x3b: {  	_ =	swait.ge [sflag:s14], $0x4000  }
0x3c: {  	[sflag:s14] =	ssyncset.done $0x0  }
0x3d: {  	[sflag:s14] =	ssyncadd.s32 $0xFFFFC000  }
0x3e: {  	_ =	swait.ge [sflag:s14], $0x4000  }
0x3f: {  	[sflag:s14] =	ssyncset.done $0x0  }
0x40: {  	[sflag:s14] =	ssyncadd.s32 $0xFFFFC000  }
0x41: {  	_ =	swait.ge [sflag:s14], $0x4000  }
0x42: {  	[sflag:s14] =	ssyncset.done $0x0  }
0x43: {  	[sflag:s14] =	ssyncadd.s32 $0xFFFFC000  }
0x44: {  	[bflag:$0x0] =	sbarrier.arrive $0xFFFF  }
0x45: {  	s11 =	rddreg [dreg:$0x4]  }
0x46: {  	s6 =	sadd.s32 $0x0, s11  }
0x47: {  	[tilespmem:s3], [sflag:$0x5] =	stream.linear.gather [hbm4b:s6+s3], $0x800, $0x38;
	[tilespmem:$0x1D000] =	vst v63  }
0x48: {  	_ =	swait.ge [sflag:s12], $0x800  }
0x49: {  	s21 =	rddreg [dreg:$0x5];
	[sflag:s12] =	ssyncset.done $0x0  }
0x4a: {  	[sflag:s12] =	ssyncadd.s32 $0xFFFFF800;
	s6 =	sadd.s32 $0x0, s21  }
0x4b: {  	[tilespmem:s15], [sflag:$0x5] =	stream.linear.gather [hbm4b:s6+s3], $0x800, $0x38;
	[tilespmem:$0x1D000] =	vst v63  }
0x4c: {  	_ =	swait.ge [sflag:s12], $0x800  }
0x4d: {  	[sflag:s12] =	ssyncset.done $0x0  }
0x4e: {  	[sflag:s12] =	ssyncadd.s32 $0xFFFFF800  }
0x4f: {  	[tilespmem:s13], [sflag:$0x1] =	stream.indirect.gather [hbm4b:s4+s16], $0x80, s3, s16, $0xb8;
	[tilespmem:$0x1D000] =	vst v63  }
0x50: {  	_ = 	snop  }
0x51: {  	[tilespmem:s17], [sflag:$0x2] =	stream.indirect.gather [hbm4b:s4+s16], $0x80, s16, s16, $0xb8;
	[tilespmem:$0x1D000] =	vst v63  }
0x52: {  	_ =	swait.ge [sflag:s14], $0x4000  }
0x53: {  	[sflag:s14] =	ssyncset.done $0x0  }
0x54: {  	[sflag:s14] =	ssyncadd.s32 $0xFFFFC000  }
0x55: {  	[spmem:s2] =	stream.indirect.scatter.add.f32 [tilespmem:s13], [sflag:$0x3], $0x80, s15, s16, $0xb8;
	[tilespmem:$0x1D000] =	vst v63  }
0x56: {  	_ =	swait.ge [sflag:s18], $0x4000  }
0x57: {  	[sflag:s18] =	ssyncset.done $0x0  }
0x58: {  	s11 =	rddreg [dreg:$0x6];
	[sflag:s18] =	ssyncadd.s32 $0xFFFFC000  }
0x59: {  	[spmem:s2] =	stream.indirect.scatter.add.f32 [tilespmem:s17], [sflag:$0x4], $0x80, s11, s16, $0xb8;
	[tilespmem:$0x1D000] =	vst v63  }
0x5a: {  	_ =	swait.ge [sflag:s19], $0x4000  }
0x5b: {  	[sflag:s19] =	ssyncset.done $0x0  }
0x5c: {  	[sflag:s19] =	ssyncadd.s32 $0xFFFFC000  }
0x5d: {  	_ =	swait.ge [sflag:s20], $0x4000  }
0x5e: {  	[sflag:s20] =	ssyncset.done $0x0  }
0x5f: {  	s21 =	rddreg [dreg:$0x7];
	[sflag:s20] =	ssyncadd.s32 $0xFFFFC000  }
0x60: {  	[tilespmem:s13], [sflag:$0x1] =	stream.indirect.gather [hbm4b:s4+s16], $0x80, s21, s16, $0xb8;
	[tilespmem:$0x1D000] =	vst v63  }
0x61: {  	s11 =	rddreg [dreg:$0x8]  }
0x62: {  	[tilespmem:s17], [sflag:$0x2] =	stream.indirect.gather [hbm4b:s4+s16], $0x80, s11, s16, $0xb8;
	[tilespmem:$0x1D000] =	vst v63  }
0x63: {  	_ =	swait.ge [sflag:s14], $0x4000  }
0x64: {  	[sflag:s14] =	ssyncset.done $0x0  }
0x65: {  	s11 =	rddreg [dreg:$0x9];
	[sflag:s14] =	ssyncadd.s32 $0xFFFFC000  }
0x66: {  	[spmem:s2] =	stream.indirect.scatter.add.f32 [tilespmem:s13], [sflag:$0x3], $0x80, s11, s16, $0xb8;
	[tilespmem:$0x1D000] =	vst v63  }
0x67: {  	_ =	swait.ge [sflag:s18], $0x4000  }
0x68: {  	[sflag:s18] =	ssyncset.done $0x0  }
0x69: {  	s21 =	rddreg [dreg:$0xa];
	[sflag:s18] =	ssyncadd.s32 $0xFFFFC000  }
0x6a: {  	[spmem:s2] =	stream.indirect.scatter.add.f32 [tilespmem:s17], [sflag:$0x4], $0x80, s21, s16, $0xb8;
	[tilespmem:$0x1D000] =	vst v63  }
0x6b: {  	_ =	swait.ge [sflag:s19], $0x4000  }
0x6c: {  	[sflag:s19] =	ssyncset.done $0x0  }
0x6d: {  	[sflag:s19] =	ssyncadd.s32 $0xFFFFC000  }
0x6e: {  	_ =	swait.ge [sflag:s20], $0x4000  }
0x6f: {  	[sflag:s20] =	ssyncset.done $0x0  }
0x70: {  	s11 =	rddreg [dreg:$0xb];
	[sflag:s20] =	ssyncadd.s32 $0xFFFFC000  }
0x71: {  	[tilespmem:s13], [sflag:$0x1] =	stream.indirect.gather [hbm4b:s4+s16], $0x80, s11, s16, $0xb8;
	[tilespmem:$0x1D000] =	vst v63  }
0x72: {  	s21 =	rddreg [dreg:$0xc]  }
0x73: {  	[tilespmem:s17], [sflag:$0x2] =	stream.indirect.gather [hbm4b:s4+s16], $0x80, s21, s16, $0xb8;
	[tilespmem:$0x1D000] =	vst v63  }
0x74: {  	_ =	swait.ge [sflag:s14], $0x4000  }
0x75: {  	[sflag:s14] =	ssyncset.done $0x0  }
0x76: {  	s11 =	rddreg [dreg:$0xd];
	[sflag:s14] =	ssyncadd.s32 $0xFFFFC000  }
0x77: {  	[spmem:s2] =	stream.indirect.scatter.add.f32 [tilespmem:s13], [sflag:$0x3], $0x80, s11, s16, $0xb8;
	[tilespmem:$0x1D000] =	vst v63  }
0x78: {  	_ =	swait.ge [sflag:s18], $0x4000  }
0x79: {  	[sflag:s18] =	ssyncset.done $0x0  }
0x7a: {  	s21 =	rddreg [dreg:$0xe];
	[sflag:s18] =	ssyncadd.s32 $0xFFFFC000  }
0x7b: {  	[spmem:s2] =	stream.indirect.scatter.add.f32 [tilespmem:s17], [sflag:$0x4], $0x80, s21, s16, $0xb8;
	[tilespmem:$0x1D000] =	vst v63  }
0x7c: {  	_ =	swait.ge [sflag:s19], $0x4000  }
0x7d: {  	[sflag:s19] =	ssyncset.done $0x0  }
0x7e: {  	[sflag:s19] =	ssyncadd.s32 $0xFFFFC000  }
0x7f: {  	_ =	swait.ge [sflag:s20], $0x4000  }
0x80: {  	[sflag:s20] =	ssyncset.done $0x0  }
0x81: {  	s11 =	rddreg [dreg:$0xf];
	[sflag:s20] =	ssyncadd.s32 $0xFFFFC000  }
0x82: {  	[tilespmem:s13], [sflag:$0x1] =	stream.indirect.gather [hbm4b:s4+s16], $0x80, s11, s16, $0xb8;
	[tilespmem:$0x1D000] =	vst v63  }
0x83: {  	s21 =	rddreg [dreg:$0x10]  }
0x84: {  	[tilespmem:s17], [sflag:$0x2] =	stream.indirect.gather [hbm4b:s4+s16], $0x80, s21, s16, $0xb8;
	[tilespmem:$0x1D000] =	vst v63  }
0x85: {  	_ =	swait.ge [sflag:s14], $0x4000  }
0x86: {  	[sflag:s14] =	ssyncset.done $0x0  }
0x87: {  	s21 =	rddreg [dreg:$0x11];
	[sflag:s14] =	ssyncadd.s32 $0xFFFFC000  }
0x88: {  	[spmem:s2] =	stream.indirect.scatter.add.f32 [tilespmem:s13], [sflag:$0x3], $0x80, s21, s16, $0xb8;
	[tilespmem:$0x1D000] =	vst v63  }
0x89: {  	_ =	swait.ge [sflag:s18], $0x4000  }
0x8a: {  	[sflag:s18] =	ssyncset.done $0x0  }
0x8b: {  	s11 =	rddreg [dreg:$0x12];
	[sflag:s18] =	ssyncadd.s32 $0xFFFFC000  }
0x8c: {  	[spmem:s2] =	stream.indirect.scatter.add.f32 [tilespmem:s17], [sflag:$0x4], $0x80, s11, s16, $0xb8;
	[tilespmem:$0x1D000] =	vst v63  }
0x8d: {  	_ =	swait.ge [sflag:s19], $0x4000  }
0x8e: {  	[sflag:s19] =	ssyncset.done $0x0  }
0x8f: {  	[sflag:s19] =	ssyncadd.s32 $0xFFFFC000  }
0x90: {  	_ =	swait.ge [sflag:s20], $0x4000  }
0x91: {  	[sflag:s20] =	ssyncset.done $0x0  }
0x92: {  	s21 =	rddreg [dreg:$0x13];
	[sflag:s20] =	ssyncadd.s32 $0xFFFFC000  }
0x93: {  	[tilespmem:s13], [sflag:$0x1] =	stream.indirect.gather [hbm4b:s4+s16], $0x80, s21, s16, $0xb8;
	[tilespmem:$0x1D000] =	vst v63  }
0x94: {  	_ = 	snop  }
0x95: {  	[tilespmem:s17], [sflag:$0x2] =	stream.indirect.gather [hbm4b:s4+s16], $0x80, s22, s16, $0xb8;
	[tilespmem:$0x1D000] =	vst v63  }
0x96: {  	_ =	swait.ge [sflag:s14], $0x4000  }
0x97: {  	[sflag:s14] =	ssyncset.done $0x0  }
0x98: {  	[sflag:s14] =	ssyncadd.s32 $0xFFFFC000  }
0x99: {  	[spmem:s2] =	stream.indirect.scatter.add.f32 [tilespmem:s13], [sflag:$0x3], $0x80, s23, s16, $0xb8;
	[tilespmem:$0x1D000] =	vst v63  }
0x9a: {  	_ =	swait.ge [sflag:s18], $0x4000  }
0x9b: {  	[sflag:s18] =	ssyncset.done $0x0  }
0x9c: {  	[sflag:s18] =	ssyncadd.s32 $0xFFFFC000  }
0x9d: {  	[spmem:s2] =	stream.indirect.scatter.add.f32 [tilespmem:s17], [sflag:$0x4], $0x80, s24, s16, $0xb8;
	[tilespmem:$0x1D000] =	vst v63  }
0x9e: {  	_ =	swait.ge [sflag:s19], $0x4000  }
0x9f: {  	[sflag:s19] =	ssyncset.done $0x0  }
0xa0: {  	[sflag:s19] =	ssyncadd.s32 $0xFFFFC000  }
0xa1: {  	_ =	swait.ge [sflag:s20], $0x4000  }
0xa2: {  	[sflag:s20] =	ssyncset.done $0x0  }
0xa3: {  	[sflag:s20] =	ssyncadd.s32 $0xFFFFC000  }
0xa4: {  	[tilespmem:s13], [sflag:$0x1] =	stream.indirect.gather [hbm4b:s4+s16], $0x80, s25, s16, $0xb8;
	[tilespmem:$0x1D000] =	vst v63  }
0xa5: {  	_ = 	snop  }
0xa6: {  	[tilespmem:s17], [sflag:$0x2] =	stream.indirect.gather [hbm4b:s4+s16], $0x80, s26, s16, $0xb8;
	[tilespmem:$0x1D000] =	vst v63  }
0xa7: {  	_ =	swait.ge [sflag:s14], $0x4000  }
0xa8: {  	[sflag:s14] =	ssyncset.done $0x0  }
0xa9: {  	[sflag:s14] =	ssyncadd.s32 $0xFFFFC000  }
0xaa: {  	[spmem:s2] =	stream.indirect.scatter.add.f32 [tilespmem:s13], [sflag:$0x3], $0x80, s28, s16, $0xb8;
	[tilespmem:$0x1D000] =	vst v63  }
0xab: {  	_ =	swait.ge [sflag:s18], $0x4000  }
0xac: {  	[sflag:s18] =	ssyncset.done $0x0  }
0xad: {  	[sflag:s18] =	ssyncadd.s32 $0xFFFFC000  }
0xae: {  	[spmem:s2] =	stream.indirect.scatter.add.f32 [tilespmem:s17], [sflag:$0x4], $0x80, s29, s16, $0xb8;
	[tilespmem:$0x1D000] =	vst v63  }
0xaf: {  	_ =	swait.ge [sflag:s19], $0x4000  }
0xb0: {  	[sflag:s19] =	ssyncset.done $0x0  }
0xb1: {  	[sflag:s19] =	ssyncadd.s32 $0xFFFFC000  }
0xb2: {  	_ =	swait.ge [sflag:s20], $0x4000  }
0xb3: {  	[sflag:s20] =	ssyncset.done $0x0  }
0xb4: {  	[sflag:s20] =	ssyncadd.s32 $0xFFFFC000  }
0xb5: {  	[tilespmem:s13], [sflag:$0x1] =	stream.indirect.gather [hbm4b:s4+s16], $0x80, s30, s16, $0xb8;
	[tilespmem:$0x1D000] =	vst v63  }
0xb6: {  	_ = 	snop  }
0xb7: {  	[tilespmem:s17], [sflag:$0x2] =	stream.indirect.gather [hbm4b:s4+s16], $0x80, s0, s16, $0xb8;
	[tilespmem:$0x1D000] =	vst v63  }
0xb8: {  	_ =	swait.ge [sflag:s14], $0x4000  }
0xb9: {  	[sflag:s14] =	ssyncset.done $0x0  }
0xba: {  	[sflag:s14] =	ssyncadd.s32 $0xFFFFC000  }
0xbb: {  	[spmem:s2] =	stream.indirect.scatter.add.f32 [tilespmem:s13], [sflag:$0x3], $0x80, s1, s16, $0xb8;
	[tilespmem:$0x1D000] =	vst v63  }
0xbc: {  	_ =	swait.ge [sflag:s18], $0x4000  }
0xbd: {  	[sflag:s18] =	ssyncset.done $0x0  }
0xbe: {  	[sflag:s18] =	ssyncadd.s32 $0xFFFFC000  }
0xbf: {  	[spmem:s2] =	stream.indirect.scatter.add.f32 [tilespmem:s17], [sflag:$0x4], $0x80, s7, s16, $0xb8;
	[tilespmem:$0x1D000] =	vst v63  }
0xc0: {  	_ =	swait.ge [sflag:s19], $0x4000  }
0xc1: {  	[sflag:s19] =	ssyncset.done $0x0  }
0xc2: {  	[sflag:s19] =	ssyncadd.s32 $0xFFFFC000  }
0xc3: {  	_ =	swait.ge [sflag:s20], $0x4000  }
0xc4: {  	[sflag:s20] =	ssyncset.done $0x0  }
0xc5: {  	[sflag:s20] =	ssyncadd.s32 $0xFFFFC000  }
0xc6: {  	[tilespmem:s13], [sflag:$0x1] =	stream.indirect.gather [hbm4b:s4+s16], $0x80, s8, s16, $0xb8;
	[tilespmem:$0x1D000] =	vst v63  }
0xc7: {  	_ = 	snop  }
0xc8: {  	[tilespmem:s17], [sflag:$0x2] =	stream.indirect.gather [hbm4b:s4+s16], $0x80, s9, s16, $0xb8;
	[tilespmem:$0x1D000] =	vst v63  }
0xc9: {  	_ =	swait.ge [sflag:s14], $0x4000  }
0xca: {  	[sflag:s14] =	ssyncset.done $0x0  }
0xcb: {  	s6 =	simm.s32 $0x200;
	[sflag:s14] =	ssyncadd.s32 $0xFFFFC000  }
0xcc: {  	[spmem:s2] =	stream.indirect.scatter.add.f32 [tilespmem:s13], [sflag:$0x3], $0x80, s10, s16, $0xb8;
	[tilespmem:$0x1D000] =	vst v63  }
0xcd: {  	s22 =	simm.s32 $0x480;
	s23 =	simm.s32 $0xC00;
	_ =	swait.ge [sflag:s18], $0x4000  }
0xce: {  	s24 =	simm.s32 $0x100;
	s25 =	simm.s32 $0xC80;
	[sflag:s18] =	ssyncset.done $0x0  }
0xcf: {  	s26 =	simm.s32 $0x500;
	s28 =	simm.s32 $0x580;
	[sflag:s18] =	ssyncadd.s32 $0xFFFFC000  }
0xd0: {  	[spmem:s2] =	stream.indirect.scatter.add.f32 [tilespmem:s17], [sflag:$0x4], $0x80, s31, s16, $0xb8;
	[tilespmem:$0x1D000] =	vst v63  }
0xd1: {  	s29 =	simm.s32 $0xD00;
	s30 =	simm.s32 $0xD80;
	_ =	swait.ge [sflag:s19], $0x4000  }
0xd2: {  	s0 =	simm.s32 $0x680;
	s1 =	simm.s32 $0xE00;
	[sflag:s19] =	ssyncset.done $0x0  }
0xd3: {  	s7 =	simm.s32 $0xE80;
	s8 =	simm.s32 $0x700;
	[sflag:s19] =	ssyncadd.s32 $0xFFFFC000  }
0xd4: {  	s9 =	simm.s32 $0x780;
	s10 =	simm.s32 $0xF00;
	_ =	swait.ge [sflag:s20], $0x4000  }
0xd5: {  	s31 =	simm.s32 $0x600;
	s11 =	rddreg [dreg:$0x4];
	[sflag:s20] =	ssyncset.done $0x0  }
.LBB2_4:
0xd6: {  	[sflag:s20] =	ssyncadd.s32 $0xFFFFC000;
	s11 =	sadd.s32 s24, s11  }
0xd7: {  	[tilespmem:s3], [sflag:$0x5] =	stream.linear.gather [hbm4b:s11+s3], $0x800, $0x38;
	[tilespmem:$0x1D000] =	vst v63  }
0xd8: {  	_ =	swait.ge [sflag:s12], $0x800  }
0xd9: {  	s11 =	rddreg [dreg:$0x5];
	[sflag:s12] =	ssyncset.done $0x0  }
0xda: {  	[sflag:s12] =	ssyncadd.s32 $0xFFFFF800;
	s11 =	sadd.s32 s24, s11  }
0xdb: {  	[tilespmem:s15], [sflag:$0x5] =	stream.linear.gather [hbm4b:s11+s3], $0x800, $0x38;
	[tilespmem:$0x1D000] =	vst v63  }
0xdc: {  	_ =	swait.ge [sflag:s12], $0x800  }
0xdd: {  	[sflag:s12] =	ssyncset.done $0x0  }
0xde: {  	[sflag:s12] =	ssyncadd.s32 $0xFFFFF800  }
0xdf: {  	[tilespmem:s13], [sflag:$0x1] =	stream.indirect.gather [hbm4b:s4+s16], $0x80, s3, s16, $0xb8;
	[tilespmem:$0x1D000] =	vst v63  }
0xe0: {  	_ = 	snop  }
0xe1: {  	[tilespmem:s17], [sflag:$0x2] =	stream.indirect.gather [hbm4b:s4+s16], $0x80, s16, s16, $0xb8;
	[tilespmem:$0x1D000] =	vst v63  }
0xe2: {  	_ =	swait.ge [sflag:s14], $0x4000  }
0xe3: {  	[sflag:s14] =	ssyncset.done $0x0  }
0xe4: {  	[sflag:s14] =	ssyncadd.s32 $0xFFFFC000  }
0xe5: {  	[spmem:s2] =	stream.indirect.scatter.add.f32 [tilespmem:s13], [sflag:$0x3], $0x80, s15, s16, $0xb8;
	[tilespmem:$0x1D000] =	vst v63  }
0xe6: {  	_ =	swait.ge [sflag:s18], $0x4000  }
0xe7: {  	s21 =	smov.u32 s6;
	[sflag:s18] =	ssyncset.done $0x0  }
0xe8: {  	s24 =	smov.u32 s21;
	s21 =	rddreg [dreg:$0x6];
	[sflag:s18] =	ssyncadd.s32 $0xFFFFC000  }
0xe9: {  	[spmem:s2] =	stream.indirect.scatter.add.f32 [tilespmem:s17], [sflag:$0x4], $0x80, s21, s16, $0xb8;
	[tilespmem:$0x1D000] =	vst v63  }
0xea: {  	_ =	swait.ge [sflag:s19], $0x4000  }
0xeb: {  	[sflag:s19] =	ssyncset.done $0x0  }
0xec: {  	[sflag:s19] =	ssyncadd.s32 $0xFFFFC000  }
0xed: {  	_ =	swait.ge [sflag:s20], $0x4000  }
0xee: {  	[sflag:s20] =	ssyncset.done $0x0  }
0xef: {  	s11 =	rddreg [dreg:$0x7];
	[sflag:s20] =	ssyncadd.s32 $0xFFFFC000  }
0xf0: {  	[tilespmem:s13], [sflag:$0x1] =	stream.indirect.gather [hbm4b:s4+s16], $0x80, s11, s16, $0xb8;
	[tilespmem:$0x1D000] =	vst v63  }
0xf1: {  	s21 =	rddreg [dreg:$0x8]  }
0xf2: {  	[tilespmem:s17], [sflag:$0x2] =	stream.indirect.gather [hbm4b:s4+s16], $0x80, s21, s16, $0xb8;
	[tilespmem:$0x1D000] =	vst v63  }
0xf3: {  	_ =	swait.ge [sflag:s14], $0x4000  }
0xf4: {  	[sflag:s14] =	ssyncset.done $0x0  }
0xf5: {  	s21 =	rddreg [dreg:$0x9];
	[sflag:s14] =	ssyncadd.s32 $0xFFFFC000  }
0xf6: {  	[spmem:s2] =	stream.indirect.scatter.add.f32 [tilespmem:s13], [sflag:$0x3], $0x80, s21, s16, $0xb8;
	[tilespmem:$0x1D000] =	vst v63  }
0xf7: {  	_ =	swait.ge [sflag:s18], $0x4000  }
0xf8: {  	[sflag:s18] =	ssyncset.done $0x0  }
0xf9: {  	s21 =	rddreg [dreg:$0xa];
	[sflag:s18] =	ssyncadd.s32 $0xFFFFC000  }
0xfa: {  	[spmem:s2] =	stream.indirect.scatter.add.f32 [tilespmem:s17], [sflag:$0x4], $0x80, s21, s16, $0xb8;
	[tilespmem:$0x1D000] =	vst v63  }
0xfb: {  	_ =	swait.ge [sflag:s19], $0x4000  }
0xfc: {  	[sflag:s19] =	ssyncset.done $0x0  }
0xfd: {  	[sflag:s19] =	ssyncadd.s32 $0xFFFFC000  }
0xfe: {  	_ =	swait.ge [sflag:s20], $0x4000  }
0xff: {  	[sflag:s20] =	ssyncset.done $0x0  }
0x100: {  	s11 =	rddreg [dreg:$0xb];
	[sflag:s20] =	ssyncadd.s32 $0xFFFFC000  }
0x101: {  	[tilespmem:s13], [sflag:$0x1] =	stream.indirect.gather [hbm4b:s4+s16], $0x80, s11, s16, $0xb8;
	[tilespmem:$0x1D000] =	vst v63  }
0x102: {  	s21 =	rddreg [dreg:$0xc]  }
0x103: {  	[tilespmem:s17], [sflag:$0x2] =	stream.indirect.gather [hbm4b:s4+s16], $0x80, s21, s16, $0xb8;
	[tilespmem:$0x1D000] =	vst v63  }
0x104: {  	_ =	swait.ge [sflag:s14], $0x4000  }
0x105: {  	[sflag:s14] =	ssyncset.done $0x0  }
0x106: {  	s21 =	rddreg [dreg:$0xd];
	[sflag:s14] =	ssyncadd.s32 $0xFFFFC000  }
0x107: {  	[spmem:s2] =	stream.indirect.scatter.add.f32 [tilespmem:s13], [sflag:$0x3], $0x80, s21, s16, $0xb8;
	[tilespmem:$0x1D000] =	vst v63  }
0x108: {  	_ =	swait.ge [sflag:s18], $0x4000  }
0x109: {  	[sflag:s18] =	ssyncset.done $0x0  }
0x10a: {  	s21 =	rddreg [dreg:$0xe];
	[sflag:s18] =	ssyncadd.s32 $0xFFFFC000  }
0x10b: {  	[spmem:s2] =	stream.indirect.scatter.add.f32 [tilespmem:s17], [sflag:$0x4], $0x80, s21, s16, $0xb8;
	[tilespmem:$0x1D000] =	vst v63  }
0x10c: {  	_ =	swait.ge [sflag:s19], $0x4000  }
0x10d: {  	[sflag:s19] =	ssyncset.done $0x0  }
0x10e: {  	[sflag:s19] =	ssyncadd.s32 $0xFFFFC000  }
0x10f: {  	_ =	swait.ge [sflag:s20], $0x4000  }
0x110: {  	[sflag:s20] =	ssyncset.done $0x0  }
0x111: {  	s11 =	rddreg [dreg:$0xf];
	[sflag:s20] =	ssyncadd.s32 $0xFFFFC000  }
0x112: {  	[tilespmem:s13], [sflag:$0x1] =	stream.indirect.gather [hbm4b:s4+s16], $0x80, s11, s16, $0xb8;
	[tilespmem:$0x1D000] =	vst v63  }
0x113: {  	s21 =	rddreg [dreg:$0x10]  }
0x114: {  	[tilespmem:s17], [sflag:$0x2] =	stream.indirect.gather [hbm4b:s4+s16], $0x80, s21, s16, $0xb8;
	[tilespmem:$0x1D000] =	vst v63  }
0x115: {  	_ =	swait.ge [sflag:s14], $0x4000  }
0x116: {  	[sflag:s14] =	ssyncset.done $0x0  }
0x117: {  	s21 =	rddreg [dreg:$0x11];
	[sflag:s14] =	ssyncadd.s32 $0xFFFFC000  }
0x118: {  	[spmem:s2] =	stream.indirect.scatter.add.f32 [tilespmem:s13], [sflag:$0x3], $0x80, s21, s16, $0xb8;
	[tilespmem:$0x1D000] =	vst v63  }
0x119: {  	_ =	swait.ge [sflag:s18], $0x4000  }
0x11a: {  	[sflag:s18] =	ssyncset.done $0x0  }
0x11b: {  	s21 =	rddreg [dreg:$0x12];
	[sflag:s18] =	ssyncadd.s32 $0xFFFFC000  }
0x11c: {  	[spmem:s2] =	stream.indirect.scatter.add.f32 [tilespmem:s17], [sflag:$0x4], $0x80, s21, s16, $0xb8;
	[tilespmem:$0x1D000] =	vst v63  }
0x11d: {  	_ =	swait.ge [sflag:s19], $0x4000  }
0x11e: {  	[sflag:s19] =	ssyncset.done $0x0  }
0x11f: {  	[sflag:s19] =	ssyncadd.s32 $0xFFFFC000  }
0x120: {  	_ =	swait.ge [sflag:s20], $0x4000  }
0x121: {  	[sflag:s20] =	ssyncset.done $0x0  }
0x122: {  	s21 =	rddreg [dreg:$0x13];
	[sflag:s20] =	ssyncadd.s32 $0xFFFFC000  }
0x123: {  	[tilespmem:s13], [sflag:$0x1] =	stream.indirect.gather [hbm4b:s4+s16], $0x80, s21, s16, $0xb8;
	[tilespmem:$0x1D000] =	vst v63  }
0x124: {  	_ = 	snop  }
0x125: {  	[tilespmem:s17], [sflag:$0x2] =	stream.indirect.gather [hbm4b:s4+s16], $0x80, s22, s16, $0xb8;
	[tilespmem:$0x1D000] =	vst v63  }
0x126: {  	_ =	swait.ge [sflag:s14], $0x4000  }
0x127: {  	[sflag:s14] =	ssyncset.done $0x0  }
0x128: {  	[sflag:s14] =	ssyncadd.s32 $0xFFFFC000  }
0x129: {  	[spmem:s2] =	stream.indirect.scatter.add.f32 [tilespmem:s13], [sflag:$0x3], $0x80, s23, s16, $0xb8;
	[tilespmem:$0x1D000] =	vst v63  }
0x12a: {  	_ =	swait.ge [sflag:s18], $0x4000  }
0x12b: {  	[sflag:s18] =	ssyncset.done $0x0  }
0x12c: {  	[sflag:s18] =	ssyncadd.s32 $0xFFFFC000  }
0x12d: {  	[spmem:s2] =	stream.indirect.scatter.add.f32 [tilespmem:s17], [sflag:$0x4], $0x80, s25, s16, $0xb8;
	[tilespmem:$0x1D000] =	vst v63  }
0x12e: {  	_ =	swait.ge [sflag:s19], $0x4000  }
0x12f: {  	[sflag:s19] =	ssyncset.done $0x0  }
0x130: {  	[sflag:s19] =	ssyncadd.s32 $0xFFFFC000  }
0x131: {  	_ =	swait.ge [sflag:s20], $0x4000  }
0x132: {  	[sflag:s20] =	ssyncset.done $0x0  }
0x133: {  	[sflag:s20] =	ssyncadd.s32 $0xFFFFC000  }
0x134: {  	[tilespmem:s13], [sflag:$0x1] =	stream.indirect.gather [hbm4b:s4+s16], $0x80, s26, s16, $0xb8;
	[tilespmem:$0x1D000] =	vst v63  }
0x135: {  	_ = 	snop  }
0x136: {  	[tilespmem:s17], [sflag:$0x2] =	stream.indirect.gather [hbm4b:s4+s16], $0x80, s28, s16, $0xb8;
	[tilespmem:$0x1D000] =	vst v63  }
0x137: {  	_ =	swait.ge [sflag:s14], $0x4000  }
0x138: {  	[sflag:s14] =	ssyncset.done $0x0  }
0x139: {  	[sflag:s14] =	ssyncadd.s32 $0xFFFFC000  }
0x13a: {  	[spmem:s2] =	stream.indirect.scatter.add.f32 [tilespmem:s13], [sflag:$0x3], $0x80, s29, s16, $0xb8;
	[tilespmem:$0x1D000] =	vst v63  }
0x13b: {  	_ =	swait.ge [sflag:s18], $0x4000  }
0x13c: {  	[sflag:s18] =	ssyncset.done $0x0  }
0x13d: {  	[sflag:s18] =	ssyncadd.s32 $0xFFFFC000  }
0x13e: {  	[spmem:s2] =	stream.indirect.scatter.add.f32 [tilespmem:s17], [sflag:$0x4], $0x80, s30, s16, $0xb8;
	[tilespmem:$0x1D000] =	vst v63  }
0x13f: {  	_ =	swait.ge [sflag:s19], $0x4000  }
0x140: {  	[sflag:s19] =	ssyncset.done $0x0  }
0x141: {  	[sflag:s19] =	ssyncadd.s32 $0xFFFFC000  }
0x142: {  	_ =	swait.ge [sflag:s20], $0x4000  }
0x143: {  	[sflag:s20] =	ssyncset.done $0x0  }
0x144: {  	[sflag:s20] =	ssyncadd.s32 $0xFFFFC000  }
0x145: {  	[tilespmem:s13], [sflag:$0x1] =	stream.indirect.gather [hbm4b:s4+s16], $0x80, s31, s16, $0xb8;
	[tilespmem:$0x1D000] =	vst v63  }
0x146: {  	_ = 	snop  }
0x147: {  	[tilespmem:s17], [sflag:$0x2] =	stream.indirect.gather [hbm4b:s4+s16], $0x80, s0, s16, $0xb8;
	[tilespmem:$0x1D000] =	vst v63  }
0x148: {  	_ =	swait.ge [sflag:s14], $0x4000  }
0x149: {  	[sflag:s14] =	ssyncset.done $0x0  }
0x14a: {  	[sflag:s14] =	ssyncadd.s32 $0xFFFFC000  }
0x14b: {  	[spmem:s2] =	stream.indirect.scatter.add.f32 [tilespmem:s13], [sflag:$0x3], $0x80, s1, s16, $0xb8;
	[tilespmem:$0x1D000] =	vst v63  }
0x14c: {  	_ =	swait.ge [sflag:s18], $0x4000  }
0x14d: {  	[sflag:s18] =	ssyncset.done $0x0  }
0x14e: {  	[sflag:s18] =	ssyncadd.s32 $0xFFFFC000  }
0x14f: {  	[spmem:s2] =	stream.indirect.scatter.add.f32 [tilespmem:s17], [sflag:$0x4], $0x80, s7, s16, $0xb8;
	[tilespmem:$0x1D000] =	vst v63  }
0x150: {  	_ =	swait.ge [sflag:s19], $0x4000  }
0x151: {  	[sflag:s19] =	ssyncset.done $0x0  }
0x152: {  	[sflag:s19] =	ssyncadd.s32 $0xFFFFC000  }
0x153: {  	_ =	swait.ge [sflag:s20], $0x4000  }
0x154: {  	[sflag:s20] =	ssyncset.done $0x0  }
0x155: {  	[sflag:s20] =	ssyncadd.s32 $0xFFFFC000  }
0x156: {  	[tilespmem:s13], [sflag:$0x1] =	stream.indirect.gather [hbm4b:s4+s16], $0x80, s8, s16, $0xb8;
	[tilespmem:$0x1D000] =	vst v63  }
0x157: {  	_ = 	snop  }
0x158: {  	[tilespmem:s17], [sflag:$0x2] =	stream.indirect.gather [hbm4b:s4+s16], $0x80, s9, s16, $0xb8;
	[tilespmem:$0x1D000] =	vst v63  }
0x159: {  	_ =	swait.ge [sflag:s14], $0x4000  }
0x15a: {  	[sflag:s14] =	ssyncset.done $0x0  }
0x15b: {  	[sflag:s14] =	ssyncadd.s32 $0xFFFFC000  }
0x15c: {  	[spmem:s2] =	stream.indirect.scatter.add.f32 [tilespmem:s13], [sflag:$0x3], $0x80, s10, s16, $0xb8;
	[tilespmem:$0x1D000] =	vst v63  }
0x15d: {  	_ =	swait.ge [sflag:s18], $0x4000  }
0x15e: {  	[sflag:s18] =	ssyncset.done $0x0  }
0x15f: {  	p0 =	sne.s32 s6, $0x400;
	s21 =	simm.s32 $0xF80;
	[sflag:s18] =	ssyncadd.s32 $0xFFFFC000  }
0x160: {  	[spmem:s2] =	stream.indirect.scatter.add.f32 [tilespmem:s17], [sflag:$0x4], $0x80, s21, s16, $0xb8;
	[tilespmem:$0x1D000] =	vst v63  }
.Ltmp1:
0x161: {  	_ =	swait.ge [sflag:s19], $0x4000;
	(pc) =	sbr.rel @p0 .LBB2_4-.Ltmp1, $4  }
0x162: {  	[sflag:s19] =	ssyncset.done $0x0  }
0x163: {  	[sflag:s19] =	ssyncadd.s32 $0xFFFFC000  }
0x164: {  	_ =	swait.ge [sflag:s20], $0x4000  }
0x165: {  	s6 =	sadd.s32 $0x100, s6;
	s11 =	rddreg [dreg:$0x4];
	[sflag:s20] =	ssyncset.done $0x0  }
0x166: {  	[sflag:s20] =	ssyncadd.s32 $0xFFFFC000;
	s6 =	sadd.s32 s24, s11  }
0x167: {  	[tilespmem:s3], [sflag:$0x5] =	stream.linear.gather [hbm4b:s6+s3], $0x800, $0x38;
	[tilespmem:$0x1D000] =	vst v63  }
0x168: {  	_ =	swait.ge [sflag:s12], $0x800  }
0x169: {  	s21 =	rddreg [dreg:$0x5];
	[sflag:s12] =	ssyncset.done $0x0  }
0x16a: {  	[sflag:s12] =	ssyncadd.s32 $0xFFFFF800;
	s6 =	sadd.s32 s24, s21  }
0x16b: {  	[tilespmem:s15], [sflag:$0x5] =	stream.linear.gather [hbm4b:s6+s3], $0x800, $0x38;
	[tilespmem:$0x1D000] =	vst v63  }
0x16c: {  	_ =	swait.ge [sflag:s12], $0x800  }
0x16d: {  	[sflag:s12] =	ssyncset.done $0x0  }
0x16e: {  	[sflag:s12] =	ssyncadd.s32 $0xFFFFF800  }
0x16f: {  	[tilespmem:s13], [sflag:$0x1] =	stream.indirect.gather [hbm4b:s4+s16], $0x80, s3, s16, $0xb8;
	[tilespmem:$0x1D000] =	vst v63  }
0x170: {  	_ = 	snop  }
0x171: {  	[tilespmem:s17], [sflag:$0x2] =	stream.indirect.gather [hbm4b:s4+s16], $0x80, s16, s16, $0xb8;
	[tilespmem:$0x1D000] =	vst v63  }
0x172: {  	_ =	swait.ge [sflag:s14], $0x4000  }
0x173: {  	[sflag:s14] =	ssyncset.done $0x0  }
0x174: {  	[sflag:s14] =	ssyncadd.s32 $0xFFFFC000  }
0x175: {  	[spmem:s2] =	stream.indirect.scatter.add.f32 [tilespmem:s13], [sflag:$0x3], $0x80, s15, s16, $0xb8;
	[tilespmem:$0x1D000] =	vst v63  }
0x176: {  	_ =	swait.ge [sflag:s18], $0x4000  }
0x177: {  	[sflag:s18] =	ssyncset.done $0x0  }
0x178: {  	s11 =	rddreg [dreg:$0x6];
	[sflag:s18] =	ssyncadd.s32 $0xFFFFC000  }
0x179: {  	[spmem:s2] =	stream.indirect.scatter.add.f32 [tilespmem:s17], [sflag:$0x4], $0x80, s11, s16, $0xb8;
	[tilespmem:$0x1D000] =	vst v63  }
0x17a: {  	_ =	swait.ge [sflag:s19], $0x4000  }
0x17b: {  	[sflag:s19] =	ssyncset.done $0x0  }
0x17c: {  	[sflag:s19] =	ssyncadd.s32 $0xFFFFC000  }
0x17d: {  	_ =	swait.ge [sflag:s20], $0x4000  }
0x17e: {  	[sflag:s20] =	ssyncset.done $0x0  }
0x17f: {  	s21 =	rddreg [dreg:$0x7];
	[sflag:s20] =	ssyncadd.s32 $0xFFFFC000  }
0x180: {  	[tilespmem:s13], [sflag:$0x1] =	stream.indirect.gather [hbm4b:s4+s16], $0x80, s21, s16, $0xb8;
	[tilespmem:$0x1D000] =	vst v63  }
0x181: {  	s24 =	rddreg [dreg:$0x8]  }
0x182: {  	[tilespmem:s17], [sflag:$0x2] =	stream.indirect.gather [hbm4b:s4+s16], $0x80, s24, s16, $0xb8;
	[tilespmem:$0x1D000] =	vst v63  }
0x183: {  	_ =	swait.ge [sflag:s14], $0x4000  }
0x184: {  	[sflag:s14] =	ssyncset.done $0x0  }
0x185: {  	s21 =	rddreg [dreg:$0x9];
	[sflag:s14] =	ssyncadd.s32 $0xFFFFC000  }
0x186: {  	[spmem:s2] =	stream.indirect.scatter.add.f32 [tilespmem:s13], [sflag:$0x3], $0x80, s21, s16, $0xb8;
	[tilespmem:$0x1D000] =	vst v63  }
0x187: {  	_ =	swait.ge [sflag:s18], $0x4000  }
0x188: {  	[sflag:s18] =	ssyncset.done $0x0  }
0x189: {  	s24 =	rddreg [dreg:$0xa];
	[sflag:s18] =	ssyncadd.s32 $0xFFFFC000  }
0x18a: {  	[spmem:s2] =	stream.indirect.scatter.add.f32 [tilespmem:s17], [sflag:$0x4], $0x80, s24, s16, $0xb8;
	[tilespmem:$0x1D000] =	vst v63  }
0x18b: {  	_ =	swait.ge [sflag:s19], $0x4000  }
0x18c: {  	[sflag:s19] =	ssyncset.done $0x0  }
0x18d: {  	[sflag:s19] =	ssyncadd.s32 $0xFFFFC000  }
0x18e: {  	_ =	swait.ge [sflag:s20], $0x4000  }
0x18f: {  	[sflag:s20] =	ssyncset.done $0x0  }
0x190: {  	s11 =	rddreg [dreg:$0xb];
	[sflag:s20] =	ssyncadd.s32 $0xFFFFC000  }
0x191: {  	[tilespmem:s13], [sflag:$0x1] =	stream.indirect.gather [hbm4b:s4+s16], $0x80, s11, s16, $0xb8;
	[tilespmem:$0x1D000] =	vst v63  }
0x192: {  	s21 =	rddreg [dreg:$0xc]  }
0x193: {  	[tilespmem:s17], [sflag:$0x2] =	stream.indirect.gather [hbm4b:s4+s16], $0x80, s21, s16, $0xb8;
	[tilespmem:$0x1D000] =	vst v63  }
0x194: {  	_ =	swait.ge [sflag:s14], $0x4000  }
0x195: {  	[sflag:s14] =	ssyncset.done $0x0  }
0x196: {  	s24 =	rddreg [dreg:$0xd];
	[sflag:s14] =	ssyncadd.s32 $0xFFFFC000  }
0x197: {  	[spmem:s2] =	stream.indirect.scatter.add.f32 [tilespmem:s13], [sflag:$0x3], $0x80, s24, s16, $0xb8;
	[tilespmem:$0x1D000] =	vst v63  }
0x198: {  	_ =	swait.ge [sflag:s18], $0x4000  }
0x199: {  	[sflag:s18] =	ssyncset.done $0x0  }
0x19a: {  	s11 =	rddreg [dreg:$0xe];
	[sflag:s18] =	ssyncadd.s32 $0xFFFFC000  }
0x19b: {  	[spmem:s2] =	stream.indirect.scatter.add.f32 [tilespmem:s17], [sflag:$0x4], $0x80, s11, s16, $0xb8;
	[tilespmem:$0x1D000] =	vst v63  }
0x19c: {  	_ =	swait.ge [sflag:s19], $0x4000  }
0x19d: {  	[sflag:s19] =	ssyncset.done $0x0  }
0x19e: {  	[sflag:s19] =	ssyncadd.s32 $0xFFFFC000  }
0x19f: {  	_ =	swait.ge [sflag:s20], $0x4000  }
0x1a0: {  	[sflag:s20] =	ssyncset.done $0x0  }
0x1a1: {  	s21 =	rddreg [dreg:$0xf];
	[sflag:s20] =	ssyncadd.s32 $0xFFFFC000  }
0x1a2: {  	[tilespmem:s13], [sflag:$0x1] =	stream.indirect.gather [hbm4b:s4+s16], $0x80, s21, s16, $0xb8;
	[tilespmem:$0x1D000] =	vst v63  }
0x1a3: {  	s24 =	rddreg [dreg:$0x10]  }
0x1a4: {  	[tilespmem:s17], [sflag:$0x2] =	stream.indirect.gather [hbm4b:s4+s16], $0x80, s24, s16, $0xb8;
	[tilespmem:$0x1D000] =	vst v63  }
0x1a5: {  	_ =	swait.ge [sflag:s14], $0x4000  }
0x1a6: {  	[sflag:s14] =	ssyncset.done $0x0  }
0x1a7: {  	s21 =	rddreg [dreg:$0x11];
	[sflag:s14] =	ssyncadd.s32 $0xFFFFC000  }
0x1a8: {  	[spmem:s2] =	stream.indirect.scatter.add.f32 [tilespmem:s13], [sflag:$0x3], $0x80, s21, s16, $0xb8;
	[tilespmem:$0x1D000] =	vst v63  }
0x1a9: {  	_ =	swait.ge [sflag:s18], $0x4000  }
0x1aa: {  	[sflag:s18] =	ssyncset.done $0x0  }
0x1ab: {  	s24 =	rddreg [dreg:$0x12];
	[sflag:s18] =	ssyncadd.s32 $0xFFFFC000  }
0x1ac: {  	[spmem:s2] =	stream.indirect.scatter.add.f32 [tilespmem:s17], [sflag:$0x4], $0x80, s24, s16, $0xb8;
	[tilespmem:$0x1D000] =	vst v63  }
0x1ad: {  	_ =	swait.ge [sflag:s19], $0x4000  }
0x1ae: {  	[sflag:s19] =	ssyncset.done $0x0  }
0x1af: {  	[sflag:s19] =	ssyncadd.s32 $0xFFFFC000  }
0x1b0: {  	_ =	swait.ge [sflag:s20], $0x4000  }
0x1b1: {  	[sflag:s20] =	ssyncset.done $0x0  }
0x1b2: {  	s11 =	rddreg [dreg:$0x13];
	[sflag:s20] =	ssyncadd.s32 $0xFFFFC000  }
0x1b3: {  	[tilespmem:s13], [sflag:$0x1] =	stream.indirect.gather [hbm4b:s4+s16], $0x80, s11, s16, $0xb8;
	[tilespmem:$0x1D000] =	vst v63  }
0x1b4: {  	_ = 	snop  }
0x1b5: {  	[tilespmem:s17], [sflag:$0x2] =	stream.indirect.gather [hbm4b:s4+s16], $0x80, s22, s16, $0xb8;
	[tilespmem:$0x1D000] =	vst v63  }
0x1b6: {  	_ =	swait.ge [sflag:s14], $0x4000  }
0x1b7: {  	[sflag:s14] =	ssyncset.done $0x0  }
0x1b8: {  	[sflag:s14] =	ssyncadd.s32 $0xFFFFC000  }
0x1b9: {  	[spmem:s2] =	stream.indirect.scatter.add.f32 [tilespmem:s13], [sflag:$0x3], $0x80, s23, s16, $0xb8;
	[tilespmem:$0x1D000] =	vst v63  }
0x1ba: {  	_ =	swait.ge [sflag:s18], $0x4000  }
0x1bb: {  	[sflag:s18] =	ssyncset.done $0x0  }
0x1bc: {  	[sflag:s18] =	ssyncadd.s32 $0xFFFFC000  }
0x1bd: {  	[spmem:s2] =	stream.indirect.scatter.add.f32 [tilespmem:s17], [sflag:$0x4], $0x80, s25, s16, $0xb8;
	[tilespmem:$0x1D000] =	vst v63  }
0x1be: {  	_ =	swait.ge [sflag:s19], $0x4000  }
0x1bf: {  	[sflag:s19] =	ssyncset.done $0x0  }
0x1c0: {  	[sflag:s19] =	ssyncadd.s32 $0xFFFFC000  }
0x1c1: {  	_ =	swait.ge [sflag:s20], $0x4000  }
0x1c2: {  	[sflag:s20] =	ssyncset.done $0x0  }
0x1c3: {  	[sflag:s20] =	ssyncadd.s32 $0xFFFFC000  }
0x1c4: {  	[tilespmem:s13], [sflag:$0x1] =	stream.indirect.gather [hbm4b:s4+s16], $0x80, s26, s16, $0xb8;
	[tilespmem:$0x1D000] =	vst v63  }
0x1c5: {  	_ = 	snop  }
0x1c6: {  	[tilespmem:s17], [sflag:$0x2] =	stream.indirect.gather [hbm4b:s4+s16], $0x80, s28, s16, $0xb8;
	[tilespmem:$0x1D000] =	vst v63  }
0x1c7: {  	_ =	swait.ge [sflag:s14], $0x4000  }
0x1c8: {  	[sflag:s14] =	ssyncset.done $0x0  }
0x1c9: {  	[sflag:s14] =	ssyncadd.s32 $0xFFFFC000  }
0x1ca: {  	[spmem:s2] =	stream.indirect.scatter.add.f32 [tilespmem:s13], [sflag:$0x3], $0x80, s29, s16, $0xb8;
	[tilespmem:$0x1D000] =	vst v63  }
0x1cb: {  	_ =	swait.ge [sflag:s18], $0x4000  }
0x1cc: {  	[sflag:s18] =	ssyncset.done $0x0  }
0x1cd: {  	[sflag:s18] =	ssyncadd.s32 $0xFFFFC000  }
0x1ce: {  	[spmem:s2] =	stream.indirect.scatter.add.f32 [tilespmem:s17], [sflag:$0x4], $0x80, s30, s16, $0xb8;
	[tilespmem:$0x1D000] =	vst v63  }
0x1cf: {  	_ =	swait.ge [sflag:s19], $0x4000  }
0x1d0: {  	[sflag:s19] =	ssyncset.done $0x0  }
0x1d1: {  	[sflag:s19] =	ssyncadd.s32 $0xFFFFC000  }
0x1d2: {  	_ =	swait.ge [sflag:s20], $0x4000  }
0x1d3: {  	[sflag:s20] =	ssyncset.done $0x0  }
0x1d4: {  	[sflag:s20] =	ssyncadd.s32 $0xFFFFC000  }
0x1d5: {  	[tilespmem:s13], [sflag:$0x1] =	stream.indirect.gather [hbm4b:s4+s16], $0x80, s31, s16, $0xb8;
	[tilespmem:$0x1D000] =	vst v63  }
0x1d6: {  	_ = 	snop  }
0x1d7: {  	[tilespmem:s17], [sflag:$0x2] =	stream.indirect.gather [hbm4b:s4+s16], $0x80, s0, s16, $0xb8;
	[tilespmem:$0x1D000] =	vst v63  }
0x1d8: {  	_ =	swait.ge [sflag:s14], $0x4000  }
0x1d9: {  	[sflag:s14] =	ssyncset.done $0x0  }
0x1da: {  	[sflag:s14] =	ssyncadd.s32 $0xFFFFC000  }
0x1db: {  	[spmem:s2] =	stream.indirect.scatter.add.f32 [tilespmem:s13], [sflag:$0x3], $0x80, s1, s16, $0xb8;
	[tilespmem:$0x1D000] =	vst v63  }
0x1dc: {  	_ =	swait.ge [sflag:s18], $0x4000  }
0x1dd: {  	[sflag:s18] =	ssyncset.done $0x0  }
0x1de: {  	[sflag:s18] =	ssyncadd.s32 $0xFFFFC000  }
0x1df: {  	[spmem:s2] =	stream.indirect.scatter.add.f32 [tilespmem:s17], [sflag:$0x4], $0x80, s7, s16, $0xb8;
	[tilespmem:$0x1D000] =	vst v63  }
0x1e0: {  	_ =	swait.ge [sflag:s19], $0x4000  }
0x1e1: {  	[sflag:s19] =	ssyncset.done $0x0  }
0x1e2: {  	[sflag:s19] =	ssyncadd.s32 $0xFFFFC000  }
0x1e3: {  	_ =	swait.ge [sflag:s20], $0x4000  }
0x1e4: {  	[sflag:s20] =	ssyncset.done $0x0  }
0x1e5: {  	[sflag:s20] =	ssyncadd.s32 $0xFFFFC000  }
0x1e6: {  	[tilespmem:s13], [sflag:$0x1] =	stream.indirect.gather [hbm4b:s4+s16], $0x80, s8, s16, $0xb8;
	[tilespmem:$0x1D000] =	vst v63  }
0x1e7: {  	_ = 	snop  }
0x1e8: {  	[tilespmem:s17], [sflag:$0x2] =	stream.indirect.gather [hbm4b:s4+s16], $0x80, s9, s16, $0xb8;
	[tilespmem:$0x1D000] =	vst v63  }
0x1e9: {  	_ =	swait.ge [sflag:s14], $0x4000  }
0x1ea: {  	[sflag:s14] =	ssyncset.done $0x0  }
0x1eb: {  	[sflag:s14] =	ssyncadd.s32 $0xFFFFC000  }
0x1ec: {  	[spmem:s2] =	stream.indirect.scatter.add.f32 [tilespmem:s13], [sflag:$0x3], $0x80, s10, s16, $0xb8;
	[tilespmem:$0x1D000] =	vst v63  }
0x1ed: {  	_ =	swait.ge [sflag:s18], $0x4000  }
0x1ee: {  	[sflag:s18] =	ssyncset.done $0x0  }
0x1ef: {  	s21 =	simm.s32 $0xF80;
	[sflag:s18] =	ssyncadd.s32 $0xFFFFC000  }
0x1f0: {  	[spmem:s2] =	stream.indirect.scatter.add.f32 [tilespmem:s17], [sflag:$0x4], $0x80, s21, s16, $0xb8;
	[tilespmem:$0x1D000] =	vst v63  }
0x1f1: {  	_ =	swait.ge [sflag:s19], $0x4000  }
0x1f2: {  	[sflag:s19] =	ssyncset.done $0x0  }
0x1f3: {  	[sflag:s19] =	ssyncadd.s32 $0xFFFFC000  }
0x1f4: {  	_ =	swait.ge [sflag:s20], $0x4000  }
0x1f5: {  	[sflag:s20] =	ssyncset.done $0x0  }
0x1f6: {  	[sflag:s20] =	ssyncadd.s32 $0xFFFFC000  }
0x1f7: {  	s22 =	stileid.u32;
	[bflag:$0x0] =	sbarrier.arrive $0xFFFF  }
0x1f8: {  	s6 =	sshll.u32 s22, $0x6;
	s21 =	rddreg [dreg:$0x14]  }
0x1f9: {  	s6 =	sor.u32 $0x1C05, s6;
	s24 =	rddreg [dreg:$0x1a];
	s23 =	sshrl.u32 s21, $0x3  }
0x1fa: {  	[hbm:s24], [sflag:s6] =	dma.local [spmem:s23], $0x2800  }
0x1fb: {  	_ =	swait.ge [sflag:s12], $0x2800  }
0x1fc: {  	s25 =	rddreg [dreg:$0x1b]  }
0x1fd: {  	s22 =	simm.s32 $0x480;
	s26 =	rddreg [dreg:$0x19];
	s11 =	sadd.s32 $0x1, s25  }
0x1fe: {  	s28 =	simm.s32 $0xD00;
	s29 =	simm.s32 $0xD80;
	p0 =	sne.s32 s11, s26  }
.Ltmp2:
0x1ff: {  	s30 =	simm.s32 $0x600;
	s31 =	simm.s32 $0xF80;
	(pc) =	sbr.rel @p0 .LBB2_1-.Ltmp2, $4  }
0x200: {  	s0 =	simm.s32 $0x680;
	s1 =	simm.s32 $0xE00;
	s7 =	simm.s32 $0xE80  }
0x201: {  	s8 =	simm.s32 $0x700;
	s9 =	simm.s32 $0x780;
	s10 =	simm.s32 $0xF00  }
0x202: {  	s23 =	simm.s32 $0xC00;
	s24 =	simm.s32 $0xC80;
	[sflag:s12] =	ssyncset.done $0x0  }
0x203: {  	[sflag:s12] =	ssyncadd.s32 $0xFFFFD800;
	s25 =	simm.s32 $0x500;
	s26 =	simm.s32 $0x580  }
0x204: {  	_ =	sfence.sel $0x180000  }
0x205: {  	[bflag:$0x0] =	sbarrier.arrive $0xFFFF  }
0x206: {  	_ =	strace $0x9000004A  }
0x207: {  	s0 =	stileid.u32;
	[bflag:$0x2] =	sbarrier.arrive $0xFFFF  }
0x208: {  	p0 =	sne.s32 s0, $0x0;
	s0 =	rddreg [dreg:$0x3]  }
0x209: {  	s0 =	sadd.s32 @!p0 $0x100000, s0  }
0x20a: {  	[sflag:s0] =	ssyncadd.tile.s32 @!p0 $0x1;
	_ =	shalt  }
.Lfunc_end2:
_tile_overlayer_lowered:
.L_overlay_start_2:
0x20b: {  	(tag) =	ssettag $0x2  }
0x20c: {  	s0 =	rddreg [dreg:$0x0];
	s2 =	stileid.u32  }
0x20d: {  	s1 =	rddreg [dreg:$0x1];
	p0 =	sne.s32 s2, $0x0  }
0x20e: {  	s3 =	rddreg [dreg:$0x2];
	[bflag:$0x3] =	sbarrier.arrive $0xFFFF;
	s2 =	simm.s32 @!p0 $0x1C05  }
0x20f: {  	[timem:s3], [sflag:s2] =	dma.local @!p0 [hbm:s0], s1  }
0x210: {  	s0 =	simm.s32 @!p0 $0x5  }
0x211: {  	_ =	swait.ge @!p0 [sflag:s0], s1  }
0x212: {  	s1 =	ssub.s32 @!p0 $0x0, s1;
	[sflag:s0] =	ssyncset.done @!p0 $0x0  }
0x213: {  	[sflag:s0] =	ssyncadd.s32 @!p0 s1  }
0x214: {  	[bflag:$0x3] =	sbarrier.arrive $0xFFFF  }
0x215: {  	_ =	shalt  }

// kernel: kernel.14.cloned.1.call-start
scs
__scs_entry_jumppad:
0x0: {  	(pc) =	sbr.rel $0x88, $3  }
0x1: {  	(tag) =	ssettag $0x0;
	lr =	simm.s32 $0x1  }
0x2: {  	[smem:$0x3F9B] =	sst lr;
	_ =	strace $0xD0000000  }
0x3: {  	_ = 	snop  }
0x4: {  	_ = 	snop  }
0x5: {  	_ = 	snop  }
0x6: {  	_ = 	snop  }
0x7: {  	_ = 	snop  }
__scs_overlays_trampoline_lowered:
0x8: {  	[smem:$0x3FAA] =	sst s0  }
0x9: {  	[smem:$0x3FAB] =	sst s1  }
0xa: {  	[smem:$0x3FAC] =	sst s2  }
0xb: {  	[smem:$0x3FAD] =	sst s3  }
0xc: {  	[smem:$0x3FAE] =	sst s4  }
0xd: {  	[smem:$0x3FAF] =	sst s5  }
0xe: {  	[smem:$0x3FB0] =	sst s6  }
0xf: {  	[smem:$0x3FB1] =	sst s7  }
0x10: {  	[smem:$0x3FB2] =	sst s8  }
0x11: {  	[smem:$0x3FB3] =	sst s9;
	s0 =	simm.s32 @!p0 $0x0  }
0x12: {  	s1 =	sld [smem:$0x3F99];
	s0 =	simm.s32 @p0 $0x1  }
0x13: {  	[smem:$0x3FB4] =	sst s0;
	s0 =	simm.s32 @!p1 $0x0  }
0x14: {  	s2 =	sld [smem:$0x3F98];
	s0 =	simm.s32 @p1 $0x1  }
0x15: {  	[smem:$0x3FB5] =	sst s0;
	s0 =	simm.s32 @!p2 $0x0  }
0x16: {  	s3 =	sld [smem:$0x3FDB];
	s0 =	simm.s32 @p2 $0x1  }
0x17: {  	s4 =	simm.s32 $0x1BF5;
	[smem:$0x3FB7] =	sst s0  }
0x18: {  	s0 =	sld [smem:$0x3F9A];
	_ =	swait.ge [sflag:s4], $0x0  }
0x19: {  	s7 =	sld [smem:$0x3F9B]  }
0x1a: {  	s8 =	sadd.s32 $0xFFFFE003, lr  }
0x1b: {  	s9 =	sadd.s32 $0xFFFFFEF7, lr;
	s5 =	simm.s32 $0xFFFFFFFF;
	p2 =	slt.u32 s8, $0xFFFFF086  }
0x1c: {  	p1 =	slt.u32 s9, $0xF7A;
	s5 =	simm.s32 @!p2 $0x0  }
0x1d: {  	s5 =	simm.s32 @p1 $0x1;
	p0 =	seq.s32 s7, s2  }
0x1e: {  	s7 =	smul.u32 @!p0 $0xF7A, s2;
	p2 =	seq.s32 @!p0 s5, $0x0  }
0x1f: {  	s9 =	smul.u32 $0xF7A, s1;
	s8 =	simm.s32 @!p0 $0x1BF5;
	p2 =	por !p2, p0  }
0x20: {  	[sflag:s8] =	ssyncset.s32 @!p0 $0xFFFFF086;
	s6 =	sadd.s32 @!p0 s3, s7;
	s7 =	simm.s32 @!p0 $0x108  }
0x21: {  	s3 =	sadd.s32 s3, s9;
	s6 =	sadd.s32 @!p0 $0x88, s6;
	s7 =	simm.s32 @p2 $0x1082  }
0x22: {  	[simem:s7], [sflag:s8] =	dma.local @!p0 [hbm:s6], $0xF7A  }
0x23: {  	s9 =	sor.u32 $0xD0000000, s2;
	s6 =	simm.s32 $0x108;
	_ =	swait.ge @!p0 [sflag:s8], $0x0  }
0x24: {  	s3 =	sadd.s32 $0x88, s3;
	s6 =	simm.s32 @!p1 $0x1082;
	[sflag:s4] =	ssyncset.s32 $0xFFFFF086  }
0x25: {  	[simem:s6], [sflag:s4] =	dma.local [hbm:s3], $0xF7A  }
0x26: {  	[smem:$0x3F9B] =	sst s1;
	(tag) =	ssettag s2;
	_ =	strace s9  }
0x27: {  	s1 =	sld [smem:$0x3FAB]  }
0x28: {  	s2 =	sld [smem:$0x3FAC]  }
0x29: {  	s4 =	sld [smem:$0x3FAE]  }
0x2a: {  	p0 =	seq.s32 s5, $0x0;
	s5 =	sld [smem:$0x3FAF]  }
0x2b: {  	s6 =	sld [smem:$0x3FB0]  }
0x2c: {  	s7 =	sld [smem:$0x3FB1]  }
0x2d: {  	s3 =	simm.s32 $0x108;
	s8 =	sld [smem:$0x3FB2]  }
0x2e: {  	s3 =	simm.s32 @!p0 $0x1082;
	s9 =	sld [smem:$0x3FB3]  }
0x2f: {  	lr =	sadd.s32 s0, s3;
	s0 =	sld [smem:$0x3FAA]  }
0x30: {  	s3 =	sld [smem:$0x3FAD]  }
0x31: {  	[smem:$0x3FB6] =	sst s10  }
0x32: {  	s10 =	sld [smem:$0x3FB4];
	_ =	sdelay $0x3  }
0x33: {  	p0 =	seq.s32 s10, $0x1;
	s10 =	sld [smem:$0x3FB6];
	_ =	sdelay $0x3  }
0x34: {  	[smem:$0x3FB6] =	sst s10  }
0x35: {  	s10 =	sld [smem:$0x3FB5];
	_ =	sdelay $0x3  }
0x36: {  	p1 =	seq.s32 s10, $0x1;
	s10 =	sld [smem:$0x3FB6];
	_ =	sdelay $0x3  }
0x37: {  	[smem:$0x3FB6] =	sst s10  }
0x38: {  	s10 =	sld [smem:$0x3FB7]  }
0x39: {  	_ = 	snop;
	(pc) =	sbr.ind lr, $3  }
0x3a: {  	_ = 	snop  }
0x3b: {  	_ = 	snop  }
0x3c: {  	p2 =	seq.s32 s10, $0x1;
	s10 =	sld [smem:$0x3FB6]  }
0x3d: {  	_ =	shalt  }
0x3e: {  	_ =	shalt  }
0x3f: {  	_ =	shalt  }
0x40: {  	_ =	shalt  }
0x41: {  	_ =	shalt  }
0x42: {  	_ =	shalt  }
0x43: {  	_ =	shalt  }
0x44: {  	_ =	shalt  }
0x45: {  	_ =	shalt  }
0x46: {  	_ =	shalt  }
0x47: {  	_ =	shalt  }
0x48: {  	_ =	shalt  }
0x49: {  	_ =	shalt  }
0x4a: {  	_ =	shalt  }
0x4b: {  	_ =	shalt  }
0x4c: {  	_ =	shalt  }
0x4d: {  	_ =	shalt  }
0x4e: {  	_ =	shalt  }
0x4f: {  	_ =	shalt  }
0x50: {  	_ =	shalt  }
0x51: {  	_ =	shalt  }
0x52: {  	_ =	shalt  }
0x53: {  	_ =	shalt  }
0x54: {  	_ =	shalt  }
0x55: {  	_ =	shalt  }
0x56: {  	_ =	shalt  }
0x57: {  	_ =	shalt  }
0x58: {  	_ =	shalt  }
0x59: {  	_ =	shalt  }
0x5a: {  	_ =	shalt  }
0x5b: {  	_ =	shalt  }
0x5c: {  	_ =	shalt  }
0x5d: {  	_ =	shalt  }
0x5e: {  	_ =	shalt  }
0x5f: {  	_ =	shalt  }
0x60: {  	_ =	shalt  }
0x61: {  	_ =	shalt  }
0x62: {  	_ =	shalt  }
0x63: {  	_ =	shalt  }
0x64: {  	_ =	shalt  }
0x65: {  	_ =	shalt  }
0x66: {  	_ =	shalt  }
0x67: {  	_ =	shalt  }
0x68: {  	_ =	shalt  }
0x69: {  	_ =	shalt  }
0x6a: {  	_ =	shalt  }
0x6b: {  	_ =	shalt  }
0x6c: {  	_ =	shalt  }
0x6d: {  	_ =	shalt  }
0x6e: {  	_ =	shalt  }
0x6f: {  	_ =	shalt  }
0x70: {  	_ =	shalt  }
0x71: {  	_ =	shalt  }
0x72: {  	_ =	shalt  }
0x73: {  	_ =	shalt  }
0x74: {  	_ =	shalt  }
0x75: {  	_ =	shalt  }
0x76: {  	_ =	shalt  }
0x77: {  	_ =	shalt  }
0x78: {  	_ =	shalt  }
0x79: {  	_ =	shalt  }
0x7a: {  	_ =	shalt  }
0x7b: {  	_ =	shalt  }
0x7c: {  	_ =	shalt  }
0x7d: {  	_ =	shalt  }
0x7e: {  	_ =	shalt  }
0x7f: {  	_ =	shalt  }
0x80: {  	_ =	shalt  }
0x81: {  	_ =	shalt  }
0x82: {  	_ =	shalt  }
0x83: {  	_ =	shalt  }
0x84: {  	_ =	shalt  }
0x85: {  	_ =	shalt  }
0x86: {  	_ =	shalt  }
0x87: {  	_ =	shalt  }
.Lfunc_end0:
.L_simem_size_0:
called_computation.2_lowered:
.L_overlay_start_0:
0x88: {  	s2 =	sld [smem:$0x3FD9]  }
0x89: {  	s3 =	sld [smem:$0x3FFE];
	_ =	sdelay $0x1  }
0x8a: {  	s1 =	srdreg.scid  }
0x8b: {  	s0 =	sand.u32 $0x1, s1  }
0x8c: {  	s17 =	sshll.u32 s0, $0xA;
	s2 =	sadd.s32 s3, s2  }
0x8d: {  	s2 =	sadd.s32 s2, s17  }
0x8e: {  	[smem:$0x3FC2] =	sst s2  }
0x8f: {  	_ = 	snop  }
0x90: {  	s2 =	sld [smem:$0x3FD0];
	(tm) =	ssettm $0x1  }
0x91: {  	s18 =	sld [smem:$0x3FFB];
	_ =	sdelay $0x3  }
0x92: {  	_ =	strace s18  }
0x93: {  	s3 =	sld [smem:$0x3FFC];
	_ =	sdelay $0x3  }
0x94: {  	_ =	strace s3  }
0x95: {  	s3 =	sld [smem:$0x3FFD];
	_ =	sdelay $0x3  }
0x96: {  	_ =	strace s3  }
0x97: {  	_ =	strace $0x8FFFFFFF  }
0x98: {  	s19 =	sld [smem:$0x3FDB];
	_ =	sdelay $0x1  }
0x99: {  	s4 =	simm.s32 $_scs_section_size  }
0x9a: {  	s5 =	simm.s32 $_size__tile_overlayer_lowered;
	s6 =	simm.s32 $_tile_overlayer_lowered  }
0x9b: {  	s22 =	simm.s32 $0x1BFF;
	s21 =	sshll.u32 s6, $0x1;
	s3 =	sadd.s32 s4, s19  }
0x9c: {  	s7 =	simm.s32 $0x0;
	s20 =	sshll.u32 s5, $0x1;
	s5 =	sadd.s32 s21, s3  }
0x9d: {  	[timem:s7], [sflag:s22] =	dma.local [hbm:s5], s20  }
0x9e: {  	_ =	swait.ge [sflag:s22], s20  }
0x9f: {  	s4 =	ssub.s32 $0x0, s20;
	[sflag:s22] =	ssyncset.done $0x0  }
0xa0: {  	[sflag:s22] =	ssyncadd.s32 s4;
	_ =	sdelay $0x1  }
0xa1: {  	s23 =	simm.s32 $0x1B8B  }
0xa2: {  	_ =	swait.ge [sflag:s23], $0x1  }
0xa3: {  	[sflag:s23] =	ssyncset.done $0x0  }
0xa4: {  	s25 =	simm.s32 $0x1B8E;
	s24 =	sld [smem:$0x3FFE];
	[sflag:s23] =	ssyncadd.s32 $0xFFFFFFFF  }
0xa5: {  	s26 =	simm.s32 $execute0_lowered;
	[smem:$0x3FD2] =	sst s25  }
0xa6: {  	s5 =	sshll.u32 s26, $0x1;
	_ =	strace $0x8000004C;
	[dreg:$0x1] =	wrdreg $0xFFFFFFFF  }
0xa7: {  	s28 =	simm.s32 $_size_execute0_lowered;
	s3 =	sadd.s32 s3, s5;
	[dreg:$0x0] =	wrdreg $0x0  }
0xa8: {  	s5 =	sshll.u32 s28, $0x1;
	[dreg:$0x2] =	wrdreg s3  }
0xa9: {  	[dreg:$0x3] =	wrdreg s5  }
0xaa: {  	[dreg:$0x4] =	wrdreg $0xC0  }
0xab: {  	_ =	task [dreg:s7], $0x5FFFF  }
0xac: {  	[dreg:$0x1] =	wrdreg $0xFFFFFFFF  }
0xad: {  	[dreg:$0x0] =	wrdreg $0x60  }
0xae: {  	[dreg:$0x2] =	wrdreg s24  }
0xaf: {  	[dreg:$0x3] =	wrdreg s2  }
0xb0: {  	[dreg:$0x4] =	wrdreg $0x90000  }
0xb1: {  	[dreg:$0x5] =	wrdreg $0x9  }
0xb2: {  	_ =	task.clear_ibuf [dreg:s7], $0x6FFFF;
	_ =	strace $0x9000004C  }
0xb3: {  	s29 =	simm.s32 $0x9;
	_ =	strace $0x8000004E  }
0xb4: {  	_ =	swait.ge [sflag:s29], $0x1  }
0xb5: {  	[sflag:s29] =	ssyncadd.s32 $0xFFFFFFFF  }
0xb6: {  	_ =	strace $0x9000004E  }
0xb7: {  	_ =	sfence  }
0xb8: {  	s30 =	sld [smem:$0x0];
	_ =	sdelay $0x2  }
0xb9: {  	s31 =	sshll.u32 s1, $0xD;
	s1 =	sshrl.u32 s1, $0x2  }
0xba: {  	s3 =	sand.u32 $0x4000, s31;
	s1 =	sadd.s32 s1, s30  }
0xbb: {  	s0 =	sor.u32 s3, s0;
	s1 =	sshll.u32 s1, $0x11  }
0xbc: {  	s0 =	sor.u32 s1, s0  }
0xbd: {  	s0 =	sadd.s32 $0x8F2B, s0  }
0xbe: {  	[sflag:s0] =	ssyncadd.remote.s32 $0x1  }
0xbf: {  	_ =	sfence.sel $0xFFFF  }
0xc0: {  	[dreg:$0x0] =	wrdreg $0xFFFFFFFF;
	(pc) =	sbr.abs _section_cstart, $3  }
0xc1: {  	[dreg:$0x1] =	wrdreg $0xFFFFFFFF  }
0xc2: {  	_ =	task.clear_ibuf [dreg:s7], $0x2FFFF;
	_ =	strace $0x9FFFFFFF  }
0xc3: {  	(tm) =	ssettm $0x7FFFFFFF  }
tec
execute0_lowered:
.L_overlay_start_1:
0x0: {  	(tag) =	ssettag $0x1  }
0x1: {  	s0 =	rddreg [dreg:$0x0]  }
0x2: {  	s1 =	srdreg.scid;
	s6 =	rddreg [dreg:$0x1]  }
0x3: {  	s2 =	rddreg [dreg:$0x2];
	s11 =	stileid.u32  }
0x4: {  	s3 =	simm.s32 $0x0;
	s26 =	simm.s32 $0x880;
	s15 =	simm.s32 $0x900  }
0x5: {  	s16 =	simm.s32 $0x980;
	s12 =	simm.s32 $0x5;
	s17 =	simm.s32 $0x200  }
0x6: {  	s13 =	simm.s32 $0x1000;
	s18 =	simm.s32 $0x280;
	s14 =	simm.s32 $0x1  }
0x7: {  	s19 =	simm.s32 $0xA00;
	s20 =	simm.s32 $0xA80;
	[smem:$0x7FF] =	sst s3  }
0x8: {  	s28 =	simm.s32 $0xD00;
	_ =	strace $0x8000004D;
	[dreg:$0x6] =	wrdreg s26  }
0x9: {  	s29 =	simm.s32 $0xD80;
	s30 =	simm.s32 $0x600;
	[dreg:$0x9] =	wrdreg s15  }
0xa: {  	s31 =	simm.s32 $0xF80;
	s1 =	sand.u32 $0x1, s1;
	[dreg:$0xa] =	wrdreg s16  }
0xb: {  	s8 =	smul.u32 $0x50000, s11;
	s5 =	sadd.s32 $0xC600, s0;
	[dreg:$0xb] =	wrdreg s17  }
0xc: {  	s4 =	sshll.u32 s1, $0x4;
	s10 =	smul.u32 $0x28000, s1;
	[dreg:$0xc] =	wrdreg s18  }
0xd: {  	s1 =	ssub.s32 $0x2, s1;
	s15 =	simm.s32 $0x800;
	[dreg:$0xd] =	wrdreg s19  }
0xe: {  	s16 =	simm.s32 $0x80;
	[dreg:$0xe] =	wrdreg s20;
	s17 =	simm.s32 $0x5000  }
0xf: {  	s18 =	simm.s32 $0x2;
	s19 =	simm.s32 $0x3;
	s20 =	simm.s32 $0x4  }
0x10: {  	s26 =	simm.s32 $0x400;
	s4 =	sor.u32 s11, s4;
	s8 =	sshrl.u32 s8, $0x2  }
0x11: {  	s22 =	sshrl.u32 s1, $0x1;
	s11 =	smul.u32 $0x2800, s11;
	[dreg:$0x13] =	wrdreg s26  }
0x12: {  	s26 =	simm.s32 $0x580;
	s1 =	ssub.s32 s1, s22;
	s22 =	simm.s32 $0x300  }
0x13: {  	s7 =	smul.u32 $0x500, s4;
	s21 =	sadd.s32 s8, s2;
	[dreg:$0xf] =	wrdreg s22  }
0x14: {  	s4 =	sadd.s32 $0xC800, s0;
	s8 =	sadd.s32 $0x4000, s21;
	[dreg:$0x14] =	wrdreg s21  }
0x15: {  	s24 =	sadd.s32 $0x8000, s21;
	s25 =	sadd.s32 $0xC000, s21;
	[dreg:$0x15] =	wrdreg s8  }
0x16: {  	s1 =	smax.u32 s1, $0x1;
	s22 =	simm.s32 $0x480;
	[dreg:$0x16] =	wrdreg s24  }
0x17: {  	s9 =	sadd.s32 s7, s0;
	s0 =	sadd.s32 s10, s0;
	[dreg:$0x17] =	wrdreg s25  }
0x18: {  	s6 =	sadd.s32 s6, s7;
	s8 =	sadd.s32 $0x10000, s21;
	[dreg:$0x19] =	wrdreg s1  }
0x19: {  	s10 =	simm.s32 $0x180;
	s24 =	simm.s32 $0xB00;
	[dreg:$0x5] =	wrdreg s6  }
0x1a: {  	s25 =	simm.s32 $0xB80;
	s1 =	simm.s32 $0xE00;
	[dreg:$0x18] =	wrdreg s8  }
0x1b: {  	s7 =	simm.s32 $0xE80;
	s23 =	sadd.s32 $0x2600, s9;
	[dreg:$0x8] =	wrdreg s10  }
0x1c: {  	s9 =	simm.s32 $0x100;
	s0 =	sadd.s32 $0x34800, s0;
	[dreg:$0x11] =	wrdreg s24  }
0x1d: {  	[dreg:$0x12] =	wrdreg s25;
	s24 =	simm.s32 $0xC80;
	s25 =	simm.s32 $0x500  }
0x1e: {  	s8 =	simm.s32 $0x700;
	s10 =	simm.s32 $0xF00;
	[dreg:$0x4] =	wrdreg s23  }
0x1f: {  	[dreg:$0x7] =	wrdreg s9;
	s23 =	simm.s32 $0x380;
	s0 =	sadd.s32 s11, s0  }
0x20: {  	s9 =	simm.s32 $0x780;
	s11 =	simm.s32 $0x0;
	[dreg:$0x10] =	wrdreg s23  }
0x21: {  	s23 =	simm.s32 $0xC00;
	[dreg:$0x1a] =	wrdreg s0;
	s0 =	simm.s32 $0x680  }
.LBB2_1:
0x22: {  	[dreg:$0x1b] =	wrdreg s11;
	s6 =	simm.s32 $0x1000  }
0x23: {  	[tilespmem:s6], [sflag:$0x5] =	stream.linear.gather [hbm4b:s5+s3], $0x80, $0x38;
	[tilespmem:$0x1D000] =	vst v63  }
0x24: {  	s6 =	simm.s32 $0x200;
	_ =	swait.ge [sflag:s12], $0x80  }
.LBB2_2:
0x25: {  	s11 =	sshra.s32 s6, $0x2;
	[sflag:s12] =	ssyncset.done $0x0;
	p0 =	sne.s32 s6, $0xFE00  }
.Ltmp0:
0x26: {  	s11 =	sadd.s32 $0x1000, s11;
	[sflag:s12] =	ssyncadd.s32 $0xFFFFFF80;
	(pc) =	sbr.rel @p0 .LBB2_2-.Ltmp0, $3  }
0x27: {  	[tilespmem:s11], [sflag:$0x5] =	stream.linear.gather [hbm4b:s5+s3], $0x80, $0x38;
	[tilespmem:$0x1D000] =	vst v63  }
0x28: {  	s6 =	sadd.s32 $0x200, s6;
	_ =	sdelay $0x1  }
0x29: {  	_ =	swait.ge [sflag:s12], $0x80  }
0x2a: {  	[sflag:s12] =	ssyncset.done $0x0  }
0x2b: {  	[sflag:s12] =	ssyncadd.s32 $0xFFFFFF80  }
0x2c: {  	[spmem:s21] =	stream.linear.scatter [tilespmem:s13], [sflag:$0x1], $0x4000, $0x38;
	[tilespmem:$0x1D000] =	vst v63  }
0x2d: {  	s6 =	rddreg [dreg:$0x15]  }
0x2e: {  	[spmem:s6] =	stream.linear.scatter [tilespmem:s13], [sflag:$0x1], $0x4000, $0x38;
	[tilespmem:$0x1D000] =	vst v63  }
0x2f: {  	s21 =	rddreg [dreg:$0x16]  }
0x30: {  	[spmem:s21] =	stream.linear.scatter [tilespmem:s13], [sflag:$0x1], $0x4000, $0x38;
	[tilespmem:$0x1D000] =	vst v63  }
0x31: {  	s11 =	rddreg [dreg:$0x17]  }
0x32: {  	[spmem:s11] =	stream.linear.scatter [tilespmem:s13], [sflag:$0x1], $0x4000, $0x38;
	[tilespmem:$0x1D000] =	vst v63  }
0x33: {  	s21 =	rddreg [dreg:$0x18]  }
0x34: {  	[spmem:s21] =	stream.linear.scatter [tilespmem:s13], [sflag:$0x1], $0x4000, $0x38;
	[tilespmem:$0x1D000] =	vst v63  }
0x35: {  	_ =	swait.ge [sflag:s14], $0x4000  }
0x36: {  	[sflag:s14] =	ssyncset.done $0x0  }
0x37: {  	[sflag:s14] =	ssyncadd.s32 $0xFFFFC000  }
0x38: {  	_ =	swait.ge [sflag:s14], $0x4000  }
0x39: {  	[sflag:s14] =	ssyncset.done $0x0  }
0x3a: {  	[sflag:s14] =	ssyncadd.s32 $0xFFFFC000  }
0x3b: {  	_ =	swait.ge [sflag:s14], $0x4000  }
0x3c: {  	[sflag:s14] =	ssyncset.done $0x0  }
0x3d: {  	[sflag:s14] =	ssyncadd.s32 $0xFFFFC000  }
0x3e: {  	_ =	swait.ge [sflag:s14], $0x4000  }
0x3f: {  	[sflag:s14] =	ssyncset.done $0x0  }
0x40: {  	[sflag:s14] =	ssyncadd.s32 $0xFFFFC000  }
0x41: {  	_ =	swait.ge [sflag:s14], $0x4000  }
0x42: {  	[sflag:s14] =	ssyncset.done $0x0  }
0x43: {  	[sflag:s14] =	ssyncadd.s32 $0xFFFFC000  }
0x44: {  	[bflag:$0x0] =	sbarrier.arrive $0xFFFF  }
0x45: {  	s11 =	rddreg [dreg:$0x4]  }
0x46: {  	s6 =	sadd.s32 $0x0, s11  }
0x47: {  	[tilespmem:s3], [sflag:$0x5] =	stream.linear.gather [hbm4b:s6+s3], $0x800, $0x38;
	[tilespmem:$0x1D000] =	vst v63  }
0x48: {  	_ =	swait.ge [sflag:s12], $0x800  }
0x49: {  	s21 =	rddreg [dreg:$0x5];
	[sflag:s12] =	ssyncset.done $0x0  }
0x4a: {  	[sflag:s12] =	ssyncadd.s32 $0xFFFFF800;
	s6 =	sadd.s32 $0x0, s21  }
0x4b: {  	[tilespmem:s15], [sflag:$0x5] =	stream.linear.gather [hbm4b:s6+s3], $0x800, $0x38;
	[tilespmem:$0x1D000] =	vst v63  }
0x4c: {  	_ =	swait.ge [sflag:s12], $0x800  }
0x4d: {  	[sflag:s12] =	ssyncset.done $0x0  }
0x4e: {  	[sflag:s12] =	ssyncadd.s32 $0xFFFFF800  }
0x4f: {  	[tilespmem:s13], [sflag:$0x1] =	stream.indirect.gather [hbm4b:s4+s16], $0x80, s3, s16, $0xb8;
	[tilespmem:$0x1D000] =	vst v63  }
0x50: {  	_ = 	snop  }
0x51: {  	[tilespmem:s17], [sflag:$0x2] =	stream.indirect.gather [hbm4b:s4+s16], $0x80, s16, s16, $0xb8;
	[tilespmem:$0x1D000] =	vst v63  }
0x52: {  	_ =	swait.ge [sflag:s14], $0x4000  }
0x53: {  	[sflag:s14] =	ssyncset.done $0x0  }
0x54: {  	[sflag:s14] =	ssyncadd.s32 $0xFFFFC000  }
0x55: {  	[spmem:s2] =	stream.indirect.scatter.add.f32 [tilespmem:s13], [sflag:$0x3], $0x80, s15, s16, $0xb8;
	[tilespmem:$0x1D000] =	vst v63  }
0x56: {  	_ =	swait.ge [sflag:s18], $0x4000  }
0x57: {  	[sflag:s18] =	ssyncset.done $0x0  }
0x58: {  	s11 =	rddreg [dreg:$0x6];
	[sflag:s18] =	ssyncadd.s32 $0xFFFFC000  }
0x59: {  	[spmem:s2] =	stream.indirect.scatter.add.f32 [tilespmem:s17], [sflag:$0x4], $0x80, s11, s16, $0xb8;
	[tilespmem:$0x1D000] =	vst v63  }
0x5a: {  	_ =	swait.ge [sflag:s19], $0x4000  }
0x5b: {  	[sflag:s19] =	ssyncset.done $0x0  }
0x5c: {  	[sflag:s19] =	ssyncadd.s32 $0xFFFFC000  }
0x5d: {  	_ =	swait.ge [sflag:s20], $0x4000  }
0x5e: {  	[sflag:s20] =	ssyncset.done $0x0  }
0x5f: {  	s21 =	rddreg [dreg:$0x7];
	[sflag:s20] =	ssyncadd.s32 $0xFFFFC000  }
0x60: {  	[tilespmem:s13], [sflag:$0x1] =	stream.indirect.gather [hbm4b:s4+s16], $0x80, s21, s16, $0xb8;
	[tilespmem:$0x1D000] =	vst v63  }
0x61: {  	s11 =	rddreg [dreg:$0x8]  }
0x62: {  	[tilespmem:s17], [sflag:$0x2] =	stream.indirect.gather [hbm4b:s4+s16], $0x80, s11, s16, $0xb8;
	[tilespmem:$0x1D000] =	vst v63  }
0x63: {  	_ =	swait.ge [sflag:s14], $0x4000  }
0x64: {  	[sflag:s14] =	ssyncset.done $0x0  }
0x65: {  	s11 =	rddreg [dreg:$0x9];
	[sflag:s14] =	ssyncadd.s32 $0xFFFFC000  }
0x66: {  	[spmem:s2] =	stream.indirect.scatter.add.f32 [tilespmem:s13], [sflag:$0x3], $0x80, s11, s16, $0xb8;
	[tilespmem:$0x1D000] =	vst v63  }
0x67: {  	_ =	swait.ge [sflag:s18], $0x4000  }
0x68: {  	[sflag:s18] =	ssyncset.done $0x0  }
0x69: {  	s21 =	rddreg [dreg:$0xa];
	[sflag:s18] =	ssyncadd.s32 $0xFFFFC000  }
0x6a: {  	[spmem:s2] =	stream.indirect.scatter.add.f32 [tilespmem:s17], [sflag:$0x4], $0x80, s21, s16, $0xb8;
	[tilespmem:$0x1D000] =	vst v63  }
0x6b: {  	_ =	swait.ge [sflag:s19], $0x4000  }
0x6c: {  	[sflag:s19] =	ssyncset.done $0x0  }
0x6d: {  	[sflag:s19] =	ssyncadd.s32 $0xFFFFC000  }
0x6e: {  	_ =	swait.ge [sflag:s20], $0x4000  }
0x6f: {  	[sflag:s20] =	ssyncset.done $0x0  }
0x70: {  	s11 =	rddreg [dreg:$0xb];
	[sflag:s20] =	ssyncadd.s32 $0xFFFFC000  }
0x71: {  	[tilespmem:s13], [sflag:$0x1] =	stream.indirect.gather [hbm4b:s4+s16], $0x80, s11, s16, $0xb8;
	[tilespmem:$0x1D000] =	vst v63  }
0x72: {  	s21 =	rddreg [dreg:$0xc]  }
0x73: {  	[tilespmem:s17], [sflag:$0x2] =	stream.indirect.gather [hbm4b:s4+s16], $0x80, s21, s16, $0xb8;
	[tilespmem:$0x1D000] =	vst v63  }
0x74: {  	_ =	swait.ge [sflag:s14], $0x4000  }
0x75: {  	[sflag:s14] =	ssyncset.done $0x0  }
0x76: {  	s11 =	rddreg [dreg:$0xd];
	[sflag:s14] =	ssyncadd.s32 $0xFFFFC000  }
0x77: {  	[spmem:s2] =	stream.indirect.scatter.add.f32 [tilespmem:s13], [sflag:$0x3], $0x80, s11, s16, $0xb8;
	[tilespmem:$0x1D000] =	vst v63  }
0x78: {  	_ =	swait.ge [sflag:s18], $0x4000  }
0x79: {  	[sflag:s18] =	ssyncset.done $0x0  }
0x7a: {  	s21 =	rddreg [dreg:$0xe];
	[sflag:s18] =	ssyncadd.s32 $0xFFFFC000  }
0x7b: {  	[spmem:s2] =	stream.indirect.scatter.add.f32 [tilespmem:s17], [sflag:$0x4], $0x80, s21, s16, $0xb8;
	[tilespmem:$0x1D000] =	vst v63  }
0x7c: {  	_ =	swait.ge [sflag:s19], $0x4000  }
0x7d: {  	[sflag:s19] =	ssyncset.done $0x0  }
0x7e: {  	[sflag:s19] =	ssyncadd.s32 $0xFFFFC000  }
0x7f: {  	_ =	swait.ge [sflag:s20], $0x4000  }
0x80: {  	[sflag:s20] =	ssyncset.done $0x0  }
0x81: {  	s11 =	rddreg [dreg:$0xf];
	[sflag:s20] =	ssyncadd.s32 $0xFFFFC000  }
0x82: {  	[tilespmem:s13], [sflag:$0x1] =	stream.indirect.gather [hbm4b:s4+s16], $0x80, s11, s16, $0xb8;
	[tilespmem:$0x1D000] =	vst v63  }
0x83: {  	s21 =	rddreg [dreg:$0x10]  }
0x84: {  	[tilespmem:s17], [sflag:$0x2] =	stream.indirect.gather [hbm4b:s4+s16], $0x80, s21, s16, $0xb8;
	[tilespmem:$0x1D000] =	vst v63  }
0x85: {  	_ =	swait.ge [sflag:s14], $0x4000  }
0x86: {  	[sflag:s14] =	ssyncset.done $0x0  }
0x87: {  	s21 =	rddreg [dreg:$0x11];
	[sflag:s14] =	ssyncadd.s32 $0xFFFFC000  }
0x88: {  	[spmem:s2] =	stream.indirect.scatter.add.f32 [tilespmem:s13], [sflag:$0x3], $0x80, s21, s16, $0xb8;
	[tilespmem:$0x1D000] =	vst v63  }
0x89: {  	_ =	swait.ge [sflag:s18], $0x4000  }
0x8a: {  	[sflag:s18] =	ssyncset.done $0x0  }
0x8b: {  	s11 =	rddreg [dreg:$0x12];
	[sflag:s18] =	ssyncadd.s32 $0xFFFFC000  }
0x8c: {  	[spmem:s2] =	stream.indirect.scatter.add.f32 [tilespmem:s17], [sflag:$0x4], $0x80, s11, s16, $0xb8;
	[tilespmem:$0x1D000] =	vst v63  }
0x8d: {  	_ =	swait.ge [sflag:s19], $0x4000  }
0x8e: {  	[sflag:s19] =	ssyncset.done $0x0  }
0x8f: {  	[sflag:s19] =	ssyncadd.s32 $0xFFFFC000  }
0x90: {  	_ =	swait.ge [sflag:s20], $0x4000  }
0x91: {  	[sflag:s20] =	ssyncset.done $0x0  }
0x92: {  	s21 =	rddreg [dreg:$0x13];
	[sflag:s20] =	ssyncadd.s32 $0xFFFFC000  }
0x93: {  	[tilespmem:s13], [sflag:$0x1] =	stream.indirect.gather [hbm4b:s4+s16], $0x80, s21, s16, $0xb8;
	[tilespmem:$0x1D000] =	vst v63  }
0x94: {  	_ = 	snop  }
0x95: {  	[tilespmem:s17], [sflag:$0x2] =	stream.indirect.gather [hbm4b:s4+s16], $0x80, s22, s16, $0xb8;
	[tilespmem:$0x1D000] =	vst v63  }
0x96: {  	_ =	swait.ge [sflag:s14], $0x4000  }
0x97: {  	[sflag:s14] =	ssyncset.done $0x0  }
0x98: {  	[sflag:s14] =	ssyncadd.s32 $0xFFFFC000  }
0x99: {  	[spmem:s2] =	stream.indirect.scatter.add.f32 [tilespmem:s13], [sflag:$0x3], $0x80, s23, s16, $0xb8;
	[tilespmem:$0x1D000] =	vst v63  }
0x9a: {  	_ =	swait.ge [sflag:s18], $0x4000  }
0x9b: {  	[sflag:s18] =	ssyncset.done $0x0  }
0x9c: {  	[sflag:s18] =	ssyncadd.s32 $0xFFFFC000  }
0x9d: {  	[spmem:s2] =	stream.indirect.scatter.add.f32 [tilespmem:s17], [sflag:$0x4], $0x80, s24, s16, $0xb8;
	[tilespmem:$0x1D000] =	vst v63  }
0x9e: {  	_ =	swait.ge [sflag:s19], $0x4000  }
0x9f: {  	[sflag:s19] =	ssyncset.done $0x0  }
0xa0: {  	[sflag:s19] =	ssyncadd.s32 $0xFFFFC000  }
0xa1: {  	_ =	swait.ge [sflag:s20], $0x4000  }
0xa2: {  	[sflag:s20] =	ssyncset.done $0x0  }
0xa3: {  	[sflag:s20] =	ssyncadd.s32 $0xFFFFC000  }
0xa4: {  	[tilespmem:s13], [sflag:$0x1] =	stream.indirect.gather [hbm4b:s4+s16], $0x80, s25, s16, $0xb8;
	[tilespmem:$0x1D000] =	vst v63  }
0xa5: {  	_ = 	snop  }
0xa6: {  	[tilespmem:s17], [sflag:$0x2] =	stream.indirect.gather [hbm4b:s4+s16], $0x80, s26, s16, $0xb8;
	[tilespmem:$0x1D000] =	vst v63  }
0xa7: {  	_ =	swait.ge [sflag:s14], $0x4000  }
0xa8: {  	[sflag:s14] =	ssyncset.done $0x0  }
0xa9: {  	[sflag:s14] =	ssyncadd.s32 $0xFFFFC000  }
0xaa: {  	[spmem:s2] =	stream.indirect.scatter.add.f32 [tilespmem:s13], [sflag:$0x3], $0x80, s28, s16, $0xb8;
	[tilespmem:$0x1D000] =	vst v63  }
0xab: {  	_ =	swait.ge [sflag:s18], $0x4000  }
0xac: {  	[sflag:s18] =	ssyncset.done $0x0  }
0xad: {  	[sflag:s18] =	ssyncadd.s32 $0xFFFFC000  }
0xae: {  	[spmem:s2] =	stream.indirect.scatter.add.f32 [tilespmem:s17], [sflag:$0x4], $0x80, s29, s16, $0xb8;
	[tilespmem:$0x1D000] =	vst v63  }
0xaf: {  	_ =	swait.ge [sflag:s19], $0x4000  }
0xb0: {  	[sflag:s19] =	ssyncset.done $0x0  }
0xb1: {  	[sflag:s19] =	ssyncadd.s32 $0xFFFFC000  }
0xb2: {  	_ =	swait.ge [sflag:s20], $0x4000  }
0xb3: {  	[sflag:s20] =	ssyncset.done $0x0  }
0xb4: {  	[sflag:s20] =	ssyncadd.s32 $0xFFFFC000  }
0xb5: {  	[tilespmem:s13], [sflag:$0x1] =	stream.indirect.gather [hbm4b:s4+s16], $0x80, s30, s16, $0xb8;
	[tilespmem:$0x1D000] =	vst v63  }
0xb6: {  	_ = 	snop  }
0xb7: {  	[tilespmem:s17], [sflag:$0x2] =	stream.indirect.gather [hbm4b:s4+s16], $0x80, s0, s16, $0xb8;
	[tilespmem:$0x1D000] =	vst v63  }
0xb8: {  	_ =	swait.ge [sflag:s14], $0x4000  }
0xb9: {  	[sflag:s14] =	ssyncset.done $0x0  }
0xba: {  	[sflag:s14] =	ssyncadd.s32 $0xFFFFC000  }
0xbb: {  	[spmem:s2] =	stream.indirect.scatter.add.f32 [tilespmem:s13], [sflag:$0x3], $0x80, s1, s16, $0xb8;
	[tilespmem:$0x1D000] =	vst v63  }
0xbc: {  	_ =	swait.ge [sflag:s18], $0x4000  }
0xbd: {  	[sflag:s18] =	ssyncset.done $0x0  }
0xbe: {  	[sflag:s18] =	ssyncadd.s32 $0xFFFFC000  }
0xbf: {  	[spmem:s2] =	stream.indirect.scatter.add.f32 [tilespmem:s17], [sflag:$0x4], $0x80, s7, s16, $0xb8;
	[tilespmem:$0x1D000] =	vst v63  }
0xc0: {  	_ =	swait.ge [sflag:s19], $0x4000  }
0xc1: {  	[sflag:s19] =	ssyncset.done $0x0  }
0xc2: {  	[sflag:s19] =	ssyncadd.s32 $0xFFFFC000  }
0xc3: {  	_ =	swait.ge [sflag:s20], $0x4000  }
0xc4: {  	[sflag:s20] =	ssyncset.done $0x0  }
0xc5: {  	[sflag:s20] =	ssyncadd.s32 $0xFFFFC000  }
0xc6: {  	[tilespmem:s13], [sflag:$0x1] =	stream.indirect.gather [hbm4b:s4+s16], $0x80, s8, s16, $0xb8;
	[tilespmem:$0x1D000] =	vst v63  }
0xc7: {  	_ = 	snop  }
0xc8: {  	[tilespmem:s17], [sflag:$0x2] =	stream.indirect.gather [hbm4b:s4+s16], $0x80, s9, s16, $0xb8;
	[tilespmem:$0x1D000] =	vst v63  }
0xc9: {  	_ =	swait.ge [sflag:s14], $0x4000  }
0xca: {  	[sflag:s14] =	ssyncset.done $0x0  }
0xcb: {  	s6 =	simm.s32 $0x200;
	[sflag:s14] =	ssyncadd.s32 $0xFFFFC000  }
0xcc: {  	[spmem:s2] =	stream.indirect.scatter.add.f32 [tilespmem:s13], [sflag:$0x3], $0x80, s10, s16, $0xb8;
	[tilespmem:$0x1D000] =	vst v63  }
0xcd: {  	s22 =	simm.s32 $0x480;
	s23 =	simm.s32 $0xC00;
	_ =	swait.ge [sflag:s18], $0x4000  }
0xce: {  	s24 =	simm.s32 $0x100;
	s25 =	simm.s32 $0xC80;
	[sflag:s18] =	ssyncset.done $0x0  }
0xcf: {  	s26 =	simm.s32 $0x500;
	s28 =	simm.s32 $0x580;
	[sflag:s18] =	ssyncadd.s32 $0xFFFFC000  }
0xd0: {  	[spmem:s2] =	stream.indirect.scatter.add.f32 [tilespmem:s17], [sflag:$0x4], $0x80, s31, s16, $0xb8;
	[tilespmem:$0x1D000] =	vst v63  }
0xd1: {  	s29 =	simm.s32 $0xD00;
	s30 =	simm.s32 $0xD80;
	_ =	swait.ge [sflag:s19], $0x4000  }
0xd2: {  	s0 =	simm.s32 $0x680;
	s1 =	simm.s32 $0xE00;
	[sflag:s19] =	ssyncset.done $0x0  }
0xd3: {  	s7 =	simm.s32 $0xE80;
	s8 =	simm.s32 $0x700;
	[sflag:s19] =	ssyncadd.s32 $0xFFFFC000  }
0xd4: {  	s9 =	simm.s32 $0x780;
	s10 =	simm.s32 $0xF00;
	_ =	swait.ge [sflag:s20], $0x4000  }
0xd5: {  	s31 =	simm.s32 $0x600;
	s11 =	rddreg [dreg:$0x4];
	[sflag:s20] =	ssyncset.done $0x0  }
.LBB2_4:
0xd6: {  	[sflag:s20] =	ssyncadd.s32 $0xFFFFC000;
	s11 =	sadd.s32 s24, s11  }
0xd7: {  	[tilespmem:s3], [sflag:$0x5] =	stream.linear.gather [hbm4b:s11+s3], $0x800, $0x38;
	[tilespmem:$0x1D000] =	vst v63  }
0xd8: {  	_ =	swait.ge [sflag:s12], $0x800  }
0xd9: {  	s11 =	rddreg [dreg:$0x5];
	[sflag:s12] =	ssyncset.done $0x0  }
0xda: {  	[sflag:s12] =	ssyncadd.s32 $0xFFFFF800;
	s11 =	sadd.s32 s24, s11  }
0xdb: {  	[tilespmem:s15], [sflag:$0x5] =	stream.linear.gather [hbm4b:s11+s3], $0x800, $0x38;
	[tilespmem:$0x1D000] =	vst v63  }
0xdc: {  	_ =	swait.ge [sflag:s12], $0x800  }
0xdd: {  	[sflag:s12] =	ssyncset.done $0x0  }
0xde: {  	[sflag:s12] =	ssyncadd.s32 $0xFFFFF800  }
0xdf: {  	[tilespmem:s13], [sflag:$0x1] =	stream.indirect.gather [hbm4b:s4+s16], $0x80, s3, s16, $0xb8;
	[tilespmem:$0x1D000] =	vst v63  }
0xe0: {  	_ = 	snop  }
0xe1: {  	[tilespmem:s17], [sflag:$0x2] =	stream.indirect.gather [hbm4b:s4+s16], $0x80, s16, s16, $0xb8;
	[tilespmem:$0x1D000] =	vst v63  }
0xe2: {  	_ =	swait.ge [sflag:s14], $0x4000  }
0xe3: {  	[sflag:s14] =	ssyncset.done $0x0  }
0xe4: {  	[sflag:s14] =	ssyncadd.s32 $0xFFFFC000  }
0xe5: {  	[spmem:s2] =	stream.indirect.scatter.add.f32 [tilespmem:s13], [sflag:$0x3], $0x80, s15, s16, $0xb8;
	[tilespmem:$0x1D000] =	vst v63  }
0xe6: {  	_ =	swait.ge [sflag:s18], $0x4000  }
0xe7: {  	s21 =	smov.u32 s6;
	[sflag:s18] =	ssyncset.done $0x0  }
0xe8: {  	s24 =	smov.u32 s21;
	s21 =	rddreg [dreg:$0x6];
	[sflag:s18] =	ssyncadd.s32 $0xFFFFC000  }
0xe9: {  	[spmem:s2] =	stream.indirect.scatter.add.f32 [tilespmem:s17], [sflag:$0x4], $0x80, s21, s16, $0xb8;
	[tilespmem:$0x1D000] =	vst v63  }
0xea: {  	_ =	swait.ge [sflag:s19], $0x4000  }
0xeb: {  	[sflag:s19] =	ssyncset.done $0x0  }
0xec: {  	[sflag:s19] =	ssyncadd.s32 $0xFFFFC000  }
0xed: {  	_ =	swait.ge [sflag:s20], $0x4000  }
0xee: {  	[sflag:s20] =	ssyncset.done $0x0  }
0xef: {  	s11 =	rddreg [dreg:$0x7];
	[sflag:s20] =	ssyncadd.s32 $0xFFFFC000  }
0xf0: {  	[tilespmem:s13], [sflag:$0x1] =	stream.indirect.gather [hbm4b:s4+s16], $0x80, s11, s16, $0xb8;
	[tilespmem:$0x1D000] =	vst v63  }
0xf1: {  	s21 =	rddreg [dreg:$0x8]  }
0xf2: {  	[tilespmem:s17], [sflag:$0x2] =	stream.indirect.gather [hbm4b:s4+s16], $0x80, s21, s16, $0xb8;
	[tilespmem:$0x1D000] =	vst v63  }
0xf3: {  	_ =	swait.ge [sflag:s14], $0x4000  }
0xf4: {  	[sflag:s14] =	ssyncset.done $0x0  }
0xf5: {  	s21 =	rddreg [dreg:$0x9];
	[sflag:s14] =	ssyncadd.s32 $0xFFFFC000  }
0xf6: {  	[spmem:s2] =	stream.indirect.scatter.add.f32 [tilespmem:s13], [sflag:$0x3], $0x80, s21, s16, $0xb8;
	[tilespmem:$0x1D000] =	vst v63  }
0xf7: {  	_ =	swait.ge [sflag:s18], $0x4000  }
0xf8: {  	[sflag:s18] =	ssyncset.done $0x0  }
0xf9: {  	s21 =	rddreg [dreg:$0xa];
	[sflag:s18] =	ssyncadd.s32 $0xFFFFC000  }
0xfa: {  	[spmem:s2] =	stream.indirect.scatter.add.f32 [tilespmem:s17], [sflag:$0x4], $0x80, s21, s16, $0xb8;
	[tilespmem:$0x1D000] =	vst v63  }
0xfb: {  	_ =	swait.ge [sflag:s19], $0x4000  }
0xfc: {  	[sflag:s19] =	ssyncset.done $0x0  }
0xfd: {  	[sflag:s19] =	ssyncadd.s32 $0xFFFFC000  }
0xfe: {  	_ =	swait.ge [sflag:s20], $0x4000  }
0xff: {  	[sflag:s20] =	ssyncset.done $0x0  }
0x100: {  	s11 =	rddreg [dreg:$0xb];
	[sflag:s20] =	ssyncadd.s32 $0xFFFFC000  }
0x101: {  	[tilespmem:s13], [sflag:$0x1] =	stream.indirect.gather [hbm4b:s4+s16], $0x80, s11, s16, $0xb8;
	[tilespmem:$0x1D000] =	vst v63  }
0x102: {  	s21 =	rddreg [dreg:$0xc]  }
0x103: {  	[tilespmem:s17], [sflag:$0x2] =	stream.indirect.gather [hbm4b:s4+s16], $0x80, s21, s16, $0xb8;
	[tilespmem:$0x1D000] =	vst v63  }
0x104: {  	_ =	swait.ge [sflag:s14], $0x4000  }
0x105: {  	[sflag:s14] =	ssyncset.done $0x0  }
0x106: {  	s21 =	rddreg [dreg:$0xd];
	[sflag:s14] =	ssyncadd.s32 $0xFFFFC000  }
0x107: {  	[spmem:s2] =	stream.indirect.scatter.add.f32 [tilespmem:s13], [sflag:$0x3], $0x80, s21, s16, $0xb8;
	[tilespmem:$0x1D000] =	vst v63  }
0x108: {  	_ =	swait.ge [sflag:s18], $0x4000  }
0x109: {  	[sflag:s18] =	ssyncset.done $0x0  }
0x10a: {  	s21 =	rddreg [dreg:$0xe];
	[sflag:s18] =	ssyncadd.s32 $0xFFFFC000  }
0x10b: {  	[spmem:s2] =	stream.indirect.scatter.add.f32 [tilespmem:s17], [sflag:$0x4], $0x80, s21, s16, $0xb8;
	[tilespmem:$0x1D000] =	vst v63  }
0x10c: {  	_ =	swait.ge [sflag:s19], $0x4000  }
0x10d: {  	[sflag:s19] =	ssyncset.done $0x0  }
0x10e: {  	[sflag:s19] =	ssyncadd.s32 $0xFFFFC000  }
0x10f: {  	_ =	swait.ge [sflag:s20], $0x4000  }
0x110: {  	[sflag:s20] =	ssyncset.done $0x0  }
0x111: {  	s11 =	rddreg [dreg:$0xf];
	[sflag:s20] =	ssyncadd.s32 $0xFFFFC000  }
0x112: {  	[tilespmem:s13], [sflag:$0x1] =	stream.indirect.gather [hbm4b:s4+s16], $0x80, s11, s16, $0xb8;
	[tilespmem:$0x1D000] =	vst v63  }
0x113: {  	s21 =	rddreg [dreg:$0x10]  }
0x114: {  	[tilespmem:s17], [sflag:$0x2] =	stream.indirect.gather [hbm4b:s4+s16], $0x80, s21, s16, $0xb8;
	[tilespmem:$0x1D000] =	vst v63  }
0x115: {  	_ =	swait.ge [sflag:s14], $0x4000  }
0x116: {  	[sflag:s14] =	ssyncset.done $0x0  }
0x117: {  	s21 =	rddreg [dreg:$0x11];
	[sflag:s14] =	ssyncadd.s32 $0xFFFFC000  }
0x118: {  	[spmem:s2] =	stream.indirect.scatter.add.f32 [tilespmem:s13], [sflag:$0x3], $0x80, s21, s16, $0xb8;
	[tilespmem:$0x1D000] =	vst v63  }
0x119: {  	_ =	swait.ge [sflag:s18], $0x4000  }
0x11a: {  	[sflag:s18] =	ssyncset.done $0x0  }
0x11b: {  	s21 =	rddreg [dreg:$0x12];
	[sflag:s18] =	ssyncadd.s32 $0xFFFFC000  }
0x11c: {  	[spmem:s2] =	stream.indirect.scatter.add.f32 [tilespmem:s17], [sflag:$0x4], $0x80, s21, s16, $0xb8;
	[tilespmem:$0x1D000] =	vst v63  }
0x11d: {  	_ =	swait.ge [sflag:s19], $0x4000  }
0x11e: {  	[sflag:s19] =	ssyncset.done $0x0  }
0x11f: {  	[sflag:s19] =	ssyncadd.s32 $0xFFFFC000  }
0x120: {  	_ =	swait.ge [sflag:s20], $0x4000  }
0x121: {  	[sflag:s20] =	ssyncset.done $0x0  }
0x122: {  	s21 =	rddreg [dreg:$0x13];
	[sflag:s20] =	ssyncadd.s32 $0xFFFFC000  }
0x123: {  	[tilespmem:s13], [sflag:$0x1] =	stream.indirect.gather [hbm4b:s4+s16], $0x80, s21, s16, $0xb8;
	[tilespmem:$0x1D000] =	vst v63  }
0x124: {  	_ = 	snop  }
0x125: {  	[tilespmem:s17], [sflag:$0x2] =	stream.indirect.gather [hbm4b:s4+s16], $0x80, s22, s16, $0xb8;
	[tilespmem:$0x1D000] =	vst v63  }
0x126: {  	_ =	swait.ge [sflag:s14], $0x4000  }
0x127: {  	[sflag:s14] =	ssyncset.done $0x0  }
0x128: {  	[sflag:s14] =	ssyncadd.s32 $0xFFFFC000  }
0x129: {  	[spmem:s2] =	stream.indirect.scatter.add.f32 [tilespmem:s13], [sflag:$0x3], $0x80, s23, s16, $0xb8;
	[tilespmem:$0x1D000] =	vst v63  }
0x12a: {  	_ =	swait.ge [sflag:s18], $0x4000  }
0x12b: {  	[sflag:s18] =	ssyncset.done $0x0  }
0x12c: {  	[sflag:s18] =	ssyncadd.s32 $0xFFFFC000  }
0x12d: {  	[spmem:s2] =	stream.indirect.scatter.add.f32 [tilespmem:s17], [sflag:$0x4], $0x80, s25, s16, $0xb8;
	[tilespmem:$0x1D000] =	vst v63  }
0x12e: {  	_ =	swait.ge [sflag:s19], $0x4000  }
0x12f: {  	[sflag:s19] =	ssyncset.done $0x0  }
0x130: {  	[sflag:s19] =	ssyncadd.s32 $0xFFFFC000  }
0x131: {  	_ =	swait.ge [sflag:s20], $0x4000  }
0x132: {  	[sflag:s20] =	ssyncset.done $0x0  }
0x133: {  	[sflag:s20] =	ssyncadd.s32 $0xFFFFC000  }
0x134: {  	[tilespmem:s13], [sflag:$0x1] =	stream.indirect.gather [hbm4b:s4+s16], $0x80, s26, s16, $0xb8;
	[tilespmem:$0x1D000] =	vst v63  }
0x135: {  	_ = 	snop  }
0x136: {  	[tilespmem:s17], [sflag:$0x2] =	stream.indirect.gather [hbm4b:s4+s16], $0x80, s28, s16, $0xb8;
	[tilespmem:$0x1D000] =	vst v63  }
0x137: {  	_ =	swait.ge [sflag:s14], $0x4000  }
0x138: {  	[sflag:s14] =	ssyncset.done $0x0  }
0x139: {  	[sflag:s14] =	ssyncadd.s32 $0xFFFFC000  }
0x13a: {  	[spmem:s2] =	stream.indirect.scatter.add.f32 [tilespmem:s13], [sflag:$0x3], $0x80, s29, s16, $0xb8;
	[tilespmem:$0x1D000] =	vst v63  }
0x13b: {  	_ =	swait.ge [sflag:s18], $0x4000  }
0x13c: {  	[sflag:s18] =	ssyncset.done $0x0  }
0x13d: {  	[sflag:s18] =	ssyncadd.s32 $0xFFFFC000  }
0x13e: {  	[spmem:s2] =	stream.indirect.scatter.add.f32 [tilespmem:s17], [sflag:$0x4], $0x80, s30, s16, $0xb8;
	[tilespmem:$0x1D000] =	vst v63  }
0x13f: {  	_ =	swait.ge [sflag:s19], $0x4000  }
0x140: {  	[sflag:s19] =	ssyncset.done $0x0  }
0x141: {  	[sflag:s19] =	ssyncadd.s32 $0xFFFFC000  }
0x142: {  	_ =	swait.ge [sflag:s20], $0x4000  }
0x143: {  	[sflag:s20] =	ssyncset.done $0x0  }
0x144: {  	[sflag:s20] =	ssyncadd.s32 $0xFFFFC000  }
0x145: {  	[tilespmem:s13], [sflag:$0x1] =	stream.indirect.gather [hbm4b:s4+s16], $0x80, s31, s16, $0xb8;
	[tilespmem:$0x1D000] =	vst v63  }
0x146: {  	_ = 	snop  }
0x147: {  	[tilespmem:s17], [sflag:$0x2] =	stream.indirect.gather [hbm4b:s4+s16], $0x80, s0, s16, $0xb8;
	[tilespmem:$0x1D000] =	vst v63  }
0x148: {  	_ =	swait.ge [sflag:s14], $0x4000  }
0x149: {  	[sflag:s14] =	ssyncset.done $0x0  }
0x14a: {  	[sflag:s14] =	ssyncadd.s32 $0xFFFFC000  }
0x14b: {  	[spmem:s2] =	stream.indirect.scatter.add.f32 [tilespmem:s13], [sflag:$0x3], $0x80, s1, s16, $0xb8;
	[tilespmem:$0x1D000] =	vst v63  }
0x14c: {  	_ =	swait.ge [sflag:s18], $0x4000  }
0x14d: {  	[sflag:s18] =	ssyncset.done $0x0  }
0x14e: {  	[sflag:s18] =	ssyncadd.s32 $0xFFFFC000  }
0x14f: {  	[spmem:s2] =	stream.indirect.scatter.add.f32 [tilespmem:s17], [sflag:$0x4], $0x80, s7, s16, $0xb8;
	[tilespmem:$0x1D000] =	vst v63  }
0x150: {  	_ =	swait.ge [sflag:s19], $0x4000  }
0x151: {  	[sflag:s19] =	ssyncset.done $0x0  }
0x152: {  	[sflag:s19] =	ssyncadd.s32 $0xFFFFC000  }
0x153: {  	_ =	swait.ge [sflag:s20], $0x4000  }
0x154: {  	[sflag:s20] =	ssyncset.done $0x0  }
0x155: {  	[sflag:s20] =	ssyncadd.s32 $0xFFFFC000  }
0x156: {  	[tilespmem:s13], [sflag:$0x1] =	stream.indirect.gather [hbm4b:s4+s16], $0x80, s8, s16, $0xb8;
	[tilespmem:$0x1D000] =	vst v63  }
0x157: {  	_ = 	snop  }
0x158: {  	[tilespmem:s17], [sflag:$0x2] =	stream.indirect.gather [hbm4b:s4+s16], $0x80, s9, s16, $0xb8;
	[tilespmem:$0x1D000] =	vst v63  }
0x159: {  	_ =	swait.ge [sflag:s14], $0x4000  }
0x15a: {  	[sflag:s14] =	ssyncset.done $0x0  }
0x15b: {  	[sflag:s14] =	ssyncadd.s32 $0xFFFFC000  }
0x15c: {  	[spmem:s2] =	stream.indirect.scatter.add.f32 [tilespmem:s13], [sflag:$0x3], $0x80, s10, s16, $0xb8;
	[tilespmem:$0x1D000] =	vst v63  }
0x15d: {  	_ =	swait.ge [sflag:s18], $0x4000  }
0x15e: {  	[sflag:s18] =	ssyncset.done $0x0  }
0x15f: {  	p0 =	sne.s32 s6, $0x400;
	s21 =	simm.s32 $0xF80;
	[sflag:s18] =	ssyncadd.s32 $0xFFFFC000  }
0x160: {  	[spmem:s2] =	stream.indirect.scatter.add.f32 [tilespmem:s17], [sflag:$0x4], $0x80, s21, s16, $0xb8;
	[tilespmem:$0x1D000] =	vst v63  }
.Ltmp1:
0x161: {  	_ =	swait.ge [sflag:s19], $0x4000;
	(pc) =	sbr.rel @p0 .LBB2_4-.Ltmp1, $4  }
0x162: {  	[sflag:s19] =	ssyncset.done $0x0  }
0x163: {  	[sflag:s19] =	ssyncadd.s32 $0xFFFFC000  }
0x164: {  	_ =	swait.ge [sflag:s20], $0x4000  }
0x165: {  	s6 =	sadd.s32 $0x100, s6;
	s11 =	rddreg [dreg:$0x4];
	[sflag:s20] =	ssyncset.done $0x0  }
0x166: {  	[sflag:s20] =	ssyncadd.s32 $0xFFFFC000;
	s6 =	sadd.s32 s24, s11  }
0x167: {  	[tilespmem:s3], [sflag:$0x5] =	stream.linear.gather [hbm4b:s6+s3], $0x800, $0x38;
	[tilespmem:$0x1D000] =	vst v63  }
0x168: {  	_ =	swait.ge [sflag:s12], $0x800  }
0x169: {  	s21 =	rddreg [dreg:$0x5];
	[sflag:s12] =	ssyncset.done $0x0  }
0x16a: {  	[sflag:s12] =	ssyncadd.s32 $0xFFFFF800;
	s6 =	sadd.s32 s24, s21  }
0x16b: {  	[tilespmem:s15], [sflag:$0x5] =	stream.linear.gather [hbm4b:s6+s3], $0x800, $0x38;
	[tilespmem:$0x1D000] =	vst v63  }
0x16c: {  	_ =	swait.ge [sflag:s12], $0x800  }
0x16d: {  	[sflag:s12] =	ssyncset.done $0x0  }
0x16e: {  	[sflag:s12] =	ssyncadd.s32 $0xFFFFF800  }
0x16f: {  	[tilespmem:s13], [sflag:$0x1] =	stream.indirect.gather [hbm4b:s4+s16], $0x80, s3, s16, $0xb8;
	[tilespmem:$0x1D000] =	vst v63  }
0x170: {  	_ = 	snop  }
0x171: {  	[tilespmem:s17], [sflag:$0x2] =	stream.indirect.gather [hbm4b:s4+s16], $0x80, s16, s16, $0xb8;
	[tilespmem:$0x1D000] =	vst v63  }
0x172: {  	_ =	swait.ge [sflag:s14], $0x4000  }
0x173: {  	[sflag:s14] =	ssyncset.done $0x0  }
0x174: {  	[sflag:s14] =	ssyncadd.s32 $0xFFFFC000  }
0x175: {  	[spmem:s2] =	stream.indirect.scatter.add.f32 [tilespmem:s13], [sflag:$0x3], $0x80, s15, s16, $0xb8;
	[tilespmem:$0x1D000] =	vst v63  }
0x176: {  	_ =	swait.ge [sflag:s18], $0x4000  }
0x177: {  	[sflag:s18] =	ssyncset.done $0x0  }
0x178: {  	s11 =	rddreg [dreg:$0x6];
	[sflag:s18] =	ssyncadd.s32 $0xFFFFC000  }
0x179: {  	[spmem:s2] =	stream.indirect.scatter.add.f32 [tilespmem:s17], [sflag:$0x4], $0x80, s11, s16, $0xb8;
	[tilespmem:$0x1D000] =	vst v63  }
0x17a: {  	_ =	swait.ge [sflag:s19], $0x4000  }
0x17b: {  	[sflag:s19] =	ssyncset.done $0x0  }
0x17c: {  	[sflag:s19] =	ssyncadd.s32 $0xFFFFC000  }
0x17d: {  	_ =	swait.ge [sflag:s20], $0x4000  }
0x17e: {  	[sflag:s20] =	ssyncset.done $0x0  }
0x17f: {  	s21 =	rddreg [dreg:$0x7];
	[sflag:s20] =	ssyncadd.s32 $0xFFFFC000  }
0x180: {  	[tilespmem:s13], [sflag:$0x1] =	stream.indirect.gather [hbm4b:s4+s16], $0x80, s21, s16, $0xb8;
	[tilespmem:$0x1D000] =	vst v63  }
0x181: {  	s24 =	rddreg [dreg:$0x8]  }
0x182: {  	[tilespmem:s17], [sflag:$0x2] =	stream.indirect.gather [hbm4b:s4+s16], $0x80, s24, s16, $0xb8;
	[tilespmem:$0x1D000] =	vst v63  }
0x183: {  	_ =	swait.ge [sflag:s14], $0x4000  }
0x184: {  	[sflag:s14] =	ssyncset.done $0x0  }
0x185: {  	s21 =	rddreg [dreg:$0x9];
	[sflag:s14] =	ssyncadd.s32 $0xFFFFC000  }
0x186: {  	[spmem:s2] =	stream.indirect.scatter.add.f32 [tilespmem:s13], [sflag:$0x3], $0x80, s21, s16, $0xb8;
	[tilespmem:$0x1D000] =	vst v63  }
0x187: {  	_ =	swait.ge [sflag:s18], $0x4000  }
0x188: {  	[sflag:s18] =	ssyncset.done $0x0  }
0x189: {  	s24 =	rddreg [dreg:$0xa];
	[sflag:s18] =	ssyncadd.s32 $0xFFFFC000  }
0x18a: {  	[spmem:s2] =	stream.indirect.scatter.add.f32 [tilespmem:s17], [sflag:$0x4], $0x80, s24, s16, $0xb8;
	[tilespmem:$0x1D000] =	vst v63  }
0x18b: {  	_ =	swait.ge [sflag:s19], $0x4000  }
0x18c: {  	[sflag:s19] =	ssyncset.done $0x0  }
0x18d: {  	[sflag:s19] =	ssyncadd.s32 $0xFFFFC000  }
0x18e: {  	_ =	swait.ge [sflag:s20], $0x4000  }
0x18f: {  	[sflag:s20] =	ssyncset.done $0x0  }
0x190: {  	s11 =	rddreg [dreg:$0xb];
	[sflag:s20] =	ssyncadd.s32 $0xFFFFC000  }
0x191: {  	[tilespmem:s13], [sflag:$0x1] =	stream.indirect.gather [hbm4b:s4+s16], $0x80, s11, s16, $0xb8;
	[tilespmem:$0x1D000] =	vst v63  }
0x192: {  	s21 =	rddreg [dreg:$0xc]  }
0x193: {  	[tilespmem:s17], [sflag:$0x2] =	stream.indirect.gather [hbm4b:s4+s16], $0x80, s21, s16, $0xb8;
	[tilespmem:$0x1D000] =	vst v63  }
0x194: {  	_ =	swait.ge [sflag:s14], $0x4000  }
0x195: {  	[sflag:s14] =	ssyncset.done $0x0  }
0x196: {  	s24 =	rddreg [dreg:$0xd];
	[sflag:s14] =	ssyncadd.s32 $0xFFFFC000  }
0x197: {  	[spmem:s2] =	stream.indirect.scatter.add.f32 [tilespmem:s13], [sflag:$0x3], $0x80, s24, s16, $0xb8;
	[tilespmem:$0x1D000] =	vst v63  }
0x198: {  	_ =	swait.ge [sflag:s18], $0x4000  }
0x199: {  	[sflag:s18] =	ssyncset.done $0x0  }
0x19a: {  	s11 =	rddreg [dreg:$0xe];
	[sflag:s18] =	ssyncadd.s32 $0xFFFFC000  }
0x19b: {  	[spmem:s2] =	stream.indirect.scatter.add.f32 [tilespmem:s17], [sflag:$0x4], $0x80, s11, s16, $0xb8;
	[tilespmem:$0x1D000] =	vst v63  }
0x19c: {  	_ =	swait.ge [sflag:s19], $0x4000  }
0x19d: {  	[sflag:s19] =	ssyncset.done $0x0  }
0x19e: {  	[sflag:s19] =	ssyncadd.s32 $0xFFFFC000  }
0x19f: {  	_ =	swait.ge [sflag:s20], $0x4000  }
0x1a0: {  	[sflag:s20] =	ssyncset.done $0x0  }
0x1a1: {  	s21 =	rddreg [dreg:$0xf];
	[sflag:s20] =	ssyncadd.s32 $0xFFFFC000  }
0x1a2: {  	[tilespmem:s13], [sflag:$0x1] =	stream.indirect.gather [hbm4b:s4+s16], $0x80, s21, s16, $0xb8;
	[tilespmem:$0x1D000] =	vst v63  }
0x1a3: {  	s24 =	rddreg [dreg:$0x10]  }
0x1a4: {  	[tilespmem:s17], [sflag:$0x2] =	stream.indirect.gather [hbm4b:s4+s16], $0x80, s24, s16, $0xb8;
	[tilespmem:$0x1D000] =	vst v63  }
0x1a5: {  	_ =	swait.ge [sflag:s14], $0x4000  }
0x1a6: {  	[sflag:s14] =	ssyncset.done $0x0  }
0x1a7: {  	s21 =	rddreg [dreg:$0x11];
	[sflag:s14] =	ssyncadd.s32 $0xFFFFC000  }
0x1a8: {  	[spmem:s2] =	stream.indirect.scatter.add.f32 [tilespmem:s13], [sflag:$0x3], $0x80, s21, s16, $0xb8;
	[tilespmem:$0x1D000] =	vst v63  }
0x1a9: {  	_ =	swait.ge [sflag:s18], $0x4000  }
0x1aa: {  	[sflag:s18] =	ssyncset.done $0x0  }
0x1ab: {  	s24 =	rddreg [dreg:$0x12];
	[sflag:s18] =	ssyncadd.s32 $0xFFFFC000  }
0x1ac: {  	[spmem:s2] =	stream.indirect.scatter.add.f32 [tilespmem:s17], [sflag:$0x4], $0x80, s24, s16, $0xb8;
	[tilespmem:$0x1D000] =	vst v63  }
0x1ad: {  	_ =	swait.ge [sflag:s19], $0x4000  }
0x1ae: {  	[sflag:s19] =	ssyncset.done $0x0  }
0x1af: {  	[sflag:s19] =	ssyncadd.s32 $0xFFFFC000  }
0x1b0: {  	_ =	swait.ge [sflag:s20], $0x4000  }
0x1b1: {  	[sflag:s20] =	ssyncset.done $0x0  }
0x1b2: {  	s11 =	rddreg [dreg:$0x13];
	[sflag:s20] =	ssyncadd.s32 $0xFFFFC000  }
0x1b3: {  	[tilespmem:s13], [sflag:$0x1] =	stream.indirect.gather [hbm4b:s4+s16], $0x80, s11, s16, $0xb8;
	[tilespmem:$0x1D000] =	vst v63  }
0x1b4: {  	_ = 	snop  }
0x1b5: {  	[tilespmem:s17], [sflag:$0x2] =	stream.indirect.gather [hbm4b:s4+s16], $0x80, s22, s16, $0xb8;
	[tilespmem:$0x1D000] =	vst v63  }
0x1b6: {  	_ =	swait.ge [sflag:s14], $0x4000  }
0x1b7: {  	[sflag:s14] =	ssyncset.done $0x0  }
0x1b8: {  	[sflag:s14] =	ssyncadd.s32 $0xFFFFC000  }
0x1b9: {  	[spmem:s2] =	stream.indirect.scatter.add.f32 [tilespmem:s13], [sflag:$0x3], $0x80, s23, s16, $0xb8;
	[tilespmem:$0x1D000] =	vst v63  }
0x1ba: {  	_ =	swait.ge [sflag:s18], $0x4000  }
0x1bb: {  	[sflag:s18] =	ssyncset.done $0x0  }
0x1bc: {  	[sflag:s18] =	ssyncadd.s32 $0xFFFFC000  }
0x1bd: {  	[spmem:s2] =	stream.indirect.scatter.add.f32 [tilespmem:s17], [sflag:$0x4], $0x80, s25, s16, $0xb8;
	[tilespmem:$0x1D000] =	vst v63  }
0x1be: {  	_ =	swait.ge [sflag:s19], $0x4000  }
0x1bf: {  	[sflag:s19] =	ssyncset.done $0x0  }
0x1c0: {  	[sflag:s19] =	ssyncadd.s32 $0xFFFFC000  }
0x1c1: {  	_ =	swait.ge [sflag:s20], $0x4000  }
0x1c2: {  	[sflag:s20] =	ssyncset.done $0x0  }
0x1c3: {  	[sflag:s20] =	ssyncadd.s32 $0xFFFFC000  }
0x1c4: {  	[tilespmem:s13], [sflag:$0x1] =	stream.indirect.gather [hbm4b:s4+s16], $0x80, s26, s16, $0xb8;
	[tilespmem:$0x1D000] =	vst v63  }
0x1c5: {  	_ = 	snop  }
0x1c6: {  	[tilespmem:s17], [sflag:$0x2] =	stream.indirect.gather [hbm4b:s4+s16], $0x80, s28, s16, $0xb8;
	[tilespmem:$0x1D000] =	vst v63  }
0x1c7: {  	_ =	swait.ge [sflag:s14], $0x4000  }
0x1c8: {  	[sflag:s14] =	ssyncset.done $0x0  }
0x1c9: {  	[sflag:s14] =	ssyncadd.s32 $0xFFFFC000  }
0x1ca: {  	[spmem:s2] =	stream.indirect.scatter.add.f32 [tilespmem:s13], [sflag:$0x3], $0x80, s29, s16, $0xb8;
	[tilespmem:$0x1D000] =	vst v63  }
0x1cb: {  	_ =	swait.ge [sflag:s18], $0x4000  }
0x1cc: {  	[sflag:s18] =	ssyncset.done $0x0  }
0x1cd: {  	[sflag:s18] =	ssyncadd.s32 $0xFFFFC000  }
0x1ce: {  	[spmem:s2] =	stream.indirect.scatter.add.f32 [tilespmem:s17], [sflag:$0x4], $0x80, s30, s16, $0xb8;
	[tilespmem:$0x1D000] =	vst v63  }
0x1cf: {  	_ =	swait.ge [sflag:s19], $0x4000  }
0x1d0: {  	[sflag:s19] =	ssyncset.done $0x0  }
0x1d1: {  	[sflag:s19] =	ssyncadd.s32 $0xFFFFC000  }
0x1d2: {  	_ =	swait.ge [sflag:s20], $0x4000  }
0x1d3: {  	[sflag:s20] =	ssyncset.done $0x0  }
0x1d4: {  	[sflag:s20] =	ssyncadd.s32 $0xFFFFC000  }
0x1d5: {  	[tilespmem:s13], [sflag:$0x1] =	stream.indirect.gather [hbm4b:s4+s16], $0x80, s31, s16, $0xb8;
	[tilespmem:$0x1D000] =	vst v63  }
0x1d6: {  	_ = 	snop  }
0x1d7: {  	[tilespmem:s17], [sflag:$0x2] =	stream.indirect.gather [hbm4b:s4+s16], $0x80, s0, s16, $0xb8;
	[tilespmem:$0x1D000] =	vst v63  }
0x1d8: {  	_ =	swait.ge [sflag:s14], $0x4000  }
0x1d9: {  	[sflag:s14] =	ssyncset.done $0x0  }
0x1da: {  	[sflag:s14] =	ssyncadd.s32 $0xFFFFC000  }
0x1db: {  	[spmem:s2] =	stream.indirect.scatter.add.f32 [tilespmem:s13], [sflag:$0x3], $0x80, s1, s16, $0xb8;
	[tilespmem:$0x1D000] =	vst v63  }
0x1dc: {  	_ =	swait.ge [sflag:s18], $0x4000  }
0x1dd: {  	[sflag:s18] =	ssyncset.done $0x0  }
0x1de: {  	[sflag:s18] =	ssyncadd.s32 $0xFFFFC000  }
0x1df: {  	[spmem:s2] =	stream.indirect.scatter.add.f32 [tilespmem:s17], [sflag:$0x4], $0x80, s7, s16, $0xb8;
	[tilespmem:$0x1D000] =	vst v63  }
0x1e0: {  	_ =	swait.ge [sflag:s19], $0x4000  }
0x1e1: {  	[sflag:s19] =	ssyncset.done $0x0  }
0x1e2: {  	[sflag:s19] =	ssyncadd.s32 $0xFFFFC000  }
0x1e3: {  	_ =	swait.ge [sflag:s20], $0x4000  }
0x1e4: {  	[sflag:s20] =	ssyncset.done $0x0  }
0x1e5: {  	[sflag:s20] =	ssyncadd.s32 $0xFFFFC000  }
0x1e6: {  	[tilespmem:s13], [sflag:$0x1] =	stream.indirect.gather [hbm4b:s4+s16], $0x80, s8, s16, $0xb8;
	[tilespmem:$0x1D000] =	vst v63  }
0x1e7: {  	_ = 	snop  }
0x1e8: {  	[tilespmem:s17], [sflag:$0x2] =	stream.indirect.gather [hbm4b:s4+s16], $0x80, s9, s16, $0xb8;
	[tilespmem:$0x1D000] =	vst v63  }
0x1e9: {  	_ =	swait.ge [sflag:s14], $0x4000  }
0x1ea: {  	[sflag:s14] =	ssyncset.done $0x0  }
0x1eb: {  	[sflag:s14] =	ssyncadd.s32 $0xFFFFC000  }
0x1ec: {  	[spmem:s2] =	stream.indirect.scatter.add.f32 [tilespmem:s13], [sflag:$0x3], $0x80, s10, s16, $0xb8;
	[tilespmem:$0x1D000] =	vst v63  }
0x1ed: {  	_ =	swait.ge [sflag:s18], $0x4000  }
0x1ee: {  	[sflag:s18] =	ssyncset.done $0x0  }
0x1ef: {  	s21 =	simm.s32 $0xF80;
	[sflag:s18] =	ssyncadd.s32 $0xFFFFC000  }
0x1f0: {  	[spmem:s2] =	stream.indirect.scatter.add.f32 [tilespmem:s17], [sflag:$0x4], $0x80, s21, s16, $0xb8;
	[tilespmem:$0x1D000] =	vst v63  }
0x1f1: {  	_ =	swait.ge [sflag:s19], $0x4000  }
0x1f2: {  	[sflag:s19] =	ssyncset.done $0x0  }
0x1f3: {  	[sflag:s19] =	ssyncadd.s32 $0xFFFFC000  }
0x1f4: {  	_ =	swait.ge [sflag:s20], $0x4000  }
0x1f5: {  	[sflag:s20] =	ssyncset.done $0x0  }
0x1f6: {  	[sflag:s20] =	ssyncadd.s32 $0xFFFFC000  }
0x1f7: {  	s22 =	stileid.u32;
	[bflag:$0x0] =	sbarrier.arrive $0xFFFF  }
0x1f8: {  	s6 =	sshll.u32 s22, $0x6;
	s21 =	rddreg [dreg:$0x14]  }
0x1f9: {  	s6 =	sor.u32 $0x1C05, s6;
	s24 =	rddreg [dreg:$0x1a];
	s23 =	sshrl.u32 s21, $0x3  }
0x1fa: {  	[hbm:s24], [sflag:s6] =	dma.local [spmem:s23], $0x2800  }
0x1fb: {  	_ =	swait.ge [sflag:s12], $0x2800  }
0x1fc: {  	s25 =	rddreg [dreg:$0x1b]  }
0x1fd: {  	s22 =	simm.s32 $0x480;
	s26 =	rddreg [dreg:$0x19];
	s11 =	sadd.s32 $0x1, s25  }
0x1fe: {  	s28 =	simm.s32 $0xD00;
	s29 =	simm.s32 $0xD80;
	p0 =	sne.s32 s11, s26  }
.Ltmp2:
0x1ff: {  	s30 =	simm.s32 $0x600;
	s31 =	simm.s32 $0xF80;
	(pc) =	sbr.rel @p0 .LBB2_1-.Ltmp2, $4  }
0x200: {  	s0 =	simm.s32 $0x680;
	s1 =	simm.s32 $0xE00;
	s7 =	simm.s32 $0xE80  }
0x201: {  	s8 =	simm.s32 $0x700;
	s9 =	simm.s32 $0x780;
	s10 =	simm.s32 $0xF00  }
0x202: {  	s23 =	simm.s32 $0xC00;
	s24 =	simm.s32 $0xC80;
	[sflag:s12] =	ssyncset.done $0x0  }
0x203: {  	[sflag:s12] =	ssyncadd.s32 $0xFFFFD800;
	s25 =	simm.s32 $0x500;
	s26 =	simm.s32 $0x580  }
0x204: {  	_ =	sfence.sel $0x180000  }
0x205: {  	[bflag:$0x0] =	sbarrier.arrive $0xFFFF  }
0x206: {  	_ =	strace $0x9000004D  }
0x207: {  	s0 =	stileid.u32;
	[bflag:$0x2] =	sbarrier.arrive $0xFFFF  }
0x208: {  	p0 =	sne.s32 s0, $0x0;
	s0 =	rddreg [dreg:$0x3]  }
0x209: {  	s0 =	sadd.s32 @!p0 $0x100000, s0  }
0x20a: {  	[sflag:s0] =	ssyncadd.tile.s32 @!p0 $0x1;
	_ =	shalt  }
.Lfunc_end2:
_tile_overlayer_lowered:
.L_overlay_start_2:
0x20b: {  	(tag) =	ssettag $0x2  }
0x20c: {  	s0 =	rddreg [dreg:$0x0];
	s2 =	stileid.u32  }
0x20d: {  	s1 =	rddreg [dreg:$0x1];
	p0 =	sne.s32 s2, $0x0  }
0x20e: {  	s3 =	rddreg [dreg:$0x2];
	[bflag:$0x3] =	sbarrier.arrive $0xFFFF;
	s2 =	simm.s32 @!p0 $0x1C05  }
0x20f: {  	[timem:s3], [sflag:s2] =	dma.local @!p0 [hbm:s0], s1  }
0x210: {  	s0 =	simm.s32 @!p0 $0x5  }
0x211: {  	_ =	swait.ge @!p0 [sflag:s0], s1  }
0x212: {  	s1 =	ssub.s32 @!p0 $0x0, s1;
	[sflag:s0] =	ssyncset.done @!p0 $0x0  }
0x213: {  	[sflag:s0] =	ssyncadd.s32 @!p0 s1  }
0x214: {  	[bflag:$0x3] =	sbarrier.arrive $0xFFFF  }
0x215: {  	_ =	shalt  }

// kernel: kernel.8.cloned.1.call-start
scs
__scs_entry_jumppad:
0x0: {  	(pc) =	sbr.rel $0x88, $3  }
0x1: {  	(tag) =	ssettag $0x0;
	lr =	simm.s32 $0x1  }
0x2: {  	[smem:$0x3F9B] =	sst lr;
	_ =	strace $0xD0000000  }
0x3: {  	_ = 	snop  }
0x4: {  	_ = 	snop  }
0x5: {  	_ = 	snop  }
0x6: {  	_ = 	snop  }
0x7: {  	_ = 	snop  }
__scs_overlays_trampoline_lowered:
0x8: {  	[smem:$0x3FAA] =	sst s0  }
0x9: {  	[smem:$0x3FAB] =	sst s1  }
0xa: {  	[smem:$0x3FAC] =	sst s2  }
0xb: {  	[smem:$0x3FAD] =	sst s3  }
0xc: {  	[smem:$0x3FAE] =	sst s4  }
0xd: {  	[smem:$0x3FAF] =	sst s5  }
0xe: {  	[smem:$0x3FB0] =	sst s6  }
0xf: {  	[smem:$0x3FB1] =	sst s7  }
0x10: {  	[smem:$0x3FB2] =	sst s8  }
0x11: {  	[smem:$0x3FB3] =	sst s9;
	s0 =	simm.s32 @!p0 $0x0  }
0x12: {  	s1 =	sld [smem:$0x3F99];
	s0 =	simm.s32 @p0 $0x1  }
0x13: {  	[smem:$0x3FB4] =	sst s0;
	s0 =	simm.s32 @!p1 $0x0  }
0x14: {  	s2 =	sld [smem:$0x3F98];
	s0 =	simm.s32 @p1 $0x1  }
0x15: {  	[smem:$0x3FB5] =	sst s0;
	s0 =	simm.s32 @!p2 $0x0  }
0x16: {  	s3 =	sld [smem:$0x3FDB];
	s0 =	simm.s32 @p2 $0x1  }
0x17: {  	s4 =	simm.s32 $0x1BF5;
	[smem:$0x3FB7] =	sst s0  }
0x18: {  	s0 =	sld [smem:$0x3F9A];
	_ =	swait.ge [sflag:s4], $0x0  }
0x19: {  	s7 =	sld [smem:$0x3F9B]  }
0x1a: {  	s8 =	sadd.s32 $0xFFFFE003, lr  }
0x1b: {  	s9 =	sadd.s32 $0xFFFFFEF7, lr;
	s5 =	simm.s32 $0xFFFFFFFF;
	p2 =	slt.u32 s8, $0xFFFFF086  }
0x1c: {  	p1 =	slt.u32 s9, $0xF7A;
	s5 =	simm.s32 @!p2 $0x0  }
0x1d: {  	s5 =	simm.s32 @p1 $0x1;
	p0 =	seq.s32 s7, s2  }
0x1e: {  	s7 =	smul.u32 @!p0 $0xF7A, s2;
	p2 =	seq.s32 @!p0 s5, $0x0  }
0x1f: {  	s9 =	smul.u32 $0xF7A, s1;
	s8 =	simm.s32 @!p0 $0x1BF5;
	p2 =	por !p2, p0  }
0x20: {  	[sflag:s8] =	ssyncset.s32 @!p0 $0xFFFFF086;
	s6 =	sadd.s32 @!p0 s3, s7;
	s7 =	simm.s32 @!p0 $0x108  }
0x21: {  	s3 =	sadd.s32 s3, s9;
	s6 =	sadd.s32 @!p0 $0x88, s6;
	s7 =	simm.s32 @p2 $0x1082  }
0x22: {  	[simem:s7], [sflag:s8] =	dma.local @!p0 [hbm:s6], $0xF7A  }
0x23: {  	s9 =	sor.u32 $0xD0000000, s2;
	s6 =	simm.s32 $0x108;
	_ =	swait.ge @!p0 [sflag:s8], $0x0  }
0x24: {  	s3 =	sadd.s32 $0x88, s3;
	s6 =	simm.s32 @!p1 $0x1082;
	[sflag:s4] =	ssyncset.s32 $0xFFFFF086  }
0x25: {  	[simem:s6], [sflag:s4] =	dma.local [hbm:s3], $0xF7A  }
0x26: {  	[smem:$0x3F9B] =	sst s1;
	(tag) =	ssettag s2;
	_ =	strace s9  }
0x27: {  	s1 =	sld [smem:$0x3FAB]  }
0x28: {  	s2 =	sld [smem:$0x3FAC]  }
0x29: {  	s4 =	sld [smem:$0x3FAE]  }
0x2a: {  	p0 =	seq.s32 s5, $0x0;
	s5 =	sld [smem:$0x3FAF]  }
0x2b: {  	s6 =	sld [smem:$0x3FB0]  }
0x2c: {  	s7 =	sld [smem:$0x3FB1]  }
0x2d: {  	s3 =	simm.s32 $0x108;
	s8 =	sld [smem:$0x3FB2]  }
0x2e: {  	s3 =	simm.s32 @!p0 $0x1082;
	s9 =	sld [smem:$0x3FB3]  }
0x2f: {  	lr =	sadd.s32 s0, s3;
	s0 =	sld [smem:$0x3FAA]  }
0x30: {  	s3 =	sld [smem:$0x3FAD]  }
0x31: {  	[smem:$0x3FB6] =	sst s10  }
0x32: {  	s10 =	sld [smem:$0x3FB4];
	_ =	sdelay $0x3  }
0x33: {  	p0 =	seq.s32 s10, $0x1;
	s10 =	sld [smem:$0x3FB6];
	_ =	sdelay $0x3  }
0x34: {  	[smem:$0x3FB6] =	sst s10  }
0x35: {  	s10 =	sld [smem:$0x3FB5];
	_ =	sdelay $0x3  }
0x36: {  	p1 =	seq.s32 s10, $0x1;
	s10 =	sld [smem:$0x3FB6];
	_ =	sdelay $0x3  }
0x37: {  	[smem:$0x3FB6] =	sst s10  }
0x38: {  	s10 =	sld [smem:$0x3FB7]  }
0x39: {  	_ = 	snop;
	(pc) =	sbr.ind lr, $3  }
0x3a: {  	_ = 	snop  }
0x3b: {  	_ = 	snop  }
0x3c: {  	p2 =	seq.s32 s10, $0x1;
	s10 =	sld [smem:$0x3FB6]  }
0x3d: {  	_ =	shalt  }
0x3e: {  	_ =	shalt  }
0x3f: {  	_ =	shalt  }
0x40: {  	_ =	shalt  }
0x41: {  	_ =	shalt  }
0x42: {  	_ =	shalt  }
0x43: {  	_ =	shalt  }
0x44: {  	_ =	shalt  }
0x45: {  	_ =	shalt  }
0x46: {  	_ =	shalt  }
0x47: {  	_ =	shalt  }
0x48: {  	_ =	shalt  }
0x49: {  	_ =	shalt  }
0x4a: {  	_ =	shalt  }
0x4b: {  	_ =	shalt  }
0x4c: {  	_ =	shalt  }
0x4d: {  	_ =	shalt  }
0x4e: {  	_ =	shalt  }
0x4f: {  	_ =	shalt  }
0x50: {  	_ =	shalt  }
0x51: {  	_ =	shalt  }
0x52: {  	_ =	shalt  }
0x53: {  	_ =	shalt  }
0x54: {  	_ =	shalt  }
0x55: {  	_ =	shalt  }
0x56: {  	_ =	shalt  }
0x57: {  	_ =	shalt  }
0x58: {  	_ =	shalt  }
0x59: {  	_ =	shalt  }
0x5a: {  	_ =	shalt  }
0x5b: {  	_ =	shalt  }
0x5c: {  	_ =	shalt  }
0x5d: {  	_ =	shalt  }
0x5e: {  	_ =	shalt  }
0x5f: {  	_ =	shalt  }
0x60: {  	_ =	shalt  }
0x61: {  	_ =	shalt  }
0x62: {  	_ =	shalt  }
0x63: {  	_ =	shalt  }
0x64: {  	_ =	shalt  }
0x65: {  	_ =	shalt  }
0x66: {  	_ =	shalt  }
0x67: {  	_ =	shalt  }
0x68: {  	_ =	shalt  }
0x69: {  	_ =	shalt  }
0x6a: {  	_ =	shalt  }
0x6b: {  	_ =	shalt  }
0x6c: {  	_ =	shalt  }
0x6d: {  	_ =	shalt  }
0x6e: {  	_ =	shalt  }
0x6f: {  	_ =	shalt  }
0x70: {  	_ =	shalt  }
0x71: {  	_ =	shalt  }
0x72: {  	_ =	shalt  }
0x73: {  	_ =	shalt  }
0x74: {  	_ =	shalt  }
0x75: {  	_ =	shalt  }
0x76: {  	_ =	shalt  }
0x77: {  	_ =	shalt  }
0x78: {  	_ =	shalt  }
0x79: {  	_ =	shalt  }
0x7a: {  	_ =	shalt  }
0x7b: {  	_ =	shalt  }
0x7c: {  	_ =	shalt  }
0x7d: {  	_ =	shalt  }
0x7e: {  	_ =	shalt  }
0x7f: {  	_ =	shalt  }
0x80: {  	_ =	shalt  }
0x81: {  	_ =	shalt  }
0x82: {  	_ =	shalt  }
0x83: {  	_ =	shalt  }
0x84: {  	_ =	shalt  }
0x85: {  	_ =	shalt  }
0x86: {  	_ =	shalt  }
0x87: {  	_ =	shalt  }
.Lfunc_end0:
.L_simem_size_0:
called_computation_lowered:
.L_overlay_start_0:
0x88: {  	s2 =	sld [smem:$0x3FD9]  }
0x89: {  	s3 =	sld [smem:$0x3FFE];
	_ =	sdelay $0x1  }
0x8a: {  	s1 =	srdreg.scid  }
0x8b: {  	s0 =	sand.u32 $0x1, s1  }
0x8c: {  	s17 =	sshll.u32 s0, $0xA;
	s2 =	sadd.s32 s3, s2  }
0x8d: {  	s2 =	sadd.s32 s2, s17  }
0x8e: {  	[smem:$0x3FC2] =	sst s2  }
0x8f: {  	_ = 	snop  }
0x90: {  	s2 =	sld [smem:$0x3FD0];
	(tm) =	ssettm $0x1  }
0x91: {  	s18 =	sld [smem:$0x3FFB];
	_ =	sdelay $0x3  }
0x92: {  	_ =	strace s18  }
0x93: {  	s3 =	sld [smem:$0x3FFC];
	_ =	sdelay $0x3  }
0x94: {  	_ =	strace s3  }
0x95: {  	s3 =	sld [smem:$0x3FFD];
	_ =	sdelay $0x3  }
0x96: {  	_ =	strace s3  }
0x97: {  	_ =	strace $0x8FFFFFFF  }
0x98: {  	s19 =	sld [smem:$0x3FDB];
	_ =	sdelay $0x1  }
0x99: {  	s4 =	simm.s32 $_scs_section_size  }
0x9a: {  	s5 =	simm.s32 $_size__tile_overlayer_lowered;
	s6 =	simm.s32 $_tile_overlayer_lowered  }
0x9b: {  	s22 =	simm.s32 $0x1BFF;
	s21 =	sshll.u32 s6, $0x1;
	s3 =	sadd.s32 s4, s19  }
0x9c: {  	s7 =	simm.s32 $0x0;
	s20 =	sshll.u32 s5, $0x1;
	s5 =	sadd.s32 s21, s3  }
0x9d: {  	[timem:s7], [sflag:s22] =	dma.local [hbm:s5], s20  }
0x9e: {  	_ =	swait.ge [sflag:s22], s20  }
0x9f: {  	s4 =	ssub.s32 $0x0, s20;
	[sflag:s22] =	ssyncset.done $0x0  }
0xa0: {  	[sflag:s22] =	ssyncadd.s32 s4;
	_ =	sdelay $0x1  }
0xa1: {  	s23 =	simm.s32 $0x1B8B  }
0xa2: {  	_ =	swait.ge [sflag:s23], $0x1  }
0xa3: {  	[sflag:s23] =	ssyncset.done $0x0  }
0xa4: {  	s25 =	simm.s32 $0x1B8E;
	s24 =	sld [smem:$0x3FFE];
	[sflag:s23] =	ssyncadd.s32 $0xFFFFFFFF  }
0xa5: {  	s26 =	simm.s32 $execute0_lowered;
	[smem:$0x3FD2] =	sst s25  }
0xa6: {  	s5 =	sshll.u32 s26, $0x1;
	_ =	strace $0x80000046;
	[dreg:$0x1] =	wrdreg $0xFFFFFFFF  }
0xa7: {  	s28 =	simm.s32 $_size_execute0_lowered;
	s3 =	sadd.s32 s3, s5;
	[dreg:$0x0] =	wrdreg $0x0  }
0xa8: {  	s5 =	sshll.u32 s28, $0x1;
	[dreg:$0x2] =	wrdreg s3  }
0xa9: {  	[dreg:$0x3] =	wrdreg s5  }
0xaa: {  	[dreg:$0x4] =	wrdreg $0xC0  }
0xab: {  	_ =	task [dreg:s7], $0x5FFFF  }
0xac: {  	[dreg:$0x1] =	wrdreg $0xFFFFFFFF  }
0xad: {  	[dreg:$0x0] =	wrdreg $0x60  }
0xae: {  	[dreg:$0x2] =	wrdreg s24  }
0xaf: {  	[dreg:$0x3] =	wrdreg s2  }
0xb0: {  	[dreg:$0x4] =	wrdreg $0x9  }
0xb1: {  	_ =	task.clear_ibuf [dreg:s7], $0x5FFFF;
	_ =	strace $0x90000046  }
0xb2: {  	s29 =	simm.s32 $0x9;
	_ =	strace $0x80000048  }
0xb3: {  	_ =	swait.ge [sflag:s29], $0x1  }
0xb4: {  	[sflag:s29] =	ssyncadd.s32 $0xFFFFFFFF  }
0xb5: {  	_ =	strace $0x90000048  }
0xb6: {  	_ =	sfence  }
0xb7: {  	s30 =	sld [smem:$0x0];
	_ =	sdelay $0x2  }
0xb8: {  	s31 =	sshll.u32 s1, $0xD;
	s1 =	sshrl.u32 s1, $0x2  }
0xb9: {  	s3 =	sand.u32 $0x4000, s31;
	s1 =	sadd.s32 s1, s30  }
0xba: {  	s0 =	sor.u32 s3, s0;
	s1 =	sshll.u32 s1, $0x11  }
0xbb: {  	s0 =	sor.u32 s1, s0  }
0xbc: {  	s0 =	sadd.s32 $0x8F2B, s0  }
0xbd: {  	[sflag:s0] =	ssyncadd.remote.s32 $0x1  }
0xbe: {  	_ =	sfence.sel $0xFFFF  }
0xbf: {  	[dreg:$0x0] =	wrdreg $0xFFFFFFFF;
	(pc) =	sbr.abs _section_cstart, $3  }
0xc0: {  	[dreg:$0x1] =	wrdreg $0xFFFFFFFF  }
0xc1: {  	_ =	task.clear_ibuf [dreg:s7], $0x2FFFF;
	_ =	strace $0x9FFFFFFF  }
0xc2: {  	(tm) =	ssettm $0x7FFFFFFF  }
0xc3: {  	_ =	shalt  }
tec
execute0_lowered:
.L_overlay_start_1:
0x0: {  	(tag) =	ssettag $0x1  }
0x1: {  	s0 =	srdreg.scid;
	s4 =	rddreg [dreg:$0x0]  }
0x2: {  	s5 =	rddreg [dreg:$0x1];
	s2 =	simm.s32 $0x0;
	s3 =	sand.u32 $0x1, s0  }
0x3: {  	s10 =	simm.s32 $0x5000;
	s0 =	stileid.u32;
	s1 =	sshll.u32 s3, $0x4  }
0x4: {  	s11 =	simm.s32 $0x7800;
	s12 =	simm.s32 $0x80;
	s6 =	sor.u32 s0, s1  }
0x5: {  	s13 =	simm.s32 $0x400;
	s14 =	simm.s32 $0x0;
	s7 =	sshrl.u32 s6, $0x3  }
0x6: {  	[smem:$0x7FF] =	sst s2;
	s8 =	sshll.u32 s0, $0x7;
	s7 =	smul.u32 $0x14000, s7  }
0x7: {  	s3 =	ssub.s32 $0x2, s3;
	s8 =	sand.u32 $0x380, s8;
	s6 =	smul.u32 $0x500, s6  }
0x8: {  	s1 =	rddreg [dreg:$0x2];
	_ =	strace $0x80000047;
	s7 =	sor.u32 s8, s7  }
0x9: {  	s31 =	sshrl.u32 s3, $0x1;
	s9 =	sadd.s32 s6, s4;
	s7 =	sshrl.u32 s7, $0x3  }
0xa: {  	s8 =	ssub.s32 s3, s31;
	s3 =	sadd.s32 $0x2600, s9;
	s7 =	sadd.s32 s7, s4  }
0xb: {  	s9 =	simm.s32 $0x2800;
	s4 =	sadd.s32 s5, s6;
	s5 =	sadd.s32 $0xC600, s7  }
0xc: {  	v0 =	vimm.f32 $0.0e+00;
	s6 =	sadd.s32 $0x16600, s7;
	s7 =	smax.u32 s8, $0x1;
	s8 =	simm.s32 $0x1  }
.LBB2_1:
0xd: {  	[tilespmem:s2], [sflag:$0x1] =	stream.linear.gather [hbm4b:s3+s2], $0x2800, $0x38;
	[tilespmem:$0xA000] =	vst v63  }
0xe: {  	_ =	swait.ge [sflag:s8], $0x2800  }
0xf: {  	[sflag:s8] =	ssyncset.done $0x0  }
0x10: {  	[sflag:s8] =	ssyncadd.s32 $0xFFFFD800  }
0x11: {  	[tilespmem:s9], [sflag:$0x1] =	stream.linear.gather [hbm4b:s4+s2], $0x2800, $0x38;
	[tilespmem:$0xA000] =	vst v63  }
0x12: {  	_ =	swait.ge [sflag:s8], $0x2800  }
0x13: {  	[sflag:s8] =	ssyncset.done $0x0  }
0x14: {  	s15 =	simm.s32 $0x0;
	[sflag:s8] =	ssyncadd.s32 $0xFFFFD800  }
.LBB2_2:
0x15: {  	p0 =	sne.s32 s15, $0x9FC0  }
.Ltmp0:
0x16: {  	_ = 	snop;
	(pc) =	sbr.rel @p0 .LBB2_2-.Ltmp0, $4  }
0x17: {  	_ = 	snop  }
0x18: {  	s16 =	sshra.s32 s15, $0x2  }
0x19: {  	[tilespmem:s16+$0x5000] =	vst v0  }
0x1a: {  	s15 =	sadd.s32 $0x40, s15;
	[tilespmem:s16+$0x7800] =	vst v0  }
0x1b: {  	s15 =	simm.s32 $0x0  }
.LBB2_4:
0x1c: {  	s16 =	sshra.s32 s15, $0x2  }
0x1d: {  	v1 =	vld [tilespmem:s16+$0x0];
	_ =	sdelay $0x4  }
0x1e: {  	(xrf1) =	vunique.msk.u32 $0xffff, v1;
	_ =	sdelay $0xd  }
0x1f: {  	_, v2, vm0 =	vpop (xrf1);
	_ =	sdelay $0x3  }
0x20: {  	v2 =	vcvt.s32.f32 v2;
	_ =	sdelay $0x1  }
0x21: {  	[tilespmem:v1+s10+$0x0] =	vst.idx.add.f32.msk vm0, v2  }
0x22: {  	v1 =	vld [tilespmem:s16+$0x2800];
	_ =	sdelay $0x4  }
0x23: {  	(xrf1) =	vunique.msk.u32 $0xffff, v1;
	_ =	sdelay $0xd  }
0x24: {  	_, v2, vm0 =	vpop (xrf1);
	_ =	sdelay $0x3  }
0x25: {  	v2 =	vcvt.s32.f32 v2;
	_ =	sdelay $0x1  }
0x26: {  	[tilespmem:v1+s11+$0x0] =	vst.idx.add.f32.msk vm0, v2  }
0x27: {  	v1 =	vld [tilespmem:s16+$0x10];
	_ =	sdelay $0x4  }
0x28: {  	(xrf1) =	vunique.msk.u32 $0xffff, v1;
	_ =	sdelay $0xd  }
0x29: {  	_, v2, vm0 =	vpop (xrf1);
	_ =	sdelay $0x3  }
0x2a: {  	v2 =	vcvt.s32.f32 v2;
	_ =	sdelay $0x1  }
0x2b: {  	[tilespmem:v1+s10+$0x0] =	vst.idx.add.f32.msk vm0, v2  }
0x2c: {  	v1 =	vld [tilespmem:s16+$0x2810];
	_ =	sdelay $0x4  }
0x2d: {  	(xrf1) =	vunique.msk.u32 $0xffff, v1;
	_ =	sdelay $0xd  }
0x2e: {  	_, v2, vm0 =	vpop (xrf1);
	_ =	sdelay $0x3  }
0x2f: {  	v2 =	vcvt.s32.f32 v2;
	_ =	sdelay $0x1  }
0x30: {  	[tilespmem:v1+s11+$0x0] =	vst.idx.add.f32.msk vm0, v2  }
0x31: {  	v1 =	vld [tilespmem:s16+$0x20];
	_ =	sdelay $0x4  }
0x32: {  	(xrf1) =	vunique.msk.u32 $0xffff, v1;
	_ =	sdelay $0xd  }
0x33: {  	_, v2, vm0 =	vpop (xrf1);
	_ =	sdelay $0x3  }
0x34: {  	v2 =	vcvt.s32.f32 v2;
	_ =	sdelay $0x1  }
0x35: {  	[tilespmem:v1+s10+$0x0] =	vst.idx.add.f32.msk vm0, v2  }
0x36: {  	v1 =	vld [tilespmem:s16+$0x2820];
	_ =	sdelay $0x4  }
0x37: {  	(xrf1) =	vunique.msk.u32 $0xffff, v1;
	_ =	sdelay $0xd  }
0x38: {  	_, v2, vm0 =	vpop (xrf1);
	_ =	sdelay $0x3  }
0x39: {  	v2 =	vcvt.s32.f32 v2;
	_ =	sdelay $0x1  }
0x3a: {  	[tilespmem:v1+s11+$0x0] =	vst.idx.add.f32.msk vm0, v2  }
0x3b: {  	v1 =	vld [tilespmem:s16+$0x30];
	_ =	sdelay $0x4  }
0x3c: {  	(xrf1) =	vunique.msk.u32 $0xffff, v1;
	_ =	sdelay $0xd  }
0x3d: {  	_, v2, vm0 =	vpop (xrf1);
	_ =	sdelay $0x3  }
0x3e: {  	v2 =	vcvt.s32.f32 v2;
	_ =	sdelay $0x1  }
0x3f: {  	[tilespmem:v1+s10+$0x0] =	vst.idx.add.f32.msk vm0, v2  }
0x40: {  	v1 =	vld [tilespmem:s16+$0x2830];
	_ =	sdelay $0x4  }
0x41: {  	(xrf1) =	vunique.msk.u32 $0xffff, v1;
	_ =	sdelay $0xd  }
0x42: {  	_, v2, vm0 =	vpop (xrf1);
	_ =	sdelay $0x3  }
0x43: {  	v2 =	vcvt.s32.f32 v2;
	_ =	sdelay $0x1  }
0x44: {  	[tilespmem:v1+s11+$0x0] =	vst.idx.add.f32.msk vm0, v2  }
0x45: {  	v1 =	vld [tilespmem:s16+$0x40];
	_ =	sdelay $0x4  }
0x46: {  	(xrf1) =	vunique.msk.u32 $0xffff, v1;
	_ =	sdelay $0xd  }
0x47: {  	_, v2, vm0 =	vpop (xrf1);
	_ =	sdelay $0x3  }
0x48: {  	v2 =	vcvt.s32.f32 v2;
	_ =	sdelay $0x1  }
0x49: {  	[tilespmem:v1+s10+$0x0] =	vst.idx.add.f32.msk vm0, v2  }
0x4a: {  	v1 =	vld [tilespmem:s16+$0x2840];
	_ =	sdelay $0x4  }
0x4b: {  	(xrf1) =	vunique.msk.u32 $0xffff, v1;
	_ =	sdelay $0xd  }
0x4c: {  	_, v2, vm0 =	vpop (xrf1);
	_ =	sdelay $0x3  }
0x4d: {  	v2 =	vcvt.s32.f32 v2;
	_ =	sdelay $0x1  }
0x4e: {  	[tilespmem:v1+s11+$0x0] =	vst.idx.add.f32.msk vm0, v2  }
0x4f: {  	v1 =	vld [tilespmem:s16+$0x50];
	_ =	sdelay $0x4  }
0x50: {  	(xrf1) =	vunique.msk.u32 $0xffff, v1;
	_ =	sdelay $0xd  }
0x51: {  	_, v2, vm0 =	vpop (xrf1);
	_ =	sdelay $0x3  }
0x52: {  	v2 =	vcvt.s32.f32 v2;
	_ =	sdelay $0x1  }
0x53: {  	[tilespmem:v1+s10+$0x0] =	vst.idx.add.f32.msk vm0, v2  }
0x54: {  	v1 =	vld [tilespmem:s16+$0x2850];
	_ =	sdelay $0x4  }
0x55: {  	(xrf1) =	vunique.msk.u32 $0xffff, v1;
	_ =	sdelay $0xd  }
0x56: {  	_, v2, vm0 =	vpop (xrf1);
	_ =	sdelay $0x3  }
0x57: {  	v2 =	vcvt.s32.f32 v2;
	_ =	sdelay $0x1  }
0x58: {  	[tilespmem:v1+s11+$0x0] =	vst.idx.add.f32.msk vm0, v2  }
0x59: {  	v1 =	vld [tilespmem:s16+$0x60];
	_ =	sdelay $0x4  }
0x5a: {  	(xrf1) =	vunique.msk.u32 $0xffff, v1;
	_ =	sdelay $0xd  }
0x5b: {  	_, v2, vm0 =	vpop (xrf1);
	_ =	sdelay $0x3  }
0x5c: {  	v2 =	vcvt.s32.f32 v2;
	_ =	sdelay $0x1  }
0x5d: {  	[tilespmem:v1+s10+$0x0] =	vst.idx.add.f32.msk vm0, v2  }
0x5e: {  	v1 =	vld [tilespmem:s16+$0x2860];
	_ =	sdelay $0x4  }
0x5f: {  	(xrf1) =	vunique.msk.u32 $0xffff, v1;
	_ =	sdelay $0xd  }
0x60: {  	_, v2, vm0 =	vpop (xrf1);
	_ =	sdelay $0x3  }
0x61: {  	v2 =	vcvt.s32.f32 v2;
	_ =	sdelay $0x1  }
0x62: {  	[tilespmem:v1+s11+$0x0] =	vst.idx.add.f32.msk vm0, v2  }
0x63: {  	v1 =	vld [tilespmem:s16+$0x70];
	_ =	sdelay $0x4  }
0x64: {  	(xrf1) =	vunique.msk.u32 $0xffff, v1;
	_ =	sdelay $0xd  }
0x65: {  	_, v2, vm0 =	vpop (xrf1);
	_ =	sdelay $0x3  }
0x66: {  	v2 =	vcvt.s32.f32 v2;
	_ =	sdelay $0x1  }
0x67: {  	[tilespmem:v1+s10+$0x0] =	vst.idx.add.f32.msk vm0, v2  }
0x68: {  	v1 =	vld [tilespmem:s16+$0x2870];
	_ =	sdelay $0x4  }
0x69: {  	(xrf1) =	vunique.msk.u32 $0xffff, v1;
	_ =	sdelay $0xd  }
0x6a: {  	_, v2, vm0 =	vpop (xrf1)  }
0x6b: {  	p0 =	sne.s32 s15, $0x9E00  }
.Ltmp1:
0x6c: {  	_ = 	snop;
	(pc) =	sbr.rel @p0 .LBB2_4-.Ltmp1, $3  }
0x6d: {  	_ = 	snop  }
0x6e: {  	v2 =	vcvt.s32.f32 v2;
	_ =	sdelay $0x1  }
0x6f: {  	s15 =	sadd.s32 $0x200, s15;
	[tilespmem:v1+s11+$0x0] =	vst.idx.add.f32.msk vm0, v2  }
0x70: {  	[hbm4b:s5+s12] =	stream.strided.scatter [tilespmem:s10], [sflag:$0x1], $0x2800, s13, s12, $0x38;
	[tilespmem:$0xA000] =	vst v63  }
0x71: {  	s14 =	sadd.s32 $0x1, s14;
	_ =	swait.ge [sflag:s8], $0x2800  }
0x72: {  	p0 =	sne.s32 s14, s7;
	[sflag:s8] =	ssyncset.done $0x0  }
.Ltmp2:
0x73: {  	[sflag:s8] =	ssyncadd.s32 $0xFFFFD800;
	(pc) =	sbr.rel @p0 .LBB2_1-.Ltmp2, $4  }
0x74: {  	[hbm4b:s6+s12] =	stream.strided.scatter [tilespmem:s11], [sflag:$0x1], $0x2800, s13, s12, $0x38;
	[tilespmem:$0xA000] =	vst v63  }
0x75: {  	_ =	swait.ge [sflag:s8], $0x2800  }
0x76: {  	[sflag:s8] =	ssyncset.done $0x0  }
0x77: {  	[sflag:s8] =	ssyncadd.s32 $0xFFFFD800  }
0x78: {  	_ =	sfence.sel $0x180000  }
0x79: {  	[bflag:$0x0] =	sbarrier.arrive $0xFFFF  }
0x7a: {  	p0 =	sne.s32 s0, $0x0;
	_ =	strace $0x90000047  }
0x7b: {  	s0 =	sadd.s32 @!p0 $0x100000, s1;
	[bflag:$0x2] =	sbarrier.arrive $0xFFFF  }
0x7c: {  	[sflag:s0] =	ssyncadd.tile.s32 @!p0 $0x1;
	_ =	shalt  }
.Lfunc_end2:
_tile_overlayer_lowered:
.L_overlay_start_2:
0x7d: {  	(tag) =	ssettag $0x2  }
0x7e: {  	s0 =	rddreg [dreg:$0x0];
	s2 =	stileid.u32  }
0x7f: {  	s1 =	rddreg [dreg:$0x1];
	p0 =	sne.s32 s2, $0x0  }
0x80: {  	s3 =	rddreg [dreg:$0x2];
	[bflag:$0x3] =	sbarrier.arrive $0xFFFF;
	s2 =	simm.s32 @!p0 $0x1C01  }
0x81: {  	[timem:s3], [sflag:s2] =	dma.local @!p0 [hbm:s0], s1  }
0x82: {  	s0 =	simm.s32 @!p0 $0x1  }
0x83: {  	_ =	swait.ge @!p0 [sflag:s0], s1  }
0x84: {  	s1 =	ssub.s32 @!p0 $0x0, s1;
	[sflag:s0] =	ssyncset.done @!p0 $0x0  }
0x85: {  	[sflag:s0] =	ssyncadd.s32 @!p0 s1  }
0x86: {  	[bflag:$0x3] =	sbarrier.arrive $0xFFFF  }
0x87: {  	_ =	shalt  }

</sc_bundles>
